<compile_context>
chip_gen: v7x
topology: tpu7x:2x2x1
jax: 0.10.2.dev20260603
libtpu: 0.0.44.dev20260713+nightly
codegen_flags: <defaults>
</compile_context>

<pallas_src>
import functools

import jax
import jax.numpy as jnp
from jax import lax
from jax.experimental import pallas as pl
from jax.experimental.pallas import tpu as pltpu
from jax.experimental.pallas import tpu_sc as plsc

N = 10000
E = 320000

NC = 2
NS = 16
NW = NC * NS
EPW = E // NW
K = 80
CH = -(-EPW // K)
EPW_PAD = CH * K
N_PAD = 10240
RPS = N_PAD // NS
ZR = 64



def _make_sc_agg(D):
    mesh = plsc.VectorSubcoreMesh(core_axis_name="c", subcore_axis_name="s")

    @functools.partial(
        pl.kernel,
        out_type=jax.ShapeDtypeStruct((NC, N_PAD, D), jnp.float32),
        mesh=mesh,
        scratch_types=[
            pltpu.VMEM((K,), jnp.int32),
            pltpu.VMEM((K,), jnp.int32),
            pltpu.VMEM((K,), jnp.int32),
            pltpu.VMEM((K,), jnp.int32),
            pltpu.VMEM((K, D), jnp.float32),
            pltpu.VMEM((K, D), jnp.float32),
            pltpu.VMEM((ZR, D), jnp.float32),
            pltpu.VMEM_SHARED((N_PAD, D), jnp.float32),
            pltpu.SemaphoreType.DMA,
            pltpu.SemaphoreType.DMA,
            pltpu.SemaphoreType.DMA,
            pltpu.SemaphoreType.DMA,
            pltpu.SemaphoreType.DMA,
        ],
    )
    def agg(src_hbm, dst_hbm, sup_hbm, out_hbm,
            sidx0, sidx1, didx0, didx1, rb0, rb1, zbuf, acc,
            semi0, semi1, semg0, semg1, semz):
        c = lax.axis_index("c")
        s = lax.axis_index("s")
        w = s * NC + c
        sidx = (sidx0, sidx1)
        didx = (didx0, didx1)
        rb = (rb0, rb1)
        semi = (semi0, semi1)
        semg = (semg0, semg1)

        def istart(i, p):
            pltpu.async_copy(src_hbm.at[w, i], sidx[p], semi[p])
            pltpu.async_copy(dst_hbm.at[w, i], didx[p], semi[p])

        def iwait(i, p):
            pltpu.make_async_copy(src_hbm.at[w, i], sidx[p], semi[p]).wait()
            pltpu.make_async_copy(dst_hbm.at[w, i], didx[p], semi[p]).wait()

        def gstart(p):
            pltpu.async_copy(sup_hbm.at[sidx[p]], rb[p], semg[p])

        def gwait(p):
            pltpu.make_async_copy(sup_hbm.at[sidx[p]], rb[p], semg[p]).wait()

        def scat(p):
            pltpu.sync_copy(rb[p], acc.at[didx[p]], add=True)

        istart(0, 0)
        istart(1, 1)

        zero16 = jnp.zeros((16,), jnp.float32)

        def zrow(r, carry):
            for q in range(D // 16):
                zbuf[r, pl.ds(q * 16, 16)] = zero16
            return carry

        lax.fori_loop(0, ZR, zrow, 0)
        iwait(0, 0)
        gstart(0)
        for t in range(RPS // ZR):
            pltpu.async_copy(zbuf, acc.at[pl.ds(s * RPS + t * ZR, ZR)], semz)
        for t in range(RPS // ZR):
            pltpu.make_async_copy(zbuf, acc.at[pl.ds(s * RPS + t * ZR, ZR)],
                                  semz).wait()
        plsc.subcore_barrier()


        def pair(j, carry):
            a = 2 * j
            iwait(a + 1, 1)
            gstart(1)
            gwait(0)
            scat(0)
            istart(a + 2, 0)
            iwait(a + 2, 0)
            gstart(0)
            gwait(1)
            scat(1)
            istart(a + 3, 1)
            return carry

        lax.fori_loop(0, (CH - 1) // 2, pair, 0)
        gwait(0)
        scat(0)
        iwait(CH, 1)

        plsc.subcore_barrier()
        pltpu.sync_copy(acc.at[pl.ds(s * RPS, RPS)],
                        out_hbm.at[c, pl.ds(s * RPS, RPS)])

    return agg


_agg_cache = {}


def _aggregate(support, src3, dst3):
    D = support.shape[1]
    if D not in _agg_cache:
        _agg_cache[D] = _make_sc_agg(D)
    return _agg_cache[D](src3, dst3, support)



def _mm_body(x_ref, w_ref, o_ref):
    o_ref[...] = jnp.dot(x_ref[...], w_ref[...],
                         preferred_element_type=jnp.float32)


def _matmul(x, w, block_rows=2000):
    n, k = x.shape
    ko, m = w.shape
    grid = (n // block_rows,)
    return pl.pallas_call(
        _mm_body,
        grid=grid,
        in_specs=[
            pl.BlockSpec((block_rows, k), lambda i: (i, 0)),
            pl.BlockSpec((ko, m), lambda i: (0, 0)),
        ],
        out_specs=pl.BlockSpec((block_rows, m), lambda i: (i, 0)),
        out_shape=jax.ShapeDtypeStruct((n, m), jnp.float32),
    )(x, w)


def _relu_mm_body(p_ref, b_ref, w_ref, o_ref):
    h = jnp.maximum(p_ref[0] + p_ref[1] + b_ref[...], 0.0)
    o_ref[...] = jnp.dot(h, w_ref[...], preferred_element_type=jnp.float32)


def _relu_matmul(p, b, w, block_rows=2000):
    _, _, k = p.shape
    n = N
    ko, m = w.shape
    b2 = b.reshape(1, k)
    grid = (n // block_rows,)
    return pl.pallas_call(
        _relu_mm_body,
        grid=grid,
        in_specs=[
            pl.BlockSpec((NC, block_rows, k), lambda i: (0, i, 0)),
            pl.BlockSpec((1, k), lambda i: (0, 0)),
            pl.BlockSpec((ko, m), lambda i: (0, 0)),
        ],
        out_specs=pl.BlockSpec((block_rows, m), lambda i: (i, 0)),
        out_shape=jax.ShapeDtypeStruct((n, m), jnp.float32),
    )(p, b2, w)


def _bias_body(p_ref, b_ref, o_ref):
    m = o_ref.shape[-1]
    o_ref[...] = (p_ref[0] + p_ref[1] + b_ref[...])[:, :m]


def _bias_add(p, b, m_out, block_rows=2000):
    _, _, m = p.shape
    n = N
    b2 = b.reshape(1, m)
    grid = (n // block_rows,)
    return pl.pallas_call(
        _bias_body,
        grid=grid,
        in_specs=[
            pl.BlockSpec((NC, block_rows, m), lambda i: (0, i, 0)),
            pl.BlockSpec((1, m), lambda i: (0, 0)),
        ],
        out_specs=pl.BlockSpec((block_rows, m_out), lambda i: (i, 0)),
        out_shape=jax.ShapeDtypeStruct((n, m_out), jnp.float32),
    )(p, b2)


def _dists_body(er_ref, ec_ref, o_ref):
    i = pl.program_id(0)
    j = pl.program_id(1)
    acc = lax.dot_general(er_ref[...], ec_ref[...],
                          (((1,), (1,)), ((), ())),
                          preferred_element_type=jnp.float32)

    @pl.when(i == j)
    def _():
        ri = lax.broadcasted_iota(jnp.int32, acc.shape, 0)
        ci = lax.broadcasted_iota(jnp.int32, acc.shape, 1)
        o_ref[...] = jnp.where(ri == ci, 0.0, acc)

    @pl.when(i != j)
    def _():
        o_ref[...] = acc


def _dists(embeds, block=1024):
    n, d = embeds.shape
    grid = (pl.cdiv(n, block), pl.cdiv(n, block))
    return pl.pallas_call(
        _dists_body,
        grid=grid,
        in_specs=[
            pl.BlockSpec((block, d), lambda i, j: (i, 0)),
            pl.BlockSpec((block, d), lambda i, j: (j, 0)),
        ],
        out_specs=pl.BlockSpec((block, block), lambda i, j: (i, j)),
        out_shape=jax.ShapeDtypeStruct((n, n), jnp.float32),
    )(embeds, embeds)


def kernel(x, edge_index, W1, b1, W2, b2, W3, b3):
    e2 = edge_index.reshape(2, NW, EPW)
    src_p = jnp.pad(e2[0], ((0, 0), (0, EPW_PAD - EPW)))
    pad_dst = jnp.broadcast_to(N + jnp.arange(NW, dtype=jnp.int32)[:, None],
                               (NW, EPW_PAD - EPW)) if EPW_PAD > EPW else None
    dst_p = (jnp.concatenate([e2[1], pad_dst], axis=1)
             if EPW_PAD > EPW else e2[1])
    pad = jnp.zeros((NW, 2, K), jnp.int32)
    src3 = jnp.concatenate([src_p.reshape(NW, CH, K), pad], axis=1)
    dst3 = jnp.concatenate([dst_p.reshape(NW, CH, K), pad], axis=1)

    W3p = jnp.pad(W3, ((0, 0), (0, 128 - W3.shape[1])))
    b3p = jnp.pad(b3, (0, 128 - b3.shape[0]))

    s1 = _matmul(x, W1)
    p1 = _aggregate(s1, src3, dst3)
    s2 = _relu_matmul(p1, b1, W2)
    p2 = _aggregate(s2, src3, dst3)
    s3 = _relu_matmul(p2, b2, W3p)
    p3 = _aggregate(s3, src3, dst3)
    embeds = _bias_add(p3, b3p, W3.shape[1])
    dists = _dists(embeds)
    return (embeds, dists)

# --- scband reference (transcript-rebuilt; emitter-appended) ---
"""Pipeline reference for scband-gcnlp-15393162789374 (READ-ONLY COPY).

The authoritative reference and input builder live on the scoring server;
editing this copy changes nothing except your own understanding.
"""

import jax, jax.numpy as jnp
import numpy as np

N = 10000
E = 320000
NFEAT = 128
NHID = 128
NOUT = 64


def setup_inputs(seed: int = 0) -> dict:
    key = jax.random.key(seed)
    ks = jax.random.split(key, 10)
    x = jax.random.normal(ks[0], (N, NFEAT), dtype=jnp.float32)
    edge_index = jax.random.randint(ks[1], (2, E), 0, N, dtype=jnp.int32)
    # GCN layer parameters (Kipf-style GraphConvolution: adj @ (x @ W) + b)
    W1 = jax.random.normal(ks[2], (NFEAT, NHID), dtype=jnp.float32) * (1.0 / np.sqrt(NFEAT))
    b1 = jnp.zeros((NHID,), dtype=jnp.float32)
    W2 = jax.random.normal(ks[3], (NHID, NHID), dtype=jnp.float32) * (1.0 / np.sqrt(NHID))
    b2 = jnp.zeros((NHID,), dtype=jnp.float32)
    W3 = jax.random.normal(ks[4], (NHID, NOUT), dtype=jnp.float32) * (1.0 / np.sqrt(NHID))
    b3 = jnp.zeros((NOUT,), dtype=jnp.float32)
    return {"x": x, "edge_index": edge_index, "W1": W1, "b1": b1, "W2": W2, "b2": b2, "W3": W3, "b3": b3}


def _gcn_layer(h, W, b, src, dst):
    support = h @ W
    agg = jax.ops.segment_sum(support[src], dst, num_segments=N)
    return agg + b


def reference(x, edge_index, W1, b1, W2, b2, W3, b3):
    src = edge_index[0]
    dst = edge_index[1]
    # GCNDeep with nlayers=3: start -> relu -> middle -> relu -> end
    # (dropout is identity in eval mode)
    h = jax.nn.relu(_gcn_layer(x, W1, b1, src, dst))
    h = jax.nn.relu(_gcn_layer(h, W2, b2, src, dst))
    embeds = _gcn_layer(h, W3, b3, src, dst)
    # demand-weighted pairwise distances with zeroed diagonal
    dists = embeds @ embeds.T
    idx = jnp.arange(N)
    dists = dists.at[idx, idx].set(0.0)
    # NOTE: the original module feeds dists into a CvxpyLayer LP solve
    # (k-center). A differentiable LP solver is outside jax primitives, so the
    # reference returns the LP inputs (embeds, dists), which contain all the
    # learned computation of the network.
    return (embeds, dists)

if __name__ == "__main__":
    import jax
    _d = setup_inputs()
    print(jax.jit(kernel)(*tuple(_d.values())))

</pallas_src>

<mosaic_0001>
#map = affine_map<(d0, d1) -> (0, 0, 0)>
#map1 = affine_map<(d0, d1) -> (0, 0)>
module attributes {stable_mosaic.version = 14 : i64} {
  func.func @agg(%arg0: i32, %arg1: i32, %arg2: memref<32x127x80xi32, #tpu.memory_space<hbm>>, %arg3: memref<32x127x80xi32, #tpu.memory_space<hbm>>, %arg4: memref<10000x128xf32, #tpu.memory_space<hbm>>, %arg5: memref<2x10240x128xf32, #tpu.memory_space<hbm>>, %arg6: memref<80xi32, #tpu.memory_space<vmem>>, %arg7: memref<80xi32, #tpu.memory_space<vmem>>, %arg8: memref<80xi32, #tpu.memory_space<vmem>>, %arg9: memref<80xi32, #tpu.memory_space<vmem>>, %arg10: memref<80x128xf32, #tpu.memory_space<vmem>>, %arg11: memref<80x128xf32, #tpu.memory_space<vmem>>, %arg12: memref<64x128xf32, #tpu.memory_space<vmem>>, %arg13: memref<10240x128xf32, #tpu.memory_space<vmem_shared>>, %arg14: memref<!tpu.dma_semaphore, #tpu.memory_space<semaphore_mem>>, %arg15: memref<!tpu.dma_semaphore, #tpu.memory_space<semaphore_mem>>, %arg16: memref<!tpu.dma_semaphore, #tpu.memory_space<semaphore_mem>>, %arg17: memref<!tpu.dma_semaphore, #tpu.memory_space<semaphore_mem>>, %arg18: memref<!tpu.dma_semaphore, #tpu.memory_space<semaphore_mem>>) attributes {dimension_semantics = [#tpu.dimension_semantics<core_parallel>, #tpu.dimension_semantics<subcore_parallel>], iteration_bounds = array<i64: 2, 16>, scalar_prefetch = 0 : i64, scratch_operands = 13 : i64, tpu.core_type = #tpu.core_type<sc_vector_subcore>, window_params = [{transform_indices = #map}, {transform_indices = #map}, {transform_indices = #map1}, {transform_indices = #map}]} {
    %mul3A = arith.constant 2 : i32
    %mul3A_0 = arith.muli %arg1, %mul3A : i32
    %add3A = arith.addi %mul3A_0, %arg0 : i32
    %dma_start3A = arith.constant 0 : i32
    %dma_start3A_1 = arith.constant 0 : i32
    %dma_start3A_2 = tpu.memref_slice %arg2[%add3A, %dma_start3A, %dma_start3A_1] : memref<32x127x80xi32, #tpu.memory_space<hbm>> -> memref<1x1x80xi32, #tpu.memory_space<hbm>>
    %dma_start3A_3 = tpu.memref_squeeze %dma_start3A_2 : memref<1x1x80xi32, #tpu.memory_space<hbm>> -> memref<80xi32, #tpu.memory_space<hbm>>
    %dma_start3A_4 = arith.constant 0 : i32
    %dma_start3A_5 = tpu.memref_slice %arg2[%add3A, %dma_start3A, %dma_start3A_4] : memref<32x127x80xi32, #tpu.memory_space<hbm>> -> memref<1x1x80xi32, #tpu.memory_space<hbm>>
    %dma_start3A_6 = tpu.memref_squeeze %dma_start3A_5 : memref<1x1x80xi32, #tpu.memory_space<hbm>> -> memref<80xi32, #tpu.memory_space<hbm>>
    tpu.enqueue_dma source(%dma_start3A_6 : memref<80xi32, #tpu.memory_space<hbm>>) target(%arg6 : memref<80xi32, #tpu.memory_space<vmem>>) target_semaphore(%arg14 : memref<!tpu.dma_semaphore, #tpu.memory_space<semaphore_mem>>)
    %dma_start3A_7 = arith.constant 0 : i32
    %dma_start3A_8 = arith.constant 0 : i32
    %dma_start3A_9 = tpu.memref_slice %arg3[%add3A, %dma_start3A_7, %dma_start3A_8] : memref<32x127x80xi32, #tpu.memory_space<hbm>> -> memref<1x1x80xi32, #tpu.memory_space<hbm>>
    %dma_start3A_10 = tpu.memref_squeeze %dma_start3A_9 : memref<1x1x80xi32, #tpu.memory_space<hbm>> -> memref<80xi32, #tpu.memory_space<hbm>>
    %dma_start3A_11 = arith.constant 0 : i32
    %dma_start3A_12 = tpu.memref_slice %arg3[%add3A, %dma_start3A_7, %dma_start3A_11] : memref<32x127x80xi32, #tpu.memory_space<hbm>> -> memref<1x1x80xi32, #tpu.memory_space<hbm>>
    %dma_start3A_13 = tpu.memref_squeeze %dma_start3A_12 : memref<1x1x80xi32, #tpu.memory_space<hbm>> -> memref<80xi32, #tpu.memory_space<hbm>>
    tpu.enqueue_dma source(%dma_start3A_13 : memref<80xi32, #tpu.memory_space<hbm>>) target(%arg8 : memref<80xi32, #tpu.memory_space<vmem>>) target_semaphore(%arg14 : memref<!tpu.dma_semaphore, #tpu.memory_space<semaphore_mem>>)
    %dma_start3A_14 = arith.constant 1 : i32
    %dma_start3A_15 = arith.constant 0 : i32
    %dma_start3A_16 = tpu.memref_slice %arg2[%add3A, %dma_start3A_14, %dma_start3A_15] : memref<32x127x80xi32, #tpu.memory_space<hbm>> -> memref<1x1x80xi32, #tpu.memory_space<hbm>>
    %dma_start3A_17 = tpu.memref_squeeze %dma_start3A_16 : memref<1x1x80xi32, #tpu.memory_space<hbm>> -> memref<80xi32, #tpu.memory_space<hbm>>
    %dma_start3A_18 = arith.constant 0 : i32
    %dma_start3A_19 = tpu.memref_slice %arg2[%add3A, %dma_start3A_14, %dma_start3A_18] : memref<32x127x80xi32, #tpu.memory_space<hbm>> -> memref<1x1x80xi32, #tpu.memory_space<hbm>>
    %dma_start3A_20 = tpu.memref_squeeze %dma_start3A_19 : memref<1x1x80xi32, #tpu.memory_space<hbm>> -> memref<80xi32, #tpu.memory_space<hbm>>
    tpu.enqueue_dma source(%dma_start3A_20 : memref<80xi32, #tpu.memory_space<hbm>>) target(%arg7 : memref<80xi32, #tpu.memory_space<vmem>>) target_semaphore(%arg15 : memref<!tpu.dma_semaphore, #tpu.memory_space<semaphore_mem>>)
    %dma_start3A_21 = arith.constant 1 : i32
    %dma_start3A_22 = arith.constant 0 : i32
    %dma_start3A_23 = tpu.memref_slice %arg3[%add3A, %dma_start3A_21, %dma_start3A_22] : memref<32x127x80xi32, #tpu.memory_space<hbm>> -> memref<1x1x80xi32, #tpu.memory_space<hbm>>
    %dma_start3A_24 = tpu.memref_squeeze %dma_start3A_23 : memref<1x1x80xi32, #tpu.memory_space<hbm>> -> memref<80xi32, #tpu.memory_space<hbm>>
    %dma_start3A_25 = arith.constant 0 : i32
    %dma_start3A_26 = tpu.memref_slice %arg3[%add3A, %dma_start3A_21, %dma_start3A_25] : memref<32x127x80xi32, #tpu.memory_space<hbm>> -> memref<1x1x80xi32, #tpu.memory_space<hbm>>
    %dma_start3A_27 = tpu.memref_squeeze %dma_start3A_26 : memref<1x1x80xi32, #tpu.memory_space<hbm>> -> memref<80xi32, #tpu.memory_space<hbm>>
    tpu.enqueue_dma source(%dma_start3A_27 : memref<80xi32, #tpu.memory_space<hbm>>) target(%arg9 : memref<80xi32, #tpu.memory_space<vmem>>) target_semaphore(%arg15 : memref<!tpu.dma_semaphore, #tpu.memory_space<semaphore_mem>>)
    %broadcast_in_dim3A = arith.constant 0.000000e+00 : f32
    %broadcast_in_dim3A_28 = vector.broadcast %broadcast_in_dim3A : f32 to vector<16xf32>
    %scan3A = arith.constant 0 : i32
    %scan3A_29 = arith.constant 0 : i32
    %scan3A_30 = arith.constant 64 : i32
    %scan3A_31 = arith.addi %scan3A_29, %scan3A_30 : i32
    %scan3A_32 = arith.constant 1 : i32
    scf.for %scan3A_238 = %scan3A_29 to %scan3A_31 step %scan3A_32  : i32 {
      %swap3A = arith.index_cast %scan3A_238 : i32 to index
      %swap3A_239 = arith.constant 0 : index
      %swap3A_240 = tpu.vector_load %arg12[%swap3A, %swap3A_239] {strides = array<i32>} : memref<64x128xf32, #tpu.memory_space<vmem>>, vector<1x16xf32>,
      %swap3A_241 = vector.shape_cast %swap3A_240 : vector<1x16xf32> to vector<16xf32>
      %swap3A_242 = vector.shape_cast %broadcast_in_dim3A_28 : vector<16xf32> to vector<1x16xf32>
      tpu.vector_store %arg12[%swap3A, %swap3A_239], %swap3A_242 {strides = array<i32>} : memref<64x128xf32, #tpu.memory_space<vmem>>, vector<1x16xf32>,
      %swap3A_243 = arith.index_cast %scan3A_238 : i32 to index
      %swap3A_244 = arith.constant 16 : index
      %swap3A_245 = tpu.vector_load %arg12[%swap3A_243, %swap3A_244] {strides = array<i32>} : memref<64x128xf32, #tpu.memory_space<vmem>>, vector<1x16xf32>,
      %swap3A_246 = vector.shape_cast %swap3A_245 : vector<1x16xf32> to vector<16xf32>
      %swap3A_247 = vector.shape_cast %broadcast_in_dim3A_28 : vector<16xf32> to vector<1x16xf32>
      tpu.vector_store %arg12[%swap3A_243, %swap3A_244], %swap3A_247 {strides = array<i32>} : memref<64x128xf32, #tpu.memory_space<vmem>>, vector<1x16xf32>,
      %swap3A_248 = arith.index_cast %scan3A_238 : i32 to index
      %swap3A_249 = arith.constant 32 : index
      %swap3A_250 = tpu.vector_load %arg12[%swap3A_248, %swap3A_249] {strides = array<i32>} : memref<64x128xf32, #tpu.memory_space<vmem>>, vector<1x16xf32>,
      %swap3A_251 = vector.shape_cast %swap3A_250 : vector<1x16xf32> to vector<16xf32>
      %swap3A_252 = vector.shape_cast %broadcast_in_dim3A_28 : vector<16xf32> to vector<1x16xf32>
      tpu.vector_store %arg12[%swap3A_248, %swap3A_249], %swap3A_252 {strides = array<i32>} : memref<64x128xf32, #tpu.memory_space<vmem>>, vector<1x16xf32>,
      %swap3A_253 = arith.index_cast %scan3A_238 : i32 to index
      %swap3A_254 = arith.constant 48 : index
      %swap3A_255 = tpu.vector_load %arg12[%swap3A_253, %swap3A_254] {strides = array<i32>} : memref<64x128xf32, #tpu.memory_space<vmem>>, vector<1x16xf32>,
      %swap3A_256 = vector.shape_cast %swap3A_255 : vector<1x16xf32> to vector<16xf32>
      %swap3A_257 = vector.shape_cast %broadcast_in_dim3A_28 : vector<16xf32> to vector<1x16xf32>
      tpu.vector_store %arg12[%swap3A_253, %swap3A_254], %swap3A_257 {strides = array<i32>} : memref<64x128xf32, #tpu.memory_space<vmem>>, vector<1x16xf32>,
      %swap3A_258 = arith.index_cast %scan3A_238 : i32 to index
      %swap3A_259 = arith.constant 64 : index
      %swap3A_260 = tpu.vector_load %arg12[%swap3A_258, %swap3A_259] {strides = array<i32>} : memref<64x128xf32, #tpu.memory_space<vmem>>, vector<1x16xf32>,
      %swap3A_261 = vector.shape_cast %swap3A_260 : vector<1x16xf32> to vector<16xf32>
      %swap3A_262 = vector.shape_cast %broadcast_in_dim3A_28 : vector<16xf32> to vector<1x16xf32>
      tpu.vector_store %arg12[%swap3A_258, %swap3A_259], %swap3A_262 {strides = array<i32>} : memref<64x128xf32, #tpu.memory_space<vmem>>, vector<1x16xf32>,
      %swap3A_263 = arith.index_cast %scan3A_238 : i32 to index
      %swap3A_264 = arith.constant 80 : index
      %swap3A_265 = tpu.vector_load %arg12[%swap3A_263, %swap3A_264] {strides = array<i32>} : memref<64x128xf32, #tpu.memory_space<vmem>>, vector<1x16xf32>,
      %swap3A_266 = vector.shape_cast %swap3A_265 : vector<1x16xf32> to vector<16xf32>
      %swap3A_267 = vector.shape_cast %broadcast_in_dim3A_28 : vector<16xf32> to vector<1x16xf32>
      tpu.vector_store %arg12[%swap3A_263, %swap3A_264], %swap3A_267 {strides = array<i32>} : memref<64x128xf32, #tpu.memory_space<vmem>>, vector<1x16xf32>,
      %swap3A_268 = arith.index_cast %scan3A_238 : i32 to index
      %swap3A_269 = arith.constant 96 : index
      %swap3A_270 = tpu.vector_load %arg12[%swap3A_268, %swap3A_269] {strides = array<i32>} : memref<64x128xf32, #tpu.memory_space<vmem>>, vector<1x16xf32>,
      %swap3A_271 = vector.shape_cast %swap3A_270 : vector<1x16xf32> to vector<16xf32>
      %swap3A_272 = vector.shape_cast %broadcast_in_dim3A_28 : vector<16xf32> to vector<1x16xf32>
      tpu.vector_store %arg12[%swap3A_268, %swap3A_269], %swap3A_272 {strides = array<i32>} : memref<64x128xf32, #tpu.memory_space<vmem>>, vector<1x16xf32>,
      %swap3A_273 = arith.index_cast %scan3A_238 : i32 to index
      %swap3A_274 = arith.constant 112 : index
      %swap3A_275 = tpu.vector_load %arg12[%swap3A_273, %swap3A_274] {strides = array<i32>} : memref<64x128xf32, #tpu.memory_space<vmem>>, vector<1x16xf32>,
      %swap3A_276 = vector.shape_cast %swap3A_275 : vector<1x16xf32> to vector<16xf32>
      %swap3A_277 = vector.shape_cast %broadcast_in_dim3A_28 : vector<16xf32> to vector<1x16xf32>
      tpu.vector_store %arg12[%swap3A_273, %swap3A_274], %swap3A_277 {strides = array<i32>} : memref<64x128xf32, #tpu.memory_space<vmem>>, vector<1x16xf32>,
    }
    %scan3A_33 = arith.constant 64 : i32
    %dma_wait3A = arith.constant 0 : i32
    %dma_wait3A_34 = arith.constant 0 : i32
    %dma_wait3A_35 = tpu.memref_slice %arg2[%add3A, %dma_wait3A, %dma_wait3A_34] : memref<32x127x80xi32, #tpu.memory_space<hbm>> -> memref<1x1x80xi32, #tpu.memory_space<hbm>>
    %dma_wait3A_36 = tpu.memref_squeeze %dma_wait3A_35 : memref<1x1x80xi32, #tpu.memory_space<hbm>> -> memref<80xi32, #tpu.memory_space<hbm>>
    %dma_wait3A_37 = arith.constant 0 : i32
    %dma_wait3A_38 = tpu.memref_slice %arg2[%add3A, %dma_wait3A, %dma_wait3A_37] : memref<32x127x80xi32, #tpu.memory_space<hbm>> -> memref<1x1x80xi32, #tpu.memory_space<hbm>>
    %dma_wait3A_39 = tpu.memref_squeeze %dma_wait3A_38 : memref<1x1x80xi32, #tpu.memory_space<hbm>> -> memref<80xi32, #tpu.memory_space<hbm>>
    tpu.wait_dma2 semaphore(%arg14 : memref<!tpu.dma_semaphore, #tpu.memory_space<semaphore_mem>>) src(%dma_wait3A_39 : memref<80xi32, #tpu.memory_space<hbm>>) dst(%arg6 : memref<80xi32, #tpu.memory_space<vmem>>)
    %dma_wait3A_40 = arith.constant 0 : i32
    %dma_wait3A_41 = arith.constant 0 : i32
    %dma_wait3A_42 = tpu.memref_slice %arg3[%add3A, %dma_wait3A_40, %dma_wait3A_41] : memref<32x127x80xi32, #tpu.memory_space<hbm>> -> memref<1x1x80xi32, #tpu.memory_space<hbm>>
    %dma_wait3A_43 = tpu.memref_squeeze %dma_wait3A_42 : memref<1x1x80xi32, #tpu.memory_space<hbm>> -> memref<80xi32, #tpu.memory_space<hbm>>
    %dma_wait3A_44 = arith.constant 0 : i32
    %dma_wait3A_45 = tpu.memref_slice %arg3[%add3A, %dma_wait3A_40, %dma_wait3A_44] : memref<32x127x80xi32, #tpu.memory_space<hbm>> -> memref<1x1x80xi32, #tpu.memory_space<hbm>>
    %dma_wait3A_46 = tpu.memref_squeeze %dma_wait3A_45 : memref<1x1x80xi32, #tpu.memory_space<hbm>> -> memref<80xi32, #tpu.memory_space<hbm>>
    tpu.wait_dma2 semaphore(%arg14 : memref<!tpu.dma_semaphore, #tpu.memory_space<semaphore_mem>>) src(%dma_wait3A_46 : memref<80xi32, #tpu.memory_space<hbm>>) dst(%arg8 : memref<80xi32, #tpu.memory_space<vmem>>)
    %dma_start3A_47 = arith.constant 0 : i32
    %dma_start3A_48 = arith.constant 0 : i32
    %dma_start3A_49 = tpu.memref_slice %arg4[%dma_start3A_47, %dma_start3A_48] : memref<10000x128xf32, #tpu.memory_space<hbm>> -> memref<10000x128xf32, #tpu.memory_space<hbm>>
    tpu.enqueue_indirect_dma source(%dma_start3A_49 : memref<10000x128xf32, #tpu.memory_space<hbm>>) target(%arg10 : memref<80x128xf32, #tpu.memory_space<vmem>>) offsets(%arg6 : memref<80xi32, #tpu.memory_space<vmem>>) semaphore(%arg16 : memref<!tpu.dma_semaphore, #tpu.memory_space<semaphore_mem>>)
    %mul3A_50 = arith.constant 640 : i32
    %mul3A_51 = arith.muli %arg1, %mul3A_50 : i32
    %add3A_52 = arith.constant 0 : i32
    %add3A_53 = arith.addi %mul3A_51, %add3A_52 : i32
    %dma_start3A_54 = arith.constant 0 : i32
    %dma_start3A_55 = tpu.memref_slice %arg13[%add3A_53, %dma_start3A_54] : memref<10240x128xf32, #tpu.memory_space<vmem_shared>> -> memref<64x128xf32, #tpu.memory_space<vmem_shared>>
    %dma_start3A_56 = arith.constant 0 : i32
    %dma_start3A_57 = tpu.memref_slice %arg13[%add3A_53, %dma_start3A_56] : memref<10240x128xf32, #tpu.memory_space<vmem_shared>> -> memref<64x128xf32, #tpu.memory_space<vmem_shared>>
    tpu.enqueue_dma source(%arg12 : memref<64x128xf32, #tpu.memory_space<vmem>>) target(%dma_start3A_57 : memref<64x128xf32, #tpu.memory_space<vmem_shared>>) target_semaphore(%arg18 : memref<!tpu.dma_semaphore, #tpu.memory_space<semaphore_mem>>)
    %mul3A_58 = arith.constant 640 : i32
    %mul3A_59 = arith.muli %arg1, %mul3A_58 : i32
    %add3A_60 = arith.constant 64 : i32
    %add3A_61 = arith.addi %mul3A_59, %add3A_60 : i32
    %dma_start3A_62 = arith.constant 0 : i32
    %dma_start3A_63 = tpu.memref_slice %arg13[%add3A_61, %dma_start3A_62] : memref<10240x128xf32, #tpu.memory_space<vmem_shared>> -> memref<64x128xf32, #tpu.memory_space<vmem_shared>>
    %dma_start3A_64 = arith.constant 0 : i32
    %dma_start3A_65 = tpu.memref_slice %arg13[%add3A_61, %dma_start3A_64] : memref<10240x128xf32, #tpu.memory_space<vmem_shared>> -> memref<64x128xf32, #tpu.memory_space<vmem_shared>>
    tpu.enqueue_dma source(%arg12 : memref<64x128xf32, #tpu.memory_space<vmem>>) target(%dma_start3A_65 : memref<64x128xf32, #tpu.memory_space<vmem_shared>>) target_semaphore(%arg18 : memref<!tpu.dma_semaphore, #tpu.memory_space<semaphore_mem>>)
    %mul3A_66 = arith.constant 640 : i32
    %mul3A_67 = arith.muli %arg1, %mul3A_66 : i32
    %add3A_68 = arith.constant 128 : i32
    %add3A_69 = arith.addi %mul3A_67, %add3A_68 : i32
    %dma_start3A_70 = arith.constant 0 : i32
    %dma_start3A_71 = tpu.memref_slice %arg13[%add3A_69, %dma_start3A_70] : memref<10240x128xf32, #tpu.memory_space<vmem_shared>> -> memref<64x128xf32, #tpu.memory_space<vmem_shared>>
    %dma_start3A_72 = arith.constant 0 : i32
    %dma_start3A_73 = tpu.memref_slice %arg13[%add3A_69, %dma_start3A_72] : memref<10240x128xf32, #tpu.memory_space<vmem_shared>> -> memref<64x128xf32, #tpu.memory_space<vmem_shared>>
    tpu.enqueue_dma source(%arg12 : memref<64x128xf32, #tpu.memory_space<vmem>>) target(%dma_start3A_73 : memref<64x128xf32, #tpu.memory_space<vmem_shared>>) target_semaphore(%arg18 : memref<!tpu.dma_semaphore, #tpu.memory_space<semaphore_mem>>)
    %mul3A_74 = arith.constant 640 : i32
    %mul3A_75 = arith.muli %arg1, %mul3A_74 : i32
    %add3A_76 = arith.constant 192 : i32
    %add3A_77 = arith.addi %mul3A_75, %add3A_76 : i32
    %dma_start3A_78 = arith.constant 0 : i32
    %dma_start3A_79 = tpu.memref_slice %arg13[%add3A_77, %dma_start3A_78] : memref<10240x128xf32, #tpu.memory_space<vmem_shared>> -> memref<64x128xf32, #tpu.memory_space<vmem_shared>>
    %dma_start3A_80 = arith.constant 0 : i32
    %dma_start3A_81 = tpu.memref_slice %arg13[%add3A_77, %dma_start3A_80] : memref<10240x128xf32, #tpu.memory_space<vmem_shared>> -> memref<64x128xf32, #tpu.memory_space<vmem_shared>>
    tpu.enqueue_dma source(%arg12 : memref<64x128xf32, #tpu.memory_space<vmem>>) target(%dma_start3A_81 : memref<64x128xf32, #tpu.memory_space<vmem_shared>>) target_semaphore(%arg18 : memref<!tpu.dma_semaphore, #tpu.memory_space<semaphore_mem>>)
    %mul3A_82 = arith.constant 640 : i32
    %mul3A_83 = arith.muli %arg1, %mul3A_82 : i32
    %add3A_84 = arith.constant 256 : i32
    %add3A_85 = arith.addi %mul3A_83, %add3A_84 : i32
    %dma_start3A_86 = arith.constant 0 : i32
    %dma_start3A_87 = tpu.memref_slice %arg13[%add3A_85, %dma_start3A_86] : memref<10240x128xf32, #tpu.memory_space<vmem_shared>> -> memref<64x128xf32, #tpu.memory_space<vmem_shared>>
    %dma_start3A_88 = arith.constant 0 : i32
    %dma_start3A_89 = tpu.memref_slice %arg13[%add3A_85, %dma_start3A_88] : memref<10240x128xf32, #tpu.memory_space<vmem_shared>> -> memref<64x128xf32, #tpu.memory_space<vmem_shared>>
    tpu.enqueue_dma source(%arg12 : memref<64x128xf32, #tpu.memory_space<vmem>>) target(%dma_start3A_89 : memref<64x128xf32, #tpu.memory_space<vmem_shared>>) target_semaphore(%arg18 : memref<!tpu.dma_semaphore, #tpu.memory_space<semaphore_mem>>)
    %mul3A_90 = arith.constant 640 : i32
    %mul3A_91 = arith.muli %arg1, %mul3A_90 : i32
    %add3A_92 = arith.constant 320 : i32
    %add3A_93 = arith.addi %mul3A_91, %add3A_92 : i32
    %dma_start3A_94 = arith.constant 0 : i32
    %dma_start3A_95 = tpu.memref_slice %arg13[%add3A_93, %dma_start3A_94] : memref<10240x128xf32, #tpu.memory_space<vmem_shared>> -> memref<64x128xf32, #tpu.memory_space<vmem_shared>>
    %dma_start3A_96 = arith.constant 0 : i32
    %dma_start3A_97 = tpu.memref_slice %arg13[%add3A_93, %dma_start3A_96] : memref<10240x128xf32, #tpu.memory_space<vmem_shared>> -> memref<64x128xf32, #tpu.memory_space<vmem_shared>>
    tpu.enqueue_dma source(%arg12 : memref<64x128xf32, #tpu.memory_space<vmem>>) target(%dma_start3A_97 : memref<64x128xf32, #tpu.memory_space<vmem_shared>>) target_semaphore(%arg18 : memref<!tpu.dma_semaphore, #tpu.memory_space<semaphore_mem>>)
    %mul3A_98 = arith.constant 640 : i32
    %mul3A_99 = arith.muli %arg1, %mul3A_98 : i32
    %add3A_100 = arith.constant 384 : i32
    %add3A_101 = arith.addi %mul3A_99, %add3A_100 : i32
    %dma_start3A_102 = arith.constant 0 : i32
    %dma_start3A_103 = tpu.memref_slice %arg13[%add3A_101, %dma_start3A_102] : memref<10240x128xf32, #tpu.memory_space<vmem_shared>> -> memref<64x128xf32, #tpu.memory_space<vmem_shared>>
    %dma_start3A_104 = arith.constant 0 : i32
    %dma_start3A_105 = tpu.memref_slice %arg13[%add3A_101, %dma_start3A_104] : memref<10240x128xf32, #tpu.memory_space<vmem_shared>> -> memref<64x128xf32, #tpu.memory_space<vmem_shared>>
    tpu.enqueue_dma source(%arg12 : memref<64x128xf32, #tpu.memory_space<vmem>>) target(%dma_start3A_105 : memref<64x128xf32, #tpu.memory_space<vmem_shared>>) target_semaphore(%arg18 : memref<!tpu.dma_semaphore, #tpu.memory_space<semaphore_mem>>)
    %mul3A_106 = arith.constant 640 : i32
    %mul3A_107 = arith.muli %arg1, %mul3A_106 : i32
    %add3A_108 = arith.constant 448 : i32
    %add3A_109 = arith.addi %mul3A_107, %add3A_108 : i32
    %dma_start3A_110 = arith.constant 0 : i32
    %dma_start3A_111 = tpu.memref_slice %arg13[%add3A_109, %dma_start3A_110] : memref<10240x128xf32, #tpu.memory_space<vmem_shared>> -> memref<64x128xf32, #tpu.memory_space<vmem_shared>>
    %dma_start3A_112 = arith.constant 0 : i32
    %dma_start3A_113 = tpu.memref_slice %arg13[%add3A_109, %dma_start3A_112] : memref<10240x128xf32, #tpu.memory_space<vmem_shared>> -> memref<64x128xf32, #tpu.memory_space<vmem_shared>>
    tpu.enqueue_dma source(%arg12 : memref<64x128xf32, #tpu.memory_space<vmem>>) target(%dma_start3A_113 : memref<64x128xf32, #tpu.memory_space<vmem_shared>>) target_semaphore(%arg18 : memref<!tpu.dma_semaphore, #tpu.memory_space<semaphore_mem>>)
    %mul3A_114 = arith.constant 640 : i32
    %mul3A_115 = arith.muli %arg1, %mul3A_114 : i32
    %add3A_116 = arith.constant 512 : i32
    %add3A_117 = arith.addi %mul3A_115, %add3A_116 : i32
    %dma_start3A_118 = arith.constant 0 : i32
    %dma_start3A_119 = tpu.memref_slice %arg13[%add3A_117, %dma_start3A_118] : memref<10240x128xf32, #tpu.memory_space<vmem_shared>> -> memref<64x128xf32, #tpu.memory_space<vmem_shared>>
    %dma_start3A_120 = arith.constant 0 : i32
    %dma_start3A_121 = tpu.memref_slice %arg13[%add3A_117, %dma_start3A_120] : memref<10240x128xf32, #tpu.memory_space<vmem_shared>> -> memref<64x128xf32, #tpu.memory_space<vmem_shared>>
    tpu.enqueue_dma source(%arg12 : memref<64x128xf32, #tpu.memory_space<vmem>>) target(%dma_start3A_121 : memref<64x128xf32, #tpu.memory_space<vmem_shared>>) target_semaphore(%arg18 : memref<!tpu.dma_semaphore, #tpu.memory_space<semaphore_mem>>)
    %mul3A_122 = arith.constant 640 : i32
    %mul3A_123 = arith.muli %arg1, %mul3A_122 : i32
    %add3A_124 = arith.constant 576 : i32
    %add3A_125 = arith.addi %mul3A_123, %add3A_124 : i32
    %dma_start3A_126 = arith.constant 0 : i32
    %dma_start3A_127 = tpu.memref_slice %arg13[%add3A_125, %dma_start3A_126] : memref<10240x128xf32, #tpu.memory_space<vmem_shared>> -> memref<64x128xf32, #tpu.memory_space<vmem_shared>>
    %dma_start3A_128 = arith.constant 0 : i32
    %dma_start3A_129 = tpu.memref_slice %arg13[%add3A_125, %dma_start3A_128] : memref<10240x128xf32, #tpu.memory_space<vmem_shared>> -> memref<64x128xf32, #tpu.memory_space<vmem_shared>>
    tpu.enqueue_dma source(%arg12 : memref<64x128xf32, #tpu.memory_space<vmem>>) target(%dma_start3A_129 : memref<64x128xf32, #tpu.memory_space<vmem_shared>>) target_semaphore(%arg18 : memref<!tpu.dma_semaphore, #tpu.memory_space<semaphore_mem>>)
    %mul3A_130 = arith.constant 640 : i32
    %mul3A_131 = arith.muli %arg1, %mul3A_130 : i32
    %add3A_132 = arith.constant 0 : i32
    %add3A_133 = arith.addi %mul3A_131, %add3A_132 : i32
    %dma_wait3A_134 = arith.constant 0 : i32
    %dma_wait3A_135 = tpu.memref_slice %arg13[%add3A_133, %dma_wait3A_134] : memref<10240x128xf32, #tpu.memory_space<vmem_shared>> -> memref<64x128xf32, #tpu.memory_space<vmem_shared>>
    %dma_wait3A_136 = arith.constant 0 : i32
    %dma_wait3A_137 = tpu.memref_slice %arg13[%add3A_133, %dma_wait3A_136] : memref<10240x128xf32, #tpu.memory_space<vmem_shared>> -> memref<64x128xf32, #tpu.memory_space<vmem_shared>>
    tpu.wait_dma2 semaphore(%arg18 : memref<!tpu.dma_semaphore, #tpu.memory_space<semaphore_mem>>) src(%arg12 : memref<64x128xf32, #tpu.memory_space<vmem>>) dst(%dma_wait3A_137 : memref<64x128xf32, #tpu.memory_space<vmem_shared>>)
    %mul3A_138 = arith.constant 640 : i32
    %mul3A_139 = arith.muli %arg1, %mul3A_138 : i32
    %add3A_140 = arith.constant 64 : i32
    %add3A_141 = arith.addi %mul3A_139, %add3A_140 : i32
    %dma_wait3A_142 = arith.constant 0 : i32
    %dma_wait3A_143 = tpu.memref_slice %arg13[%add3A_141, %dma_wait3A_142] : memref<10240x128xf32, #tpu.memory_space<vmem_shared>> -> memref<64x128xf32, #tpu.memory_space<vmem_shared>>
    %dma_wait3A_144 = arith.constant 0 : i32
    %dma_wait3A_145 = tpu.memref_slice %arg13[%add3A_141, %dma_wait3A_144] : memref<10240x128xf32, #tpu.memory_space<vmem_shared>> -> memref<64x128xf32, #tpu.memory_space<vmem_shared>>
    tpu.wait_dma2 semaphore(%arg18 : memref<!tpu.dma_semaphore, #tpu.memory_space<semaphore_mem>>) src(%arg12 : memref<64x128xf32, #tpu.memory_space<vmem>>) dst(%dma_wait3A_145 : memref<64x128xf32, #tpu.memory_space<vmem_shared>>)
    %mul3A_146 = arith.constant 640 : i32
    %mul3A_147 = arith.muli %arg1, %mul3A_146 : i32
    %add3A_148 = arith.constant 128 : i32
    %add3A_149 = arith.addi %mul3A_147, %add3A_148 : i32
    %dma_wait3A_150 = arith.constant 0 : i32
    %dma_wait3A_151 = tpu.memref_slice %arg13[%add3A_149, %dma_wait3A_150] : memref<10240x128xf32, #tpu.memory_space<vmem_shared>> -> memref<64x128xf32, #tpu.memory_space<vmem_shared>>
    %dma_wait3A_152 = arith.constant 0 : i32
    %dma_wait3A_153 = tpu.memref_slice %arg13[%add3A_149, %dma_wait3A_152] : memref<10240x128xf32, #tpu.memory_space<vmem_shared>> -> memref<64x128xf32, #tpu.memory_space<vmem_shared>>
    tpu.wait_dma2 semaphore(%arg18 : memref<!tpu.dma_semaphore, #tpu.memory_space<semaphore_mem>>) src(%arg12 : memref<64x128xf32, #tpu.memory_space<vmem>>) dst(%dma_wait3A_153 : memref<64x128xf32, #tpu.memory_space<vmem_shared>>)
    %mul3A_154 = arith.constant 640 : i32
    %mul3A_155 = arith.muli %arg1, %mul3A_154 : i32
    %add3A_156 = arith.constant 192 : i32
    %add3A_157 = arith.addi %mul3A_155, %add3A_156 : i32
    %dma_wait3A_158 = arith.constant 0 : i32
    %dma_wait3A_159 = tpu.memref_slice %arg13[%add3A_157, %dma_wait3A_158] : memref<10240x128xf32, #tpu.memory_space<vmem_shared>> -> memref<64x128xf32, #tpu.memory_space<vmem_shared>>
    %dma_wait3A_160 = arith.constant 0 : i32
    %dma_wait3A_161 = tpu.memref_slice %arg13[%add3A_157, %dma_wait3A_160] : memref<10240x128xf32, #tpu.memory_space<vmem_shared>> -> memref<64x128xf32, #tpu.memory_space<vmem_shared>>
    tpu.wait_dma2 semaphore(%arg18 : memref<!tpu.dma_semaphore, #tpu.memory_space<semaphore_mem>>) src(%arg12 : memref<64x128xf32, #tpu.memory_space<vmem>>) dst(%dma_wait3A_161 : memref<64x128xf32, #tpu.memory_space<vmem_shared>>)
    %mul3A_162 = arith.constant 640 : i32
    %mul3A_163 = arith.muli %arg1, %mul3A_162 : i32
    %add3A_164 = arith.constant 256 : i32
    %add3A_165 = arith.addi %mul3A_163, %add3A_164 : i32
    %dma_wait3A_166 = arith.constant 0 : i32
    %dma_wait3A_167 = tpu.memref_slice %arg13[%add3A_165, %dma_wait3A_166] : memref<10240x128xf32, #tpu.memory_space<vmem_shared>> -> memref<64x128xf32, #tpu.memory_space<vmem_shared>>
    %dma_wait3A_168 = arith.constant 0 : i32
    %dma_wait3A_169 = tpu.memref_slice %arg13[%add3A_165, %dma_wait3A_168] : memref<10240x128xf32, #tpu.memory_space<vmem_shared>> -> memref<64x128xf32, #tpu.memory_space<vmem_shared>>
    tpu.wait_dma2 semaphore(%arg18 : memref<!tpu.dma_semaphore, #tpu.memory_space<semaphore_mem>>) src(%arg12 : memref<64x128xf32, #tpu.memory_space<vmem>>) dst(%dma_wait3A_169 : memref<64x128xf32, #tpu.memory_space<vmem_shared>>)
    %mul3A_170 = arith.constant 640 : i32
    %mul3A_171 = arith.muli %arg1, %mul3A_170 : i32
    %add3A_172 = arith.constant 320 : i32
    %add3A_173 = arith.addi %mul3A_171, %add3A_172 : i32
    %dma_wait3A_174 = arith.constant 0 : i32
    %dma_wait3A_175 = tpu.memref_slice %arg13[%add3A_173, %dma_wait3A_174] : memref<10240x128xf32, #tpu.memory_space<vmem_shared>> -> memref<64x128xf32, #tpu.memory_space<vmem_shared>>
    %dma_wait3A_176 = arith.constant 0 : i32
    %dma_wait3A_177 = tpu.memref_slice %arg13[%add3A_173, %dma_wait3A_176] : memref<10240x128xf32, #tpu.memory_space<vmem_shared>> -> memref<64x128xf32, #tpu.memory_space<vmem_shared>>
    tpu.wait_dma2 semaphore(%arg18 : memref<!tpu.dma_semaphore, #tpu.memory_space<semaphore_mem>>) src(%arg12 : memref<64x128xf32, #tpu.memory_space<vmem>>) dst(%dma_wait3A_177 : memref<64x128xf32, #tpu.memory_space<vmem_shared>>)
    %mul3A_178 = arith.constant 640 : i32
    %mul3A_179 = arith.muli %arg1, %mul3A_178 : i32
    %add3A_180 = arith.constant 384 : i32
    %add3A_181 = arith.addi %mul3A_179, %add3A_180 : i32
    %dma_wait3A_182 = arith.constant 0 : i32
    %dma_wait3A_183 = tpu.memref_slice %arg13[%add3A_181, %dma_wait3A_182] : memref<10240x128xf32, #tpu.memory_space<vmem_shared>> -> memref<64x128xf32, #tpu.memory_space<vmem_shared>>
    %dma_wait3A_184 = arith.constant 0 : i32
    %dma_wait3A_185 = tpu.memref_slice %arg13[%add3A_181, %dma_wait3A_184] : memref<10240x128xf32, #tpu.memory_space<vmem_shared>> -> memref<64x128xf32, #tpu.memory_space<vmem_shared>>
    tpu.wait_dma2 semaphore(%arg18 : memref<!tpu.dma_semaphore, #tpu.memory_space<semaphore_mem>>) src(%arg12 : memref<64x128xf32, #tpu.memory_space<vmem>>) dst(%dma_wait3A_185 : memref<64x128xf32, #tpu.memory_space<vmem_shared>>)
    %mul3A_186 = arith.constant 640 : i32
    %mul3A_187 = arith.muli %arg1, %mul3A_186 : i32
    %add3A_188 = arith.constant 448 : i32
    %add3A_189 = arith.addi %mul3A_187, %add3A_188 : i32
    %dma_wait3A_190 = arith.constant 0 : i32
    %dma_wait3A_191 = tpu.memref_slice %arg13[%add3A_189, %dma_wait3A_190] : memref<10240x128xf32, #tpu.memory_space<vmem_shared>> -> memref<64x128xf32, #tpu.memory_space<vmem_shared>>
    %dma_wait3A_192 = arith.constant 0 : i32
    %dma_wait3A_193 = tpu.memref_slice %arg13[%add3A_189, %dma_wait3A_192] : memref<10240x128xf32, #tpu.memory_space<vmem_shared>> -> memref<64x128xf32, #tpu.memory_space<vmem_shared>>
    tpu.wait_dma2 semaphore(%arg18 : memref<!tpu.dma_semaphore, #tpu.memory_space<semaphore_mem>>) src(%arg12 : memref<64x128xf32, #tpu.memory_space<vmem>>) dst(%dma_wait3A_193 : memref<64x128xf32, #tpu.memory_space<vmem_shared>>)
    %mul3A_194 = arith.constant 640 : i32
    %mul3A_195 = arith.muli %arg1, %mul3A_194 : i32
    %add3A_196 = arith.constant 512 : i32
    %add3A_197 = arith.addi %mul3A_195, %add3A_196 : i32
    %dma_wait3A_198 = arith.constant 0 : i32
    %dma_wait3A_199 = tpu.memref_slice %arg13[%add3A_197, %dma_wait3A_198] : memref<10240x128xf32, #tpu.memory_space<vmem_shared>> -> memref<64x128xf32, #tpu.memory_space<vmem_shared>>
    %dma_wait3A_200 = arith.constant 0 : i32
    %dma_wait3A_201 = tpu.memref_slice %arg13[%add3A_197, %dma_wait3A_200] : memref<10240x128xf32, #tpu.memory_space<vmem_shared>> -> memref<64x128xf32, #tpu.memory_space<vmem_shared>>
    tpu.wait_dma2 semaphore(%arg18 : memref<!tpu.dma_semaphore, #tpu.memory_space<semaphore_mem>>) src(%arg12 : memref<64x128xf32, #tpu.memory_space<vmem>>) dst(%dma_wait3A_201 : memref<64x128xf32, #tpu.memory_space<vmem_shared>>)
    %mul3A_202 = arith.constant 640 : i32
    %mul3A_203 = arith.muli %arg1, %mul3A_202 : i32
    %add3A_204 = arith.constant 576 : i32
    %add3A_205 = arith.addi %mul3A_203, %add3A_204 : i32
    %dma_wait3A_206 = arith.constant 0 : i32
    %dma_wait3A_207 = tpu.memref_slice %arg13[%add3A_205, %dma_wait3A_206] : memref<10240x128xf32, #tpu.memory_space<vmem_shared>> -> memref<64x128xf32, #tpu.memory_space<vmem_shared>>
    %dma_wait3A_208 = arith.constant 0 : i32
    %dma_wait3A_209 = tpu.memref_slice %arg13[%add3A_205, %dma_wait3A_208] : memref<10240x128xf32, #tpu.memory_space<vmem_shared>> -> memref<64x128xf32, #tpu.memory_space<vmem_shared>>
    tpu.wait_dma2 semaphore(%arg18 : memref<!tpu.dma_semaphore, #tpu.memory_space<semaphore_mem>>) src(%arg12 : memref<64x128xf32, #tpu.memory_space<vmem>>) dst(%dma_wait3A_209 : memref<64x128xf32, #tpu.memory_space<vmem_shared>>)
    %barrier3A = arith.constant 0 : index
    tpu.barrier barrier_id(%barrier3A)
    %scan3A_210 = arith.constant 0 : i32
    %scan3A_211 = arith.constant 0 : i32
    %scan3A_212 = arith.constant 62 : i32
    %scan3A_213 = arith.addi %scan3A_211, %scan3A_212 : i32
    %scan3A_214 = arith.constant 1 : i32
    scf.for %scan3A_238 = %scan3A_211 to %scan3A_213 step %scan3A_214  : i32 {
      %mul3A_239 = arith.constant 2 : i32
      %mul3A_240 = arith.muli %mul3A_239, %scan3A_238 : i32
      %add3A_241 = arith.constant 1 : i32
      %add3A_242 = arith.addi %mul3A_240, %add3A_241 : i32
      %dma_wait3A_243 = arith.constant 0 : i32
      %dma_wait3A_244 = tpu.memref_slice %arg2[%add3A, %add3A_242, %dma_wait3A_243] : memref<32x127x80xi32, #tpu.memory_space<hbm>> -> memref<1x1x80xi32, #tpu.memory_space<hbm>>
      %dma_wait3A_245 = tpu.memref_squeeze %dma_wait3A_244 : memref<1x1x80xi32, #tpu.memory_space<hbm>> -> memref<80xi32, #tpu.memory_space<hbm>>
      %dma_wait3A_246 = arith.constant 0 : i32
      %dma_wait3A_247 = tpu.memref_slice %arg2[%add3A, %add3A_242, %dma_wait3A_246] : memref<32x127x80xi32, #tpu.memory_space<hbm>> -> memref<1x1x80xi32, #tpu.memory_space<hbm>>
      %dma_wait3A_248 = tpu.memref_squeeze %dma_wait3A_247 : memref<1x1x80xi32, #tpu.memory_space<hbm>> -> memref<80xi32, #tpu.memory_space<hbm>>
      tpu.wait_dma2 semaphore(%arg15 : memref<!tpu.dma_semaphore, #tpu.memory_space<semaphore_mem>>) src(%dma_wait3A_248 : memref<80xi32, #tpu.memory_space<hbm>>) dst(%arg7 : memref<80xi32, #tpu.memory_space<vmem>>)
      %dma_wait3A_249 = arith.constant 0 : i32
      %dma_wait3A_250 = tpu.memref_slice %arg3[%add3A, %add3A_242, %dma_wait3A_249] : memref<32x127x80xi32, #tpu.memory_space<hbm>> -> memref<1x1x80xi32, #tpu.memory_space<hbm>>
      %dma_wait3A_251 = tpu.memref_squeeze %dma_wait3A_250 : memref<1x1x80xi32, #tpu.memory_space<hbm>> -> memref<80xi32, #tpu.memory_space<hbm>>
      %dma_wait3A_252 = arith.constant 0 : i32
      %dma_wait3A_253 = tpu.memref_slice %arg3[%add3A, %add3A_242, %dma_wait3A_252] : memref<32x127x80xi32, #tpu.memory_space<hbm>> -> memref<1x1x80xi32, #tpu.memory_space<hbm>>
      %dma_wait3A_254 = tpu.memref_squeeze %dma_wait3A_253 : memref<1x1x80xi32, #tpu.memory_space<hbm>> -> memref<80xi32, #tpu.memory_space<hbm>>
      tpu.wait_dma2 semaphore(%arg15 : memref<!tpu.dma_semaphore, #tpu.memory_space<semaphore_mem>>) src(%dma_wait3A_254 : memref<80xi32, #tpu.memory_space<hbm>>) dst(%arg9 : memref<80xi32, #tpu.memory_space<vmem>>)
      %dma_start3A_255 = arith.constant 0 : i32
      %dma_start3A_256 = arith.constant 0 : i32
      %dma_start3A_257 = tpu.memref_slice %arg4[%dma_start3A_255, %dma_start3A_256] : memref<10000x128xf32, #tpu.memory_space<hbm>> -> memref<10000x128xf32, #tpu.memory_space<hbm>>
      tpu.enqueue_indirect_dma source(%dma_start3A_257 : memref<10000x128xf32, #tpu.memory_space<hbm>>) target(%arg11 : memref<80x128xf32, #tpu.memory_space<vmem>>) offsets(%arg7 : memref<80xi32, #tpu.memory_space<vmem>>) semaphore(%arg17 : memref<!tpu.dma_semaphore, #tpu.memory_space<semaphore_mem>>)
      %dma_wait3A_258 = arith.constant 0 : i32
      %dma_wait3A_259 = arith.constant 0 : i32
      %dma_wait3A_260 = tpu.memref_slice %arg4[%dma_wait3A_258, %dma_wait3A_259] : memref<10000x128xf32, #tpu.memory_space<hbm>> -> memref<10000x128xf32, #tpu.memory_space<hbm>>
      tpu.wait_indirect_dma semaphore(%arg16 : memref<!tpu.dma_semaphore, #tpu.memory_space<semaphore_mem>>) src(%dma_wait3A_260 : memref<10000x128xf32, #tpu.memory_space<hbm>>) dst(%arg10 : memref<80x128xf32, #tpu.memory_space<vmem>>)
      "tpu.region"() ({
        %run_scoped3A = tpu.sem_alloc : memref<!tpu.dma_semaphore, #tpu.memory_space<semaphore_mem>>
        %dma_start3A_309 = arith.constant 0 : i32
        %dma_start3A_310 = arith.constant 0 : i32
        %dma_start3A_311 = tpu.memref_slice %arg13[%dma_start3A_309, %dma_start3A_310] : memref<10240x128xf32, #tpu.memory_space<vmem_shared>> -> memref<10240x128xf32, #tpu.memory_space<vmem_shared>>
        tpu.enqueue_indirect_dma source(%arg10 : memref<80x128xf32, #tpu.memory_space<vmem>>) target(%dma_start3A_311 : memref<10240x128xf32, #tpu.memory_space<vmem_shared>>) offsets(%arg8 : memref<80xi32, #tpu.memory_space<vmem>>) semaphore(%run_scoped3A : memref<!tpu.dma_semaphore, #tpu.memory_space<semaphore_mem>>) {add = true}
        %dma_wait3A_312 = arith.constant 0 : i32
        %dma_wait3A_313 = arith.constant 0 : i32
        %dma_wait3A_314 = tpu.memref_slice %arg13[%dma_wait3A_312, %dma_wait3A_313] : memref<10240x128xf32, #tpu.memory_space<vmem_shared>> -> memref<10240x128xf32, #tpu.memory_space<vmem_shared>>
        tpu.wait_indirect_dma semaphore(%run_scoped3A : memref<!tpu.dma_semaphore, #tpu.memory_space<semaphore_mem>>) src(%arg10 : memref<80x128xf32, #tpu.memory_space<vmem>>) dst(%dma_wait3A_314 : memref<10240x128xf32, #tpu.memory_space<vmem_shared>>)
        tpu.yield
      }) : () -> ()
      %add3A_261 = arith.constant 2 : i32
      %add3A_262 = arith.addi %mul3A_240, %add3A_261 : i32
      %dma_start3A_263 = arith.constant 0 : i32
      %dma_start3A_264 = tpu.memref_slice %arg2[%add3A, %add3A_262, %dma_start3A_263] : memref<32x127x80xi32, #tpu.memory_space<hbm>> -> memref<1x1x80xi32, #tpu.memory_space<hbm>>
      %dma_start3A_265 = tpu.memref_squeeze %dma_start3A_264 : memref<1x1x80xi32, #tpu.memory_space<hbm>> -> memref<80xi32, #tpu.memory_space<hbm>>
      %dma_start3A_266 = arith.constant 0 : i32
      %dma_start3A_267 = tpu.memref_slice %arg2[%add3A, %add3A_262, %dma_start3A_266] : memref<32x127x80xi32, #tpu.memory_space<hbm>> -> memref<1x1x80xi32, #tpu.memory_space<hbm>>
      %dma_start3A_268 = tpu.memref_squeeze %dma_start3A_267 : memref<1x1x80xi32, #tpu.memory_space<hbm>> -> memref<80xi32, #tpu.memory_space<hbm>>
      tpu.enqueue_dma source(%dma_start3A_268 : memref<80xi32, #tpu.memory_space<hbm>>) target(%arg6 : memref<80xi32, #tpu.memory_space<vmem>>) target_semaphore(%arg14 : memref<!tpu.dma_semaphore, #tpu.memory_space<semaphore_mem>>)
      %dma_start3A_269 = arith.constant 0 : i32
      %dma_start3A_270 = tpu.memref_slice %arg3[%add3A, %add3A_262, %dma_start3A_269] : memref<32x127x80xi32, #tpu.memory_space<hbm>> -> memref<1x1x80xi32, #tpu.memory_space<hbm>>
      %dma_start3A_271 = tpu.memref_squeeze %dma_start3A_270 : memref<1x1x80xi32, #tpu.memory_space<hbm>> -> memref<80xi32, #tpu.memory_space<hbm>>
      %dma_start3A_272 = arith.constant 0 : i32
      %dma_start3A_273 = tpu.memref_slice %arg3[%add3A, %add3A_262, %dma_start3A_272] : memref<32x127x80xi32, #tpu.memory_space<hbm>> -> memref<1x1x80xi32, #tpu.memory_space<hbm>>
      %dma_start3A_274 = tpu.memref_squeeze %dma_start3A_273 : memref<1x1x80xi32, #tpu.memory_space<hbm>> -> memref<80xi32, #tpu.memory_space<hbm>>
      tpu.enqueue_dma source(%dma_start3A_274 : memref<80xi32, #tpu.memory_space<hbm>>) target(%arg8 : memref<80xi32, #tpu.memory_space<vmem>>) target_semaphore(%arg14 : memref<!tpu.dma_semaphore, #tpu.memory_space<semaphore_mem>>)
      %add3A_275 = arith.constant 2 : i32
      %add3A_276 = arith.addi %mul3A_240, %add3A_275 : i32
      %dma_wait3A_277 = arith.constant 0 : i32
      %dma_wait3A_278 = tpu.memref_slice %arg2[%add3A, %add3A_276, %dma_wait3A_277] : memref<32x127x80xi32, #tpu.memory_space<hbm>> -> memref<1x1x80xi32, #tpu.memory_space<hbm>>
      %dma_wait3A_279 = tpu.memref_squeeze %dma_wait3A_278 : memref<1x1x80xi32, #tpu.memory_space<hbm>> -> memref<80xi32, #tpu.memory_space<hbm>>
      %dma_wait3A_280 = arith.constant 0 : i32
      %dma_wait3A_281 = tpu.memref_slice %arg2[%add3A, %add3A_276, %dma_wait3A_280] : memref<32x127x80xi32, #tpu.memory_space<hbm>> -> memref<1x1x80xi32, #tpu.memory_space<hbm>>
      %dma_wait3A_282 = tpu.memref_squeeze %dma_wait3A_281 : memref<1x1x80xi32, #tpu.memory_space<hbm>> -> memref<80xi32, #tpu.memory_space<hbm>>
      tpu.wait_dma2 semaphore(%arg14 : memref<!tpu.dma_semaphore, #tpu.memory_space<semaphore_mem>>) src(%dma_wait3A_282 : memref<80xi32, #tpu.memory_space<hbm>>) dst(%arg6 : memref<80xi32, #tpu.memory_space<vmem>>)
      %dma_wait3A_283 = arith.constant 0 : i32
      %dma_wait3A_284 = tpu.memref_slice %arg3[%add3A, %add3A_276, %dma_wait3A_283] : memref<32x127x80xi32, #tpu.memory_space<hbm>> -> memref<1x1x80xi32, #tpu.memory_space<hbm>>
      %dma_wait3A_285 = tpu.memref_squeeze %dma_wait3A_284 : memref<1x1x80xi32, #tpu.memory_space<hbm>> -> memref<80xi32, #tpu.memory_space<hbm>>
      %dma_wait3A_286 = arith.constant 0 : i32
      %dma_wait3A_287 = tpu.memref_slice %arg3[%add3A, %add3A_276, %dma_wait3A_286] : memref<32x127x80xi32, #tpu.memory_space<hbm>> -> memref<1x1x80xi32, #tpu.memory_space<hbm>>
      %dma_wait3A_288 = tpu.memref_squeeze %dma_wait3A_287 : memref<1x1x80xi32, #tpu.memory_space<hbm>> -> memref<80xi32, #tpu.memory_space<hbm>>
      tpu.wait_dma2 semaphore(%arg14 : memref<!tpu.dma_semaphore, #tpu.memory_space<semaphore_mem>>) src(%dma_wait3A_288 : memref<80xi32, #tpu.memory_space<hbm>>) dst(%arg8 : memref<80xi32, #tpu.memory_space<vmem>>)
      %dma_start3A_289 = arith.constant 0 : i32
      %dma_start3A_290 = arith.constant 0 : i32
      %dma_start3A_291 = tpu.memref_slice %arg4[%dma_start3A_289, %dma_start3A_290] : memref<10000x128xf32, #tpu.memory_space<hbm>> -> memref<10000x128xf32, #tpu.memory_space<hbm>>
      tpu.enqueue_indirect_dma source(%dma_start3A_291 : memref<10000x128xf32, #tpu.memory_space<hbm>>) target(%arg10 : memref<80x128xf32, #tpu.memory_space<vmem>>) offsets(%arg6 : memref<80xi32, #tpu.memory_space<vmem>>) semaphore(%arg16 : memref<!tpu.dma_semaphore, #tpu.memory_space<semaphore_mem>>)
      %dma_wait3A_292 = arith.constant 0 : i32
      %dma_wait3A_293 = arith.constant 0 : i32
      %dma_wait3A_294 = tpu.memref_slice %arg4[%dma_wait3A_292, %dma_wait3A_293] : memref<10000x128xf32, #tpu.memory_space<hbm>> -> memref<10000x128xf32, #tpu.memory_space<hbm>>
      tpu.wait_indirect_dma semaphore(%arg17 : memref<!tpu.dma_semaphore, #tpu.memory_space<semaphore_mem>>) src(%dma_wait3A_294 : memref<10000x128xf32, #tpu.memory_space<hbm>>) dst(%arg11 : memref<80x128xf32, #tpu.memory_space<vmem>>)
      "tpu.region"() ({
        %run_scoped3A = tpu.sem_alloc : memref<!tpu.dma_semaphore, #tpu.memory_space<semaphore_mem>>
        %dma_start3A_309 = arith.constant 0 : i32
        %dma_start3A_310 = arith.constant 0 : i32
        %dma_start3A_311 = tpu.memref_slice %arg13[%dma_start3A_309, %dma_start3A_310] : memref<10240x128xf32, #tpu.memory_space<vmem_shared>> -> memref<10240x128xf32, #tpu.memory_space<vmem_shared>>
        tpu.enqueue_indirect_dma source(%arg11 : memref<80x128xf32, #tpu.memory_space<vmem>>) target(%dma_start3A_311 : memref<10240x128xf32, #tpu.memory_space<vmem_shared>>) offsets(%arg9 : memref<80xi32, #tpu.memory_space<vmem>>) semaphore(%run_scoped3A : memref<!tpu.dma_semaphore, #tpu.memory_space<semaphore_mem>>) {add = true}
        %dma_wait3A_312 = arith.constant 0 : i32
        %dma_wait3A_313 = arith.constant 0 : i32
        %dma_wait3A_314 = tpu.memref_slice %arg13[%dma_wait3A_312, %dma_wait3A_313] : memref<10240x128xf32, #tpu.memory_space<vmem_shared>> -> memref<10240x128xf32, #tpu.memory_space<vmem_shared>>
        tpu.wait_indirect_dma semaphore(%run_scoped3A : memref<!tpu.dma_semaphore, #tpu.memory_space<semaphore_mem>>) src(%arg11 : memref<80x128xf32, #tpu.memory_space<vmem>>) dst(%dma_wait3A_314 : memref<10240x128xf32, #tpu.memory_space<vmem_shared>>)
        tpu.yield
      }) : () -> ()
      %add3A_295 = arith.constant 3 : i32
      %add3A_296 = arith.addi %mul3A_240, %add3A_295 : i32
      %dma_start3A_297 = arith.constant 0 : i32
      %dma_start3A_298 = tpu.memref_slice %arg2[%add3A, %add3A_296, %dma_start3A_297] : memref<32x127x80xi32, #tpu.memory_space<hbm>> -> memref<1x1x80xi32, #tpu.memory_space<hbm>>
      %dma_start3A_299 = tpu.memref_squeeze %dma_start3A_298 : memref<1x1x80xi32, #tpu.memory_space<hbm>> -> memref<80xi32, #tpu.memory_space<hbm>>
      %dma_start3A_300 = arith.constant 0 : i32
      %dma_start3A_301 = tpu.memref_slice %arg2[%add3A, %add3A_296, %dma_start3A_300] : memref<32x127x80xi32, #tpu.memory_space<hbm>> -> memref<1x1x80xi32, #tpu.memory_space<hbm>>
      %dma_start3A_302 = tpu.memref_squeeze %dma_start3A_301 : memref<1x1x80xi32, #tpu.memory_space<hbm>> -> memref<80xi32, #tpu.memory_space<hbm>>
      tpu.enqueue_dma source(%dma_start3A_302 : memref<80xi32, #tpu.memory_space<hbm>>) target(%arg7 : memref<80xi32, #tpu.memory_space<vmem>>) target_semaphore(%arg15 : memref<!tpu.dma_semaphore, #tpu.memory_space<semaphore_mem>>)
      %dma_start3A_303 = arith.constant 0 : i32
      %dma_start3A_304 = tpu.memref_slice %arg3[%add3A, %add3A_296, %dma_start3A_303] : memref<32x127x80xi32, #tpu.memory_space<hbm>> -> memref<1x1x80xi32, #tpu.memory_space<hbm>>
      %dma_start3A_305 = tpu.memref_squeeze %dma_start3A_304 : memref<1x1x80xi32, #tpu.memory_space<hbm>> -> memref<80xi32, #tpu.memory_space<hbm>>
      %dma_start3A_306 = arith.constant 0 : i32
      %dma_start3A_307 = tpu.memref_slice %arg3[%add3A, %add3A_296, %dma_start3A_306] : memref<32x127x80xi32, #tpu.memory_space<hbm>> -> memref<1x1x80xi32, #tpu.memory_space<hbm>>
      %dma_start3A_308 = tpu.memref_squeeze %dma_start3A_307 : memref<1x1x80xi32, #tpu.memory_space<hbm>> -> memref<80xi32, #tpu.memory_space<hbm>>
      tpu.enqueue_dma source(%dma_start3A_308 : memref<80xi32, #tpu.memory_space<hbm>>) target(%arg9 : memref<80xi32, #tpu.memory_space<vmem>>) target_semaphore(%arg15 : memref<!tpu.dma_semaphore, #tpu.memory_space<semaphore_mem>>)
    }
    %scan3A_215 = arith.constant 62 : i32
    %dma_wait3A_216 = arith.constant 0 : i32
    %dma_wait3A_217 = arith.constant 0 : i32
    %dma_wait3A_218 = tpu.memref_slice %arg4[%dma_wait3A_216, %dma_wait3A_217] : memref<10000x128xf32, #tpu.memory_space<hbm>> -> memref<10000x128xf32, #tpu.memory_space<hbm>>
    tpu.wait_indirect_dma semaphore(%arg16 : memref<!tpu.dma_semaphore, #tpu.memory_space<semaphore_mem>>) src(%dma_wait3A_218 : memref<10000x128xf32, #tpu.memory_space<hbm>>) dst(%arg10 : memref<80x128xf32, #tpu.memory_space<vmem>>)
    "tpu.region"() ({
      %run_scoped3A = tpu.sem_alloc : memref<!tpu.dma_semaphore, #tpu.memory_space<semaphore_mem>>
      %dma_start3A_238 = arith.constant 0 : i32
      %dma_start3A_239 = arith.constant 0 : i32
      %dma_start3A_240 = tpu.memref_slice %arg13[%dma_start3A_238, %dma_start3A_239] : memref<10240x128xf32, #tpu.memory_space<vmem_shared>> -> memref<10240x128xf32, #tpu.memory_space<vmem_shared>>
      tpu.enqueue_indirect_dma source(%arg10 : memref<80x128xf32, #tpu.memory_space<vmem>>) target(%dma_start3A_240 : memref<10240x128xf32, #tpu.memory_space<vmem_shared>>) offsets(%arg8 : memref<80xi32, #tpu.memory_space<vmem>>) semaphore(%run_scoped3A : memref<!tpu.dma_semaphore, #tpu.memory_space<semaphore_mem>>) {add = true}
      %dma_wait3A_241 = arith.constant 0 : i32
      %dma_wait3A_242 = arith.constant 0 : i32
      %dma_wait3A_243 = tpu.memref_slice %arg13[%dma_wait3A_241, %dma_wait3A_242] : memref<10240x128xf32, #tpu.memory_space<vmem_shared>> -> memref<10240x128xf32, #tpu.memory_space<vmem_shared>>
      tpu.wait_indirect_dma semaphore(%run_scoped3A : memref<!tpu.dma_semaphore, #tpu.memory_space<semaphore_mem>>) src(%arg10 : memref<80x128xf32, #tpu.memory_space<vmem>>) dst(%dma_wait3A_243 : memref<10240x128xf32, #tpu.memory_space<vmem_shared>>)
      tpu.yield
    }) : () -> ()
    %dma_wait3A_219 = arith.constant 125 : i32
    %dma_wait3A_220 = arith.constant 0 : i32
    %dma_wait3A_221 = tpu.memref_slice %arg2[%add3A, %dma_wait3A_219, %dma_wait3A_220] : memref<32x127x80xi32, #tpu.memory_space<hbm>> -> memref<1x1x80xi32, #tpu.memory_space<hbm>>
    %dma_wait3A_222 = tpu.memref_squeeze %dma_wait3A_221 : memref<1x1x80xi32, #tpu.memory_space<hbm>> -> memref<80xi32, #tpu.memory_space<hbm>>
    %dma_wait3A_223 = arith.constant 0 : i32
    %dma_wait3A_224 = tpu.memref_slice %arg2[%add3A, %dma_wait3A_219, %dma_wait3A_223] : memref<32x127x80xi32, #tpu.memory_space<hbm>> -> memref<1x1x80xi32, #tpu.memory_space<hbm>>
    %dma_wait3A_225 = tpu.memref_squeeze %dma_wait3A_224 : memref<1x1x80xi32, #tpu.memory_space<hbm>> -> memref<80xi32, #tpu.memory_space<hbm>>
    tpu.wait_dma2 semaphore(%arg15 : memref<!tpu.dma_semaphore, #tpu.memory_space<semaphore_mem>>) src(%dma_wait3A_225 : memref<80xi32, #tpu.memory_space<hbm>>) dst(%arg7 : memref<80xi32, #tpu.memory_space<vmem>>)
    %dma_wait3A_226 = arith.constant 125 : i32
    %dma_wait3A_227 = arith.constant 0 : i32
    %dma_wait3A_228 = tpu.memref_slice %arg3[%add3A, %dma_wait3A_226, %dma_wait3A_227] : memref<32x127x80xi32, #tpu.memory_space<hbm>> -> memref<1x1x80xi32, #tpu.memory_space<hbm>>
    %dma_wait3A_229 = tpu.memref_squeeze %dma_wait3A_228 : memref<1x1x80xi32, #tpu.memory_space<hbm>> -> memref<80xi32, #tpu.memory_space<hbm>>
    %dma_wait3A_230 = arith.constant 0 : i32
    %dma_wait3A_231 = tpu.memref_slice %arg3[%add3A, %dma_wait3A_226, %dma_wait3A_230] : memref<32x127x80xi32, #tpu.memory_space<hbm>> -> memref<1x1x80xi32, #tpu.memory_space<hbm>>
    %dma_wait3A_232 = tpu.memref_squeeze %dma_wait3A_231 : memref<1x1x80xi32, #tpu.memory_space<hbm>> -> memref<80xi32, #tpu.memory_space<hbm>>
    tpu.wait_dma2 semaphore(%arg15 : memref<!tpu.dma_semaphore, #tpu.memory_space<semaphore_mem>>) src(%dma_wait3A_232 : memref<80xi32, #tpu.memory_space<hbm>>) dst(%arg9 : memref<80xi32, #tpu.memory_space<vmem>>)
    %barrier3A_233 = arith.constant 0 : index
    tpu.barrier barrier_id(%barrier3A_233)
    %mul3A_234 = arith.constant 640 : i32
    %mul3A_235 = arith.muli %arg1, %mul3A_234 : i32
    %mul3A_236 = arith.constant 640 : i32
    %mul3A_237 = arith.muli %arg1, %mul3A_236 : i32
    "tpu.region"() ({
      %run_scoped3A = tpu.sem_alloc : memref<!tpu.dma_semaphore, #tpu.memory_space<semaphore_mem>>
      %dma_start3A_238 = arith.constant 0 : i32
      %dma_start3A_239 = tpu.memref_slice %arg5[%arg0, %mul3A_237, %dma_start3A_238] : memref<2x10240x128xf32, #tpu.memory_space<hbm>> -> memref<1x640x128xf32, #tpu.memory_space<hbm>>
      %dma_start3A_240 = tpu.memref_squeeze %dma_start3A_239 : memref<1x640x128xf32, #tpu.memory_space<hbm>> -> memref<640x128xf32, #tpu.memory_space<hbm>>
      %dma_start3A_241 = arith.constant 0 : i32
      %dma_start3A_242 = tpu.memref_slice %arg13[%mul3A_235, %dma_start3A_241] : memref<10240x128xf32, #tpu.memory_space<vmem_shared>> -> memref<640x128xf32, #tpu.memory_space<vmem_shared>>
      tpu.enqueue_dma source(%dma_start3A_242 : memref<640x128xf32, #tpu.memory_space<vmem_shared>>) target(%dma_start3A_240 : memref<640x128xf32, #tpu.memory_space<hbm>>) target_semaphore(%run_scoped3A : memref<!tpu.dma_semaphore, #tpu.memory_space<semaphore_mem>>)
      %dma_wait3A_243 = arith.constant 0 : i32
      %dma_wait3A_244 = tpu.memref_slice %arg5[%arg0, %mul3A_237, %dma_wait3A_243] : memref<2x10240x128xf32, #tpu.memory_space<hbm>> -> memref<1x640x128xf32, #tpu.memory_space<hbm>>
      %dma_wait3A_245 = tpu.memref_squeeze %dma_wait3A_244 : memref<1x640x128xf32, #tpu.memory_space<hbm>> -> memref<640x128xf32, #tpu.memory_space<hbm>>
      %dma_wait3A_246 = arith.constant 0 : i32
      %dma_wait3A_247 = tpu.memref_slice %arg13[%mul3A_235, %dma_wait3A_246] : memref<10240x128xf32, #tpu.memory_space<vmem_shared>> -> memref<640x128xf32, #tpu.memory_space<vmem_shared>>
      tpu.wait_dma2 semaphore(%run_scoped3A : memref<!tpu.dma_semaphore, #tpu.memory_space<semaphore_mem>>) src(%dma_wait3A_247 : memref<640x128xf32, #tpu.memory_space<vmem_shared>>) dst(%dma_wait3A_245 : memref<640x128xf32, #tpu.memory_space<hbm>>)
      tpu.yield
    }) : () -> ()
    return
  }
}

#map = affine_map<(d0, d1) -> (0, 0, 0)>
#map1 = affine_map<(d0, d1) -> (0, 0)>
module attributes {stable_mosaic.version = 14 : i64} {
  func.func @agg(%arg0: i32, %arg1: i32, %arg2: memref<32x127x80xi32, #tpu.memory_space<hbm>>, %arg3: memref<32x127x80xi32, #tpu.memory_space<hbm>>, %arg4: memref<10000x128xf32, #tpu.memory_space<hbm>>, %arg5: memref<2x10240x128xf32, #tpu.memory_space<hbm>>, %arg6: memref<80xi32, #tpu.memory_space<vmem>>, %arg7: memref<80xi32, #tpu.memory_space<vmem>>, %arg8: memref<80xi32, #tpu.memory_space<vmem>>, %arg9: memref<80xi32, #tpu.memory_space<vmem>>, %arg10: memref<80x128xf32, #tpu.memory_space<vmem>>, %arg11: memref<80x128xf32, #tpu.memory_space<vmem>>, %arg12: memref<64x128xf32, #tpu.memory_space<vmem>>, %arg13: memref<10240x128xf32, #tpu.memory_space<vmem_shared>>, %arg14: memref<!tpu.dma_semaphore, #tpu.memory_space<semaphore_mem>>, %arg15: memref<!tpu.dma_semaphore, #tpu.memory_space<semaphore_mem>>, %arg16: memref<!tpu.dma_semaphore, #tpu.memory_space<semaphore_mem>>, %arg17: memref<!tpu.dma_semaphore, #tpu.memory_space<semaphore_mem>>, %arg18: memref<!tpu.dma_semaphore, #tpu.memory_space<semaphore_mem>>) attributes {dimension_semantics = [#tpu.dimension_semantics<core_parallel>, #tpu.dimension_semantics<subcore_parallel>], iteration_bounds = array<i64: 2, 16>, scalar_prefetch = 0 : i64, scratch_operands = 13 : i64, tpu.core_type = #tpu.core_type<sc_vector_subcore>, window_params = [{transform_indices = #map}, {transform_indices = #map}, {transform_indices = #map1}, {transform_indices = #map}]} {
    %mul3A = arith.constant 2 : i32
    %mul3A_0 = arith.muli %arg1, %mul3A : i32
    %add3A = arith.addi %mul3A_0, %arg0 : i32
    %dma_start3A = arith.constant 0 : i32
    %dma_start3A_1 = arith.constant 0 : i32
    %dma_start3A_2 = tpu.memref_slice %arg2[%add3A, %dma_start3A, %dma_start3A_1] : memref<32x127x80xi32, #tpu.memory_space<hbm>> -> memref<1x1x80xi32, #tpu.memory_space<hbm>>
    %dma_start3A_3 = tpu.memref_squeeze %dma_start3A_2 : memref<1x1x80xi32, #tpu.memory_space<hbm>> -> memref<80xi32, #tpu.memory_space<hbm>>
    %dma_start3A_4 = arith.constant 0 : i32
    %dma_start3A_5 = tpu.memref_slice %arg2[%add3A, %dma_start3A, %dma_start3A_4] : memref<32x127x80xi32, #tpu.memory_space<hbm>> -> memref<1x1x80xi32, #tpu.memory_space<hbm>>
    %dma_start3A_6 = tpu.memref_squeeze %dma_start3A_5 : memref<1x1x80xi32, #tpu.memory_space<hbm>> -> memref<80xi32, #tpu.memory_space<hbm>>
    tpu.enqueue_dma source(%dma_start3A_6 : memref<80xi32, #tpu.memory_space<hbm>>) target(%arg6 : memref<80xi32, #tpu.memory_space<vmem>>) target_semaphore(%arg14 : memref<!tpu.dma_semaphore, #tpu.memory_space<semaphore_mem>>)
    %dma_start3A_7 = arith.constant 0 : i32
    %dma_start3A_8 = arith.constant 0 : i32
    %dma_start3A_9 = tpu.memref_slice %arg3[%add3A, %dma_start3A_7, %dma_start3A_8] : memref<32x127x80xi32, #tpu.memory_space<hbm>> -> memref<1x1x80xi32, #tpu.memory_space<hbm>>
    %dma_start3A_10 = tpu.memref_squeeze %dma_start3A_9 : memref<1x1x80xi32, #tpu.memory_space<hbm>> -> memref<80xi32, #tpu.memory_space<hbm>>
    %dma_start3A_11 = arith.constant 0 : i32
    %dma_start3A_12 = tpu.memref_slice %arg3[%add3A, %dma_start3A_7, %dma_start3A_11] : memref<32x127x80xi32, #tpu.memory_space<hbm>> -> memref<1x1x80xi32, #tpu.memory_space<hbm>>
    %dma_start3A_13 = tpu.memref_squeeze %dma_start3A_12 : memref<1x1x80xi32, #tpu.memory_space<hbm>> -> memref<80xi32, #tpu.memory_space<hbm>>
    tpu.enqueue_dma source(%dma_start3A_13 : memref<80xi32, #tpu.memory_space<hbm>>) target(%arg8 : memref<80xi32, #tpu.memory_space<vmem>>) target_semaphore(%arg14 : memref<!tpu.dma_semaphore, #tpu.memory_space<semaphore_mem>>)
    %dma_start3A_14 = arith.constant 1 : i32
    %dma_start3A_15 = arith.constant 0 : i32
    %dma_start3A_16 = tpu.memref_slice %arg2[%add3A, %dma_start3A_14, %dma_start3A_15] : memref<32x127x80xi32, #tpu.memory_space<hbm>> -> memref<1x1x80xi32, #tpu.memory_space<hbm>>
    %dma_start3A_17 = tpu.memref_squeeze %dma_start3A_16 : memref<1x1x80xi32, #tpu.memory_space<hbm>> -> memref<80xi32, #tpu.memory_space<hbm>>
    %dma_start3A_18 = arith.constant 0 : i32
    %dma_start3A_19 = tpu.memref_slice %arg2[%add3A, %dma_start3A_14, %dma_start3A_18] : memref<32x127x80xi32, #tpu.memory_space<hbm>> -> memref<1x1x80xi32, #tpu.memory_space<hbm>>
    %dma_start3A_20 = tpu.memref_squeeze %dma_start3A_19 : memref<1x1x80xi32, #tpu.memory_space<hbm>> -> memref<80xi32, #tpu.memory_space<hbm>>
    tpu.enqueue_dma source(%dma_start3A_20 : memref<80xi32, #tpu.memory_space<hbm>>) target(%arg7 : memref<80xi32, #tpu.memory_space<vmem>>) target_semaphore(%arg15 : memref<!tpu.dma_semaphore, #tpu.memory_space<semaphore_mem>>)
    %dma_start3A_21 = arith.constant 1 : i32
    %dma_start3A_22 = arith.constant 0 : i32
    %dma_start3A_23 = tpu.memref_slice %arg3[%add3A, %dma_start3A_21, %dma_start3A_22] : memref<32x127x80xi32, #tpu.memory_space<hbm>> -> memref<1x1x80xi32, #tpu.memory_space<hbm>>
    %dma_start3A_24 = tpu.memref_squeeze %dma_start3A_23 : memref<1x1x80xi32, #tpu.memory_space<hbm>> -> memref<80xi32, #tpu.memory_space<hbm>>
    %dma_start3A_25 = arith.constant 0 : i32
    %dma_start3A_26 = tpu.memref_slice %arg3[%add3A, %dma_start3A_21, %dma_start3A_25] : memref<32x127x80xi32, #tpu.memory_space<hbm>> -> memref<1x1x80xi32, #tpu.memory_space<hbm>>
    %dma_start3A_27 = tpu.memref_squeeze %dma_start3A_26 : memref<1x1x80xi32, #tpu.memory_space<hbm>> -> memref<80xi32, #tpu.memory_space<hbm>>
    tpu.enqueue_dma source(%dma_start3A_27 : memref<80xi32, #tpu.memory_space<hbm>>) target(%arg9 : memref<80xi32, #tpu.memory_space<vmem>>) target_semaphore(%arg15 : memref<!tpu.dma_semaphore, #tpu.memory_space<semaphore_mem>>)
    %broadcast_in_dim3A = arith.constant 0.000000e+00 : f32
    %broadcast_in_dim3A_28 = vector.broadcast %broadcast_in_dim3A : f32 to vector<16xf32>
    %scan3A = arith.constant 0 : i32
    %scan3A_29 = arith.constant 0 : i32
    %scan3A_30 = arith.constant 64 : i32
    %scan3A_31 = arith.addi %scan3A_29, %scan3A_30 : i32
    %scan3A_32 = arith.constant 1 : i32
    scf.for %scan3A_238 = %scan3A_29 to %scan3A_31 step %scan3A_32  : i32 {
      %swap3A = arith.index_cast %scan3A_238 : i32 to index
      %swap3A_239 = arith.constant 0 : index
      %swap3A_240 = tpu.vector_load %arg12[%swap3A, %swap3A_239] {strides = array<i32>} : memref<64x128xf32, #tpu.memory_space<vmem>>, vector<1x16xf32>,
      %swap3A_241 = vector.shape_cast %swap3A_240 : vector<1x16xf32> to vector<16xf32>
      %swap3A_242 = vector.shape_cast %broadcast_in_dim3A_28 : vector<16xf32> to vector<1x16xf32>
      tpu.vector_store %arg12[%swap3A, %swap3A_239], %swap3A_242 {strides = array<i32>} : memref<64x128xf32, #tpu.memory_space<vmem>>, vector<1x16xf32>,
      %swap3A_243 = arith.index_cast %scan3A_238 : i32 to index
      %swap3A_244 = arith.constant 16 : index
      %swap3A_245 = tpu.vector_load %arg12[%swap3A_243, %swap3A_244] {strides = array<i32>} : memref<64x128xf32, #tpu.memory_space<vmem>>, vector<1x16xf32>,
      %swap3A_246 = vector.shape_cast %swap3A_245 : vector<1x16xf32> to vector<16xf32>
      %swap3A_247 = vector.shape_cast %broadcast_in_dim3A_28 : vector<16xf32> to vector<1x16xf32>
      tpu.vector_store %arg12[%swap3A_243, %swap3A_244], %swap3A_247 {strides = array<i32>} : memref<64x128xf32, #tpu.memory_space<vmem>>, vector<1x16xf32>,
      %swap3A_248 = arith.index_cast %scan3A_238 : i32 to index
      %swap3A_249 = arith.constant 32 : index
      %swap3A_250 = tpu.vector_load %arg12[%swap3A_248, %swap3A_249] {strides = array<i32>} : memref<64x128xf32, #tpu.memory_space<vmem>>, vector<1x16xf32>,
      %swap3A_251 = vector.shape_cast %swap3A_250 : vector<1x16xf32> to vector<16xf32>
      %swap3A_252 = vector.shape_cast %broadcast_in_dim3A_28 : vector<16xf32> to vector<1x16xf32>
      tpu.vector_store %arg12[%swap3A_248, %swap3A_249], %swap3A_252 {strides = array<i32>} : memref<64x128xf32, #tpu.memory_space<vmem>>, vector<1x16xf32>,
      %swap3A_253 = arith.index_cast %scan3A_238 : i32 to index
      %swap3A_254 = arith.constant 48 : index
      %swap3A_255 = tpu.vector_load %arg12[%swap3A_253, %swap3A_254] {strides = array<i32>} : memref<64x128xf32, #tpu.memory_space<vmem>>, vector<1x16xf32>,
      %swap3A_256 = vector.shape_cast %swap3A_255 : vector<1x16xf32> to vector<16xf32>
      %swap3A_257 = vector.shape_cast %broadcast_in_dim3A_28 : vector<16xf32> to vector<1x16xf32>
      tpu.vector_store %arg12[%swap3A_253, %swap3A_254], %swap3A_257 {strides = array<i32>} : memref<64x128xf32, #tpu.memory_space<vmem>>, vector<1x16xf32>,
      %swap3A_258 = arith.index_cast %scan3A_238 : i32 to index
      %swap3A_259 = arith.constant 64 : index
      %swap3A_260 = tpu.vector_load %arg12[%swap3A_258, %swap3A_259] {strides = array<i32>} : memref<64x128xf32, #tpu.memory_space<vmem>>, vector<1x16xf32>,
      %swap3A_261 = vector.shape_cast %swap3A_260 : vector<1x16xf32> to vector<16xf32>
      %swap3A_262 = vector.shape_cast %broadcast_in_dim3A_28 : vector<16xf32> to vector<1x16xf32>
      tpu.vector_store %arg12[%swap3A_258, %swap3A_259], %swap3A_262 {strides = array<i32>} : memref<64x128xf32, #tpu.memory_space<vmem>>, vector<1x16xf32>,
      %swap3A_263 = arith.index_cast %scan3A_238 : i32 to index
      %swap3A_264 = arith.constant 80 : index
      %swap3A_265 = tpu.vector_load %arg12[%swap3A_263, %swap3A_264] {strides = array<i32>} : memref<64x128xf32, #tpu.memory_space<vmem>>, vector<1x16xf32>,
      %swap3A_266 = vector.shape_cast %swap3A_265 : vector<1x16xf32> to vector<16xf32>
      %swap3A_267 = vector.shape_cast %broadcast_in_dim3A_28 : vector<16xf32> to vector<1x16xf32>
      tpu.vector_store %arg12[%swap3A_263, %swap3A_264], %swap3A_267 {strides = array<i32>} : memref<64x128xf32, #tpu.memory_space<vmem>>, vector<1x16xf32>,
      %swap3A_268 = arith.index_cast %scan3A_238 : i32 to index
      %swap3A_269 = arith.constant 96 : index
      %swap3A_270 = tpu.vector_load %arg12[%swap3A_268, %swap3A_269] {strides = array<i32>} : memref<64x128xf32, #tpu.memory_space<vmem>>, vector<1x16xf32>,
      %swap3A_271 = vector.shape_cast %swap3A_270 : vector<1x16xf32> to vector<16xf32>
      %swap3A_272 = vector.shape_cast %broadcast_in_dim3A_28 : vector<16xf32> to vector<1x16xf32>
      tpu.vector_store %arg12[%swap3A_268, %swap3A_269], %swap3A_272 {strides = array<i32>} : memref<64x128xf32, #tpu.memory_space<vmem>>, vector<1x16xf32>,
      %swap3A_273 = arith.index_cast %scan3A_238 : i32 to index
      %swap3A_274 = arith.constant 112 : index
      %swap3A_275 = tpu.vector_load %arg12[%swap3A_273, %swap3A_274] {strides = array<i32>} : memref<64x128xf32, #tpu.memory_space<vmem>>, vector<1x16xf32>,
      %swap3A_276 = vector.shape_cast %swap3A_275 : vector<1x16xf32> to vector<16xf32>
      %swap3A_277 = vector.shape_cast %broadcast_in_dim3A_28 : vector<16xf32> to vector<1x16xf32>
      tpu.vector_store %arg12[%swap3A_273, %swap3A_274], %swap3A_277 {strides = array<i32>} : memref<64x128xf32, #tpu.memory_space<vmem>>, vector<1x16xf32>,
    }
    %scan3A_33 = arith.constant 64 : i32
    %dma_wait3A = arith.constant 0 : i32
    %dma_wait3A_34 = arith.constant 0 : i32
    %dma_wait3A_35 = tpu.memref_slice %arg2[%add3A, %dma_wait3A, %dma_wait3A_34] : memref<32x127x80xi32, #tpu.memory_space<hbm>> -> memref<1x1x80xi32, #tpu.memory_space<hbm>>
    %dma_wait3A_36 = tpu.memref_squeeze %dma_wait3A_35 : memref<1x1x80xi32, #tpu.memory_space<hbm>> -> memref<80xi32, #tpu.memory_space<hbm>>
    %dma_wait3A_37 = arith.constant 0 : i32
    %dma_wait3A_38 = tpu.memref_slice %arg2[%add3A, %dma_wait3A, %dma_wait3A_37] : memref<32x127x80xi32, #tpu.memory_space<hbm>> -> memref<1x1x80xi32, #tpu.memory_space<hbm>>
    %dma_wait3A_39 = tpu.memref_squeeze %dma_wait3A_38 : memref<1x1x80xi32, #tpu.memory_space<hbm>> -> memref<80xi32, #tpu.memory_space<hbm>>
    tpu.wait_dma2 semaphore(%arg14 : memref<!tpu.dma_semaphore, #tpu.memory_space<semaphore_mem>>) src(%dma_wait3A_39 : memref<80xi32, #tpu.memory_space<hbm>>) dst(%arg6 : memref<80xi32, #tpu.memory_space<vmem>>)
    %dma_wait3A_40 = arith.constant 0 : i32
    %dma_wait3A_41 = arith.constant 0 : i32
    %dma_wait3A_42 = tpu.memref_slice %arg3[%add3A, %dma_wait3A_40, %dma_wait3A_41] : memref<32x127x80xi32, #tpu.memory_space<hbm>> -> memref<1x1x80xi32, #tpu.memory_space<hbm>>
    %dma_wait3A_43 = tpu.memref_squeeze %dma_wait3A_42 : memref<1x1x80xi32, #tpu.memory_space<hbm>> -> memref<80xi32, #tpu.memory_space<hbm>>
    %dma_wait3A_44 = arith.constant 0 : i32
    %dma_wait3A_45 = tpu.memref_slice %arg3[%add3A, %dma_wait3A_40, %dma_wait3A_44] : memref<32x127x80xi32, #tpu.memory_space<hbm>> -> memref<1x1x80xi32, #tpu.memory_space<hbm>>
    %dma_wait3A_46 = tpu.memref_squeeze %dma_wait3A_45 : memref<1x1x80xi32, #tpu.memory_space<hbm>> -> memref<80xi32, #tpu.memory_space<hbm>>
    tpu.wait_dma2 semaphore(%arg14 : memref<!tpu.dma_semaphore, #tpu.memory_space<semaphore_mem>>) src(%dma_wait3A_46 : memref<80xi32, #tpu.memory_space<hbm>>) dst(%arg8 : memref<80xi32, #tpu.memory_space<vmem>>)
    %dma_start3A_47 = arith.constant 0 : i32
    %dma_start3A_48 = arith.constant 0 : i32
    %dma_start3A_49 = tpu.memref_slice %arg4[%dma_start3A_47, %dma_start3A_48] : memref<10000x128xf32, #tpu.memory_space<hbm>> -> memref<10000x128xf32, #tpu.memory_space<hbm>>
    tpu.enqueue_indirect_dma source(%dma_start3A_49 : memref<10000x128xf32, #tpu.memory_space<hbm>>) target(%arg10 : memref<80x128xf32, #tpu.memory_space<vmem>>) offsets(%arg6 : memref<80xi32, #tpu.memory_space<vmem>>) semaphore(%arg16 : memref<!tpu.dma_semaphore, #tpu.memory_space<semaphore_mem>>)
    %mul3A_50 = arith.constant 640 : i32
    %mul3A_51 = arith.muli %arg1, %mul3A_50 : i32
    %add3A_52 = arith.constant 0 : i32
    %add3A_53 = arith.addi %mul3A_51, %add3A_52 : i32
    %dma_start3A_54 = arith.constant 0 : i32
    %dma_start3A_55 = tpu.memref_slice %arg13[%add3A_53, %dma_start3A_54] : memref<10240x128xf32, #tpu.memory_space<vmem_shared>> -> memref<64x128xf32, #tpu.memory_space<vmem_shared>>
    %dma_start3A_56 = arith.constant 0 : i32
    %dma_start3A_57 = tpu.memref_slice %arg13[%add3A_53, %dma_start3A_56] : memref<10240x128xf32, #tpu.memory_space<vmem_shared>> -> memref<64x128xf32, #tpu.memory_space<vmem_shared>>
    tpu.enqueue_dma source(%arg12 : memref<64x128xf32, #tpu.memory_space<vmem>>) target(%dma_start3A_57 : memref<64x128xf32, #tpu.memory_space<vmem_shared>>) target_semaphore(%arg18 : memref<!tpu.dma_semaphore, #tpu.memory_space<semaphore_mem>>)
    %mul3A_58 = arith.constant 640 : i32
    %mul3A_59 = arith.muli %arg1, %mul3A_58 : i32
    %add3A_60 = arith.constant 64 : i32
    %add3A_61 = arith.addi %mul3A_59, %add3A_60 : i32
    %dma_start3A_62 = arith.constant 0 : i32
    %dma_start3A_63 = tpu.memref_slice %arg13[%add3A_61, %dma_start3A_62] : memref<10240x128xf32, #tpu.memory_space<vmem_shared>> -> memref<64x128xf32, #tpu.memory_space<vmem_shared>>
    %dma_start3A_64 = arith.constant 0 : i32
    %dma_start3A_65 = tpu.memref_slice %arg13[%add3A_61, %dma_start3A_64] : memref<10240x128xf32, #tpu.memory_space<vmem_shared>> -> memref<64x128xf32, #tpu.memory_space<vmem_shared>>
    tpu.enqueue_dma source(%arg12 : memref<64x128xf32, #tpu.memory_space<vmem>>) target(%dma_start3A_65 : memref<64x128xf32, #tpu.memory_space<vmem_shared>>) target_semaphore(%arg18 : memref<!tpu.dma_semaphore, #tpu.memory_space<semaphore_mem>>)
    %mul3A_66 = arith.constant 640 : i32
    %mul3A_67 = arith.muli %arg1, %mul3A_66 : i32
    %add3A_68 = arith.constant 128 : i32
    %add3A_69 = arith.addi %mul3A_67, %add3A_68 : i32
    %dma_start3A_70 = arith.constant 0 : i32
    %dma_start3A_71 = tpu.memref_slice %arg13[%add3A_69, %dma_start3A_70] : memref<10240x128xf32, #tpu.memory_space<vmem_shared>> -> memref<64x128xf32, #tpu.memory_space<vmem_shared>>
    %dma_start3A_72 = arith.constant 0 : i32
    %dma_start3A_73 = tpu.memref_slice %arg13[%add3A_69, %dma_start3A_72] : memref<10240x128xf32, #tpu.memory_space<vmem_shared>> -> memref<64x128xf32, #tpu.memory_space<vmem_shared>>
    tpu.enqueue_dma source(%arg12 : memref<64x128xf32, #tpu.memory_space<vmem>>) target(%dma_start3A_73 : memref<64x128xf32, #tpu.memory_space<vmem_shared>>) target_semaphore(%arg18 : memref<!tpu.dma_semaphore, #tpu.memory_space<semaphore_mem>>)
    %mul3A_74 = arith.constant 640 : i32
    %mul3A_75 = arith.muli %arg1, %mul3A_74 : i32
    %add3A_76 = arith.constant 192 : i32
    %add3A_77 = arith.addi %mul3A_75, %add3A_76 : i32
    %dma_start3A_78 = arith.constant 0 : i32
    %dma_start3A_79 = tpu.memref_slice %arg13[%add3A_77, %dma_start3A_78] : memref<10240x128xf32, #tpu.memory_space<vmem_shared>> -> memref<64x128xf32, #tpu.memory_space<vmem_shared>>
    %dma_start3A_80 = arith.constant 0 : i32
    %dma_start3A_81 = tpu.memref_slice %arg13[%add3A_77, %dma_start3A_80] : memref<10240x128xf32, #tpu.memory_space<vmem_shared>> -> memref<64x128xf32, #tpu.memory_space<vmem_shared>>
    tpu.enqueue_dma source(%arg12 : memref<64x128xf32, #tpu.memory_space<vmem>>) target(%dma_start3A_81 : memref<64x128xf32, #tpu.memory_space<vmem_shared>>) target_semaphore(%arg18 : memref<!tpu.dma_semaphore, #tpu.memory_space<semaphore_mem>>)
    %mul3A_82 = arith.constant 640 : i32
    %mul3A_83 = arith.muli %arg1, %mul3A_82 : i32
    %add3A_84 = arith.constant 256 : i32
    %add3A_85 = arith.addi %mul3A_83, %add3A_84 : i32
    %dma_start3A_86 = arith.constant 0 : i32
    %dma_start3A_87 = tpu.memref_slice %arg13[%add3A_85, %dma_start3A_86] : memref<10240x128xf32, #tpu.memory_space<vmem_shared>> -> memref<64x128xf32, #tpu.memory_space<vmem_shared>>
    %dma_start3A_88 = arith.constant 0 : i32
    %dma_start3A_89 = tpu.memref_slice %arg13[%add3A_85, %dma_start3A_88] : memref<10240x128xf32, #tpu.memory_space<vmem_shared>> -> memref<64x128xf32, #tpu.memory_space<vmem_shared>>
    tpu.enqueue_dma source(%arg12 : memref<64x128xf32, #tpu.memory_space<vmem>>) target(%dma_start3A_89 : memref<64x128xf32, #tpu.memory_space<vmem_shared>>) target_semaphore(%arg18 : memref<!tpu.dma_semaphore, #tpu.memory_space<semaphore_mem>>)
    %mul3A_90 = arith.constant 640 : i32
    %mul3A_91 = arith.muli %arg1, %mul3A_90 : i32
    %add3A_92 = arith.constant 320 : i32
    %add3A_93 = arith.addi %mul3A_91, %add3A_92 : i32
    %dma_start3A_94 = arith.constant 0 : i32
    %dma_start3A_95 = tpu.memref_slice %arg13[%add3A_93, %dma_start3A_94] : memref<10240x128xf32, #tpu.memory_space<vmem_shared>> -> memref<64x128xf32, #tpu.memory_space<vmem_shared>>
    %dma_start3A_96 = arith.constant 0 : i32
    %dma_start3A_97 = tpu.memref_slice %arg13[%add3A_93, %dma_start3A_96] : memref<10240x128xf32, #tpu.memory_space<vmem_shared>> -> memref<64x128xf32, #tpu.memory_space<vmem_shared>>
    tpu.enqueue_dma source(%arg12 : memref<64x128xf32, #tpu.memory_space<vmem>>) target(%dma_start3A_97 : memref<64x128xf32, #tpu.memory_space<vmem_shared>>) target_semaphore(%arg18 : memref<!tpu.dma_semaphore, #tpu.memory_space<semaphore_mem>>)
    %mul3A_98 = arith.constant 640 : i32
    %mul3A_99 = arith.muli %arg1, %mul3A_98 : i32
    %add3A_100 = arith.constant 384 : i32
    %add3A_101 = arith.addi %mul3A_99, %add3A_100 : i32
    %dma_start3A_102 = arith.constant 0 : i32
    %dma_start3A_103 = tpu.memref_slice %arg13[%add3A_101, %dma_start3A_102] : memref<10240x128xf32, #tpu.memory_space<vmem_shared>> -> memref<64x128xf32, #tpu.memory_space<vmem_shared>>
    %dma_start3A_104 = arith.constant 0 : i32
    %dma_start3A_105 = tpu.memref_slice %arg13[%add3A_101, %dma_start3A_104] : memref<10240x128xf32, #tpu.memory_space<vmem_shared>> -> memref<64x128xf32, #tpu.memory_space<vmem_shared>>
    tpu.enqueue_dma source(%arg12 : memref<64x128xf32, #tpu.memory_space<vmem>>) target(%dma_start3A_105 : memref<64x128xf32, #tpu.memory_space<vmem_shared>>) target_semaphore(%arg18 : memref<!tpu.dma_semaphore, #tpu.memory_space<semaphore_mem>>)
    %mul3A_106 = arith.constant 640 : i32
    %mul3A_107 = arith.muli %arg1, %mul3A_106 : i32
    %add3A_108 = arith.constant 448 : i32
    %add3A_109 = arith.addi %mul3A_107, %add3A_108 : i32
    %dma_start3A_110 = arith.constant 0 : i32
    %dma_start3A_111 = tpu.memref_slice %arg13[%add3A_109, %dma_start3A_110] : memref<10240x128xf32, #tpu.memory_space<vmem_shared>> -> memref<64x128xf32, #tpu.memory_space<vmem_shared>>
    %dma_start3A_112 = arith.constant 0 : i32
    %dma_start3A_113 = tpu.memref_slice %arg13[%add3A_109, %dma_start3A_112] : memref<10240x128xf32, #tpu.memory_space<vmem_shared>> -> memref<64x128xf32, #tpu.memory_space<vmem_shared>>
    tpu.enqueue_dma source(%arg12 : memref<64x128xf32, #tpu.memory_space<vmem>>) target(%dma_start3A_113 : memref<64x128xf32, #tpu.memory_space<vmem_shared>>) target_semaphore(%arg18 : memref<!tpu.dma_semaphore, #tpu.memory_space<semaphore_mem>>)
    %mul3A_114 = arith.constant 640 : i32
    %mul3A_115 = arith.muli %arg1, %mul3A_114 : i32
    %add3A_116 = arith.constant 512 : i32
    %add3A_117 = arith.addi %mul3A_115, %add3A_116 : i32
    %dma_start3A_118 = arith.constant 0 : i32
    %dma_start3A_119 = tpu.memref_slice %arg13[%add3A_117, %dma_start3A_118] : memref<10240x128xf32, #tpu.memory_space<vmem_shared>> -> memref<64x128xf32, #tpu.memory_space<vmem_shared>>
    %dma_start3A_120 = arith.constant 0 : i32
    %dma_start3A_121 = tpu.memref_slice %arg13[%add3A_117, %dma_start3A_120] : memref<10240x128xf32, #tpu.memory_space<vmem_shared>> -> memref<64x128xf32, #tpu.memory_space<vmem_shared>>
    tpu.enqueue_dma source(%arg12 : memref<64x128xf32, #tpu.memory_space<vmem>>) target(%dma_start3A_121 : memref<64x128xf32, #tpu.memory_space<vmem_shared>>) target_semaphore(%arg18 : memref<!tpu.dma_semaphore, #tpu.memory_space<semaphore_mem>>)
    %mul3A_122 = arith.constant 640 : i32
    %mul3A_123 = arith.muli %arg1, %mul3A_122 : i32
    %add3A_124 = arith.constant 576 : i32
    %add3A_125 = arith.addi %mul3A_123, %add3A_124 : i32
    %dma_start3A_126 = arith.constant 0 : i32
    %dma_start3A_127 = tpu.memref_slice %arg13[%add3A_125, %dma_start3A_126] : memref<10240x128xf32, #tpu.memory_space<vmem_shared>> -> memref<64x128xf32, #tpu.memory_space<vmem_shared>>
    %dma_start3A_128 = arith.constant 0 : i32
    %dma_start3A_129 = tpu.memref_slice %arg13[%add3A_125, %dma_start3A_128] : memref<10240x128xf32, #tpu.memory_space<vmem_shared>> -> memref<64x128xf32, #tpu.memory_space<vmem_shared>>
    tpu.enqueue_dma source(%arg12 : memref<64x128xf32, #tpu.memory_space<vmem>>) target(%dma_start3A_129 : memref<64x128xf32, #tpu.memory_space<vmem_shared>>) target_semaphore(%arg18 : memref<!tpu.dma_semaphore, #tpu.memory_space<semaphore_mem>>)
    %mul3A_130 = arith.constant 640 : i32
    %mul3A_131 = arith.muli %arg1, %mul3A_130 : i32
    %add3A_132 = arith.constant 0 : i32
    %add3A_133 = arith.addi %mul3A_131, %add3A_132 : i32
    %dma_wait3A_134 = arith.constant 0 : i32
    %dma_wait3A_135 = tpu.memref_slice %arg13[%add3A_133, %dma_wait3A_134] : memref<10240x128xf32, #tpu.memory_space<vmem_shared>> -> memref<64x128xf32, #tpu.memory_space<vmem_shared>>
    %dma_wait3A_136 = arith.constant 0 : i32
    %dma_wait3A_137 = tpu.memref_slice %arg13[%add3A_133, %dma_wait3A_136] : memref<10240x128xf32, #tpu.memory_space<vmem_shared>> -> memref<64x128xf32, #tpu.memory_space<vmem_shared>>
    tpu.wait_dma2 semaphore(%arg18 : memref<!tpu.dma_semaphore, #tpu.memory_space<semaphore_mem>>) src(%arg12 : memref<64x128xf32, #tpu.memory_space<vmem>>) dst(%dma_wait3A_137 : memref<64x128xf32, #tpu.memory_space<vmem_shared>>)
    %mul3A_138 = arith.constant 640 : i32
    %mul3A_139 = arith.muli %arg1, %mul3A_138 : i32
    %add3A_140 = arith.constant 64 : i32
    %add3A_141 = arith.addi %mul3A_139, %add3A_140 : i32
    %dma_wait3A_142 = arith.constant 0 : i32
    %dma_wait3A_143 = tpu.memref_slice %arg13[%add3A_141, %dma_wait3A_142] : memref<10240x128xf32, #tpu.memory_space<vmem_shared>> -> memref<64x128xf32, #tpu.memory_space<vmem_shared>>
    %dma_wait3A_144 = arith.constant 0 : i32
    %dma_wait3A_145 = tpu.memref_slice %arg13[%add3A_141, %dma_wait3A_144] : memref<10240x128xf32, #tpu.memory_space<vmem_shared>> -> memref<64x128xf32, #tpu.memory_space<vmem_shared>>
    tpu.wait_dma2 semaphore(%arg18 : memref<!tpu.dma_semaphore, #tpu.memory_space<semaphore_mem>>) src(%arg12 : memref<64x128xf32, #tpu.memory_space<vmem>>) dst(%dma_wait3A_145 : memref<64x128xf32, #tpu.memory_space<vmem_shared>>)
    %mul3A_146 = arith.constant 640 : i32
    %mul3A_147 = arith.muli %arg1, %mul3A_146 : i32
    %add3A_148 = arith.constant 128 : i32
    %add3A_149 = arith.addi %mul3A_147, %add3A_148 : i32
    %dma_wait3A_150 = arith.constant 0 : i32
    %dma_wait3A_151 = tpu.memref_slice %arg13[%add3A_149, %dma_wait3A_150] : memref<10240x128xf32, #tpu.memory_space<vmem_shared>> -> memref<64x128xf32, #tpu.memory_space<vmem_shared>>
    %dma_wait3A_152 = arith.constant 0 : i32
    %dma_wait3A_153 = tpu.memref_slice %arg13[%add3A_149, %dma_wait3A_152] : memref<10240x128xf32, #tpu.memory_space<vmem_shared>> -> memref<64x128xf32, #tpu.memory_space<vmem_shared>>
    tpu.wait_dma2 semaphore(%arg18 : memref<!tpu.dma_semaphore, #tpu.memory_space<semaphore_mem>>) src(%arg12 : memref<64x128xf32, #tpu.memory_space<vmem>>) dst(%dma_wait3A_153 : memref<64x128xf32, #tpu.memory_space<vmem_shared>>)
    %mul3A_154 = arith.constant 640 : i32
    %mul3A_155 = arith.muli %arg1, %mul3A_154 : i32
    %add3A_156 = arith.constant 192 : i32
    %add3A_157 = arith.addi %mul3A_155, %add3A_156 : i32
    %dma_wait3A_158 = arith.constant 0 : i32
    %dma_wait3A_159 = tpu.memref_slice %arg13[%add3A_157, %dma_wait3A_158] : memref<10240x128xf32, #tpu.memory_space<vmem_shared>> -> memref<64x128xf32, #tpu.memory_space<vmem_shared>>
    %dma_wait3A_160 = arith.constant 0 : i32
    %dma_wait3A_161 = tpu.memref_slice %arg13[%add3A_157, %dma_wait3A_160] : memref<10240x128xf32, #tpu.memory_space<vmem_shared>> -> memref<64x128xf32, #tpu.memory_space<vmem_shared>>
    tpu.wait_dma2 semaphore(%arg18 : memref<!tpu.dma_semaphore, #tpu.memory_space<semaphore_mem>>) src(%arg12 : memref<64x128xf32, #tpu.memory_space<vmem>>) dst(%dma_wait3A_161 : memref<64x128xf32, #tpu.memory_space<vmem_shared>>)
    %mul3A_162 = arith.constant 640 : i32
    %mul3A_163 = arith.muli %arg1, %mul3A_162 : i32
    %add3A_164 = arith.constant 256 : i32
    %add3A_165 = arith.addi %mul3A_163, %add3A_164 : i32
    %dma_wait3A_166 = arith.constant 0 : i32
    %dma_wait3A_167 = tpu.memref_slice %arg13[%add3A_165, %dma_wait3A_166] : memref<10240x128xf32, #tpu.memory_space<vmem_shared>> -> memref<64x128xf32, #tpu.memory_space<vmem_shared>>
    %dma_wait3A_168 = arith.constant 0 : i32
    %dma_wait3A_169 = tpu.memref_slice %arg13[%add3A_165, %dma_wait3A_168] : memref<10240x128xf32, #tpu.memory_space<vmem_shared>> -> memref<64x128xf32, #tpu.memory_space<vmem_shared>>
    tpu.wait_dma2 semaphore(%arg18 : memref<!tpu.dma_semaphore, #tpu.memory_space<semaphore_mem>>) src(%arg12 : memref<64x128xf32, #tpu.memory_space<vmem>>) dst(%dma_wait3A_169 : memref<64x128xf32, #tpu.memory_space<vmem_shared>>)
    %mul3A_170 = arith.constant 640 : i32
    %mul3A_171 = arith.muli %arg1, %mul3A_170 : i32
    %add3A_172 = arith.constant 320 : i32
    %add3A_173 = arith.addi %mul3A_171, %add3A_172 : i32
    %dma_wait3A_174 = arith.constant 0 : i32
    %dma_wait3A_175 = tpu.memref_slice %arg13[%add3A_173, %dma_wait3A_174] : memref<10240x128xf32, #tpu.memory_space<vmem_shared>> -> memref<64x128xf32, #tpu.memory_space<vmem_shared>>
    %dma_wait3A_176 = arith.constant 0 : i32
    %dma_wait3A_177 = tpu.memref_slice %arg13[%add3A_173, %dma_wait3A_176] : memref<10240x128xf32, #tpu.memory_space<vmem_shared>> -> memref<64x128xf32, #tpu.memory_space<vmem_shared>>
    tpu.wait_dma2 semaphore(%arg18 : memref<!tpu.dma_semaphore, #tpu.memory_space<semaphore_mem>>) src(%arg12 : memref<64x128xf32, #tpu.memory_space<vmem>>) dst(%dma_wait3A_177 : memref<64x128xf32, #tpu.memory_space<vmem_shared>>)
    %mul3A_178 = arith.constant 640 : i32
    %mul3A_179 = arith.muli %arg1, %mul3A_178 : i32
    %add3A_180 = arith.constant 384 : i32
    %add3A_181 = arith.addi %mul3A_179, %add3A_180 : i32
    %dma_wait3A_182 = arith.constant 0 : i32
    %dma_wait3A_183 = tpu.memref_slice %arg13[%add3A_181, %dma_wait3A_182] : memref<10240x128xf32, #tpu.memory_space<vmem_shared>> -> memref<64x128xf32, #tpu.memory_space<vmem_shared>>
    %dma_wait3A_184 = arith.constant 0 : i32
    %dma_wait3A_185 = tpu.memref_slice %arg13[%add3A_181, %dma_wait3A_184] : memref<10240x128xf32, #tpu.memory_space<vmem_shared>> -> memref<64x128xf32, #tpu.memory_space<vmem_shared>>
    tpu.wait_dma2 semaphore(%arg18 : memref<!tpu.dma_semaphore, #tpu.memory_space<semaphore_mem>>) src(%arg12 : memref<64x128xf32, #tpu.memory_space<vmem>>) dst(%dma_wait3A_185 : memref<64x128xf32, #tpu.memory_space<vmem_shared>>)
    %mul3A_186 = arith.constant 640 : i32
    %mul3A_187 = arith.muli %arg1, %mul3A_186 : i32
    %add3A_188 = arith.constant 448 : i32
    %add3A_189 = arith.addi %mul3A_187, %add3A_188 : i32
    %dma_wait3A_190 = arith.constant 0 : i32
    %dma_wait3A_191 = tpu.memref_slice %arg13[%add3A_189, %dma_wait3A_190] : memref<10240x128xf32, #tpu.memory_space<vmem_shared>> -> memref<64x128xf32, #tpu.memory_space<vmem_shared>>
    %dma_wait3A_192 = arith.constant 0 : i32
    %dma_wait3A_193 = tpu.memref_slice %arg13[%add3A_189, %dma_wait3A_192] : memref<10240x128xf32, #tpu.memory_space<vmem_shared>> -> memref<64x128xf32, #tpu.memory_space<vmem_shared>>
    tpu.wait_dma2 semaphore(%arg18 : memref<!tpu.dma_semaphore, #tpu.memory_space<semaphore_mem>>) src(%arg12 : memref<64x128xf32, #tpu.memory_space<vmem>>) dst(%dma_wait3A_193 : memref<64x128xf32, #tpu.memory_space<vmem_shared>>)
    %mul3A_194 = arith.constant 640 : i32
    %mul3A_195 = arith.muli %arg1, %mul3A_194 : i32
    %add3A_196 = arith.constant 512 : i32
    %add3A_197 = arith.addi %mul3A_195, %add3A_196 : i32
    %dma_wait3A_198 = arith.constant 0 : i32
    %dma_wait3A_199 = tpu.memref_slice %arg13[%add3A_197, %dma_wait3A_198] : memref<10240x128xf32, #tpu.memory_space<vmem_shared>> -> memref<64x128xf32, #tpu.memory_space<vmem_shared>>
    %dma_wait3A_200 = arith.constant 0 : i32
    %dma_wait3A_201 = tpu.memref_slice %arg13[%add3A_197, %dma_wait3A_200] : memref<10240x128xf32, #tpu.memory_space<vmem_shared>> -> memref<64x128xf32, #tpu.memory_space<vmem_shared>>
    tpu.wait_dma2 semaphore(%arg18 : memref<!tpu.dma_semaphore, #tpu.memory_space<semaphore_mem>>) src(%arg12 : memref<64x128xf32, #tpu.memory_space<vmem>>) dst(%dma_wait3A_201 : memref<64x128xf32, #tpu.memory_space<vmem_shared>>)
    %mul3A_202 = arith.constant 640 : i32
    %mul3A_203 = arith.muli %arg1, %mul3A_202 : i32
    %add3A_204 = arith.constant 576 : i32
    %add3A_205 = arith.addi %mul3A_203, %add3A_204 : i32
    %dma_wait3A_206 = arith.constant 0 : i32
    %dma_wait3A_207 = tpu.memref_slice %arg13[%add3A_205, %dma_wait3A_206] : memref<10240x128xf32, #tpu.memory_space<vmem_shared>> -> memref<64x128xf32, #tpu.memory_space<vmem_shared>>
    %dma_wait3A_208 = arith.constant 0 : i32
    %dma_wait3A_209 = tpu.memref_slice %arg13[%add3A_205, %dma_wait3A_208] : memref<10240x128xf32, #tpu.memory_space<vmem_shared>> -> memref<64x128xf32, #tpu.memory_space<vmem_shared>>
    tpu.wait_dma2 semaphore(%arg18 : memref<!tpu.dma_semaphore, #tpu.memory_space<semaphore_mem>>) src(%arg12 : memref<64x128xf32, #tpu.memory_space<vmem>>) dst(%dma_wait3A_209 : memref<64x128xf32, #tpu.memory_space<vmem_shared>>)
    %barrier3A = arith.constant 0 : index
    tpu.barrier barrier_id(%barrier3A)
    %scan3A_210 = arith.constant 0 : i32
    %scan3A_211 = arith.constant 0 : i32
    %scan3A_212 = arith.constant 62 : i32
    %scan3A_213 = arith.addi %scan3A_211, %scan3A_212 : i32
    %scan3A_214 = arith.constant 1 : i32
    scf.for %scan3A_238 = %scan3A_211 to %scan3A_213 step %scan3A_214  : i32 {
      %mul3A_239 = arith.constant 2 : i32
      %mul3A_240 = arith.muli %mul3A_239, %scan3A_238 : i32
      %add3A_241 = arith.constant 1 : i32
      %add3A_242 = arith.addi %mul3A_240, %add3A_241 : i32
      %dma_wait3A_243 = arith.constant 0 : i32
      %dma_wait3A_244 = tpu.memref_slice %arg2[%add3A, %add3A_242, %dma_wait3A_243] : memref<32x127x80xi32, #tpu.memory_space<hbm>> -> memref<1x1x80xi32, #tpu.memory_space<hbm>>
      %dma_wait3A_245 = tpu.memref_squeeze %dma_wait3A_244 : memref<1x1x80xi32, #tpu.memory_space<hbm>> -> memref<80xi32, #tpu.memory_space<hbm>>
      %dma_wait3A_246 = arith.constant 0 : i32
      %dma_wait3A_247 = tpu.memref_slice %arg2[%add3A, %add3A_242, %dma_wait3A_246] : memref<32x127x80xi32, #tpu.memory_space<hbm>> -> memref<1x1x80xi32, #tpu.memory_space<hbm>>
      %dma_wait3A_248 = tpu.memref_squeeze %dma_wait3A_247 : memref<1x1x80xi32, #tpu.memory_space<hbm>> -> memref<80xi32, #tpu.memory_space<hbm>>
      tpu.wait_dma2 semaphore(%arg15 : memref<!tpu.dma_semaphore, #tpu.memory_space<semaphore_mem>>) src(%dma_wait3A_248 : memref<80xi32, #tpu.memory_space<hbm>>) dst(%arg7 : memref<80xi32, #tpu.memory_space<vmem>>)
      %dma_wait3A_249 = arith.constant 0 : i32
      %dma_wait3A_250 = tpu.memref_slice %arg3[%add3A, %add3A_242, %dma_wait3A_249] : memref<32x127x80xi32, #tpu.memory_space<hbm>> -> memref<1x1x80xi32, #tpu.memory_space<hbm>>
      %dma_wait3A_251 = tpu.memref_squeeze %dma_wait3A_250 : memref<1x1x80xi32, #tpu.memory_space<hbm>> -> memref<80xi32, #tpu.memory_space<hbm>>
      %dma_wait3A_252 = arith.constant 0 : i32
      %dma_wait3A_253 = tpu.memref_slice %arg3[%add3A, %add3A_242, %dma_wait3A_252] : memref<32x127x80xi32, #tpu.memory_space<hbm>> -> memref<1x1x80xi32, #tpu.memory_space<hbm>>
      %dma_wait3A_254 = tpu.memref_squeeze %dma_wait3A_253 : memref<1x1x80xi32, #tpu.memory_space<hbm>> -> memref<80xi32, #tpu.memory_space<hbm>>
      tpu.wait_dma2 semaphore(%arg15 : memref<!tpu.dma_semaphore, #tpu.memory_space<semaphore_mem>>) src(%dma_wait3A_254 : memref<80xi32, #tpu.memory_space<hbm>>) dst(%arg9 : memref<80xi32, #tpu.memory_space<vmem>>)
      %dma_start3A_255 = arith.constant 0 : i32
      %dma_start3A_256 = arith.constant 0 : i32
      %dma_start3A_257 = tpu.memref_slice %arg4[%dma_start3A_255, %dma_start3A_256] : memref<10000x128xf32, #tpu.memory_space<hbm>> -> memref<10000x128xf32, #tpu.memory_space<hbm>>
      tpu.enqueue_indirect_dma source(%dma_start3A_257 : memref<10000x128xf32, #tpu.memory_space<hbm>>) target(%arg11 : memref<80x128xf32, #tpu.memory_space<vmem>>) offsets(%arg7 : memref<80xi32, #tpu.memory_space<vmem>>) semaphore(%arg17 : memref<!tpu.dma_semaphore, #tpu.memory_space<semaphore_mem>>)
      %dma_wait3A_258 = arith.constant 0 : i32
      %dma_wait3A_259 = arith.constant 0 : i32
      %dma_wait3A_260 = tpu.memref_slice %arg4[%dma_wait3A_258, %dma_wait3A_259] : memref<10000x128xf32, #tpu.memory_space<hbm>> -> memref<10000x128xf32, #tpu.memory_space<hbm>>
      tpu.wait_indirect_dma semaphore(%arg16 : memref<!tpu.dma_semaphore, #tpu.memory_space<semaphore_mem>>) src(%dma_wait3A_260 : memref<10000x128xf32, #tpu.memory_space<hbm>>) dst(%arg10 : memref<80x128xf32, #tpu.memory_space<vmem>>)
      "tpu.region"() ({
        %run_scoped3A = tpu.sem_alloc : memref<!tpu.dma_semaphore, #tpu.memory_space<semaphore_mem>>
        %dma_start3A_309 = arith.constant 0 : i32
        %dma_start3A_310 = arith.constant 0 : i32
        %dma_start3A_311 = tpu.memref_slice %arg13[%dma_start3A_309, %dma_start3A_310] : memref<10240x128xf32, #tpu.memory_space<vmem_shared>> -> memref<10240x128xf32, #tpu.memory_space<vmem_shared>>
        tpu.enqueue_indirect_dma source(%arg10 : memref<80x128xf32, #tpu.memory_space<vmem>>) target(%dma_start3A_311 : memref<10240x128xf32, #tpu.memory_space<vmem_shared>>) offsets(%arg8 : memref<80xi32, #tpu.memory_space<vmem>>) semaphore(%run_scoped3A : memref<!tpu.dma_semaphore, #tpu.memory_space<semaphore_mem>>) {add = true}
        %dma_wait3A_312 = arith.constant 0 : i32
        %dma_wait3A_313 = arith.constant 0 : i32
        %dma_wait3A_314 = tpu.memref_slice %arg13[%dma_wait3A_312, %dma_wait3A_313] : memref<10240x128xf32, #tpu.memory_space<vmem_shared>> -> memref<10240x128xf32, #tpu.memory_space<vmem_shared>>
        tpu.wait_indirect_dma semaphore(%run_scoped3A : memref<!tpu.dma_semaphore, #tpu.memory_space<semaphore_mem>>) src(%arg10 : memref<80x128xf32, #tpu.memory_space<vmem>>) dst(%dma_wait3A_314 : memref<10240x128xf32, #tpu.memory_space<vmem_shared>>)
        tpu.yield
      }) : () -> ()
      %add3A_261 = arith.constant 2 : i32
      %add3A_262 = arith.addi %mul3A_240, %add3A_261 : i32
      %dma_start3A_263 = arith.constant 0 : i32
      %dma_start3A_264 = tpu.memref_slice %arg2[%add3A, %add3A_262, %dma_start3A_263] : memref<32x127x80xi32, #tpu.memory_space<hbm>> -> memref<1x1x80xi32, #tpu.memory_space<hbm>>
      %dma_start3A_265 = tpu.memref_squeeze %dma_start3A_264 : memref<1x1x80xi32, #tpu.memory_space<hbm>> -> memref<80xi32, #tpu.memory_space<hbm>>
      %dma_start3A_266 = arith.constant 0 : i32
      %dma_start3A_267 = tpu.memref_slice %arg2[%add3A, %add3A_262, %dma_start3A_266] : memref<32x127x80xi32, #tpu.memory_space<hbm>> -> memref<1x1x80xi32, #tpu.memory_space<hbm>>
      %dma_start3A_268 = tpu.memref_squeeze %dma_start3A_267 : memref<1x1x80xi32, #tpu.memory_space<hbm>> -> memref<80xi32, #tpu.memory_space<hbm>>
      tpu.enqueue_dma source(%dma_start3A_268 : memref<80xi32, #tpu.memory_space<hbm>>) target(%arg6 : memref<80xi32, #tpu.memory_space<vmem>>) target_semaphore(%arg14 : memref<!tpu.dma_semaphore, #tpu.memory_space<semaphore_mem>>)
      %dma_start3A_269 = arith.constant 0 : i32
      %dma_start3A_270 = tpu.memref_slice %arg3[%add3A, %add3A_262, %dma_start3A_269] : memref<32x127x80xi32, #tpu.memory_space<hbm>> -> memref<1x1x80xi32, #tpu.memory_space<hbm>>
      %dma_start3A_271 = tpu.memref_squeeze %dma_start3A_270 : memref<1x1x80xi32, #tpu.memory_space<hbm>> -> memref<80xi32, #tpu.memory_space<hbm>>
      %dma_start3A_272 = arith.constant 0 : i32
      %dma_start3A_273 = tpu.memref_slice %arg3[%add3A, %add3A_262, %dma_start3A_272] : memref<32x127x80xi32, #tpu.memory_space<hbm>> -> memref<1x1x80xi32, #tpu.memory_space<hbm>>
      %dma_start3A_274 = tpu.memref_squeeze %dma_start3A_273 : memref<1x1x80xi32, #tpu.memory_space<hbm>> -> memref<80xi32, #tpu.memory_space<hbm>>
      tpu.enqueue_dma source(%dma_start3A_274 : memref<80xi32, #tpu.memory_space<hbm>>) target(%arg8 : memref<80xi32, #tpu.memory_space<vmem>>) target_semaphore(%arg14 : memref<!tpu.dma_semaphore, #tpu.memory_space<semaphore_mem>>)
      %add3A_275 = arith.constant 2 : i32
      %add3A_276 = arith.addi %mul3A_240, %add3A_275 : i32
      %dma_wait3A_277 = arith.constant 0 : i32
      %dma_wait3A_278 = tpu.memref_slice %arg2[%add3A, %add3A_276, %dma_wait3A_277] : memref<32x127x80xi32, #tpu.memory_space<hbm>> -> memref<1x1x80xi32, #tpu.memory_space<hbm>>
      %dma_wait3A_279 = tpu.memref_squeeze %dma_wait3A_278 : memref<1x1x80xi32, #tpu.memory_space<hbm>> -> memref<80xi32, #tpu.memory_space<hbm>>
      %dma_wait3A_280 = arith.constant 0 : i32
      %dma_wait3A_281 = tpu.memref_slice %arg2[%add3A, %add3A_276, %dma_wait3A_280] : memref<32x127x80xi32, #tpu.memory_space<hbm>> -> memref<1x1x80xi32, #tpu.memory_space<hbm>>
      %dma_wait3A_282 = tpu.memref_squeeze %dma_wait3A_281 : memref<1x1x80xi32, #tpu.memory_space<hbm>> -> memref<80xi32, #tpu.memory_space<hbm>>
      tpu.wait_dma2 semaphore(%arg14 : memref<!tpu.dma_semaphore, #tpu.memory_space<semaphore_mem>>) src(%dma_wait3A_282 : memref<80xi32, #tpu.memory_space<hbm>>) dst(%arg6 : memref<80xi32, #tpu.memory_space<vmem>>)
      %dma_wait3A_283 = arith.constant 0 : i32
      %dma_wait3A_284 = tpu.memref_slice %arg3[%add3A, %add3A_276, %dma_wait3A_283] : memref<32x127x80xi32, #tpu.memory_space<hbm>> -> memref<1x1x80xi32, #tpu.memory_space<hbm>>
      %dma_wait3A_285 = tpu.memref_squeeze %dma_wait3A_284 : memref<1x1x80xi32, #tpu.memory_space<hbm>> -> memref<80xi32, #tpu.memory_space<hbm>>
      %dma_wait3A_286 = arith.constant 0 : i32
      %dma_wait3A_287 = tpu.memref_slice %arg3[%add3A, %add3A_276, %dma_wait3A_286] : memref<32x127x80xi32, #tpu.memory_space<hbm>> -> memref<1x1x80xi32, #tpu.memory_space<hbm>>
      %dma_wait3A_288 = tpu.memref_squeeze %dma_wait3A_287 : memref<1x1x80xi32, #tpu.memory_space<hbm>> -> memref<80xi32, #tpu.memory_space<hbm>>
      tpu.wait_dma2 semaphore(%arg14 : memref<!tpu.dma_semaphore, #tpu.memory_space<semaphore_mem>>) src(%dma_wait3A_288 : memref<80xi32, #tpu.memory_space<hbm>>) dst(%arg8 : memref<80xi32, #tpu.memory_space<vmem>>)
      %dma_start3A_289 = arith.constant 0 : i32
      %dma_start3A_290 = arith.constant 0 : i32
      %dma_start3A_291 = tpu.memref_slice %arg4[%dma_start3A_289, %dma_start3A_290] : memref<10000x128xf32, #tpu.memory_space<hbm>> -> memref<10000x128xf32, #tpu.memory_space<hbm>>
      tpu.enqueue_indirect_dma source(%dma_start3A_291 : memref<10000x128xf32, #tpu.memory_space<hbm>>) target(%arg10 : memref<80x128xf32, #tpu.memory_space<vmem>>) offsets(%arg6 : memref<80xi32, #tpu.memory_space<vmem>>) semaphore(%arg16 : memref<!tpu.dma_semaphore, #tpu.memory_space<semaphore_mem>>)
      %dma_wait3A_292 = arith.constant 0 : i32
      %dma_wait3A_293 = arith.constant 0 : i32
      %dma_wait3A_294 = tpu.memref_slice %arg4[%dma_wait3A_292, %dma_wait3A_293] : memref<10000x128xf32, #tpu.memory_space<hbm>> -> memref<10000x128xf32, #tpu.memory_space<hbm>>
      tpu.wait_indirect_dma semaphore(%arg17 : memref<!tpu.dma_semaphore, #tpu.memory_space<semaphore_mem>>) src(%dma_wait3A_294 : memref<10000x128xf32, #tpu.memory_space<hbm>>) dst(%arg11 : memref<80x128xf32, #tpu.memory_space<vmem>>)
      "tpu.region"() ({
        %run_scoped3A = tpu.sem_alloc : memref<!tpu.dma_semaphore, #tpu.memory_space<semaphore_mem>>
        %dma_start3A_309 = arith.constant 0 : i32
        %dma_start3A_310 = arith.constant 0 : i32
        %dma_start3A_311 = tpu.memref_slice %arg13[%dma_start3A_309, %dma_start3A_310] : memref<10240x128xf32, #tpu.memory_space<vmem_shared>> -> memref<10240x128xf32, #tpu.memory_space<vmem_shared>>
        tpu.enqueue_indirect_dma source(%arg11 : memref<80x128xf32, #tpu.memory_space<vmem>>) target(%dma_start3A_311 : memref<10240x128xf32, #tpu.memory_space<vmem_shared>>) offsets(%arg9 : memref<80xi32, #tpu.memory_space<vmem>>) semaphore(%run_scoped3A : memref<!tpu.dma_semaphore, #tpu.memory_space<semaphore_mem>>) {add = true}
        %dma_wait3A_312 = arith.constant 0 : i32
        %dma_wait3A_313 = arith.constant 0 : i32
        %dma_wait3A_314 = tpu.memref_slice %arg13[%dma_wait3A_312, %dma_wait3A_313] : memref<10240x128xf32, #tpu.memory_space<vmem_shared>> -> memref<10240x128xf32, #tpu.memory_space<vmem_shared>>
        tpu.wait_indirect_dma semaphore(%run_scoped3A : memref<!tpu.dma_semaphore, #tpu.memory_space<semaphore_mem>>) src(%arg11 : memref<80x128xf32, #tpu.memory_space<vmem>>) dst(%dma_wait3A_314 : memref<10240x128xf32, #tpu.memory_space<vmem_shared>>)
        tpu.yield
      }) : () -> ()
      %add3A_295 = arith.constant 3 : i32
      %add3A_296 = arith.addi %mul3A_240, %add3A_295 : i32
      %dma_start3A_297 = arith.constant 0 : i32
      %dma_start3A_298 = tpu.memref_slice %arg2[%add3A, %add3A_296, %dma_start3A_297] : memref<32x127x80xi32, #tpu.memory_space<hbm>> -> memref<1x1x80xi32, #tpu.memory_space<hbm>>
      %dma_start3A_299 = tpu.memref_squeeze %dma_start3A_298 : memref<1x1x80xi32, #tpu.memory_space<hbm>> -> memref<80xi32, #tpu.memory_space<hbm>>
      %dma_start3A_300 = arith.constant 0 : i32
      %dma_start3A_301 = tpu.memref_slice %arg2[%add3A, %add3A_296, %dma_start3A_300] : memref<32x127x80xi32, #tpu.memory_space<hbm>> -> memref<1x1x80xi32, #tpu.memory_space<hbm>>
      %dma_start3A_302 = tpu.memref_squeeze %dma_start3A_301 : memref<1x1x80xi32, #tpu.memory_space<hbm>> -> memref<80xi32, #tpu.memory_space<hbm>>
      tpu.enqueue_dma source(%dma_start3A_302 : memref<80xi32, #tpu.memory_space<hbm>>) target(%arg7 : memref<80xi32, #tpu.memory_space<vmem>>) target_semaphore(%arg15 : memref<!tpu.dma_semaphore, #tpu.memory_space<semaphore_mem>>)
      %dma_start3A_303 = arith.constant 0 : i32
      %dma_start3A_304 = tpu.memref_slice %arg3[%add3A, %add3A_296, %dma_start3A_303] : memref<32x127x80xi32, #tpu.memory_space<hbm>> -> memref<1x1x80xi32, #tpu.memory_space<hbm>>
      %dma_start3A_305 = tpu.memref_squeeze %dma_start3A_304 : memref<1x1x80xi32, #tpu.memory_space<hbm>> -> memref<80xi32, #tpu.memory_space<hbm>>
      %dma_start3A_306 = arith.constant 0 : i32
      %dma_start3A_307 = tpu.memref_slice %arg3[%add3A, %add3A_296, %dma_start3A_306] : memref<32x127x80xi32, #tpu.memory_space<hbm>> -> memref<1x1x80xi32, #tpu.memory_space<hbm>>
      %dma_start3A_308 = tpu.memref_squeeze %dma_start3A_307 : memref<1x1x80xi32, #tpu.memory_space<hbm>> -> memref<80xi32, #tpu.memory_space<hbm>>
      tpu.enqueue_dma source(%dma_start3A_308 : memref<80xi32, #tpu.memory_space<hbm>>) target(%arg9 : memref<80xi32, #tpu.memory_space<vmem>>) target_semaphore(%arg15 : memref<!tpu.dma_semaphore, #tpu.memory_space<semaphore_mem>>)
    }
    %scan3A_215 = arith.constant 62 : i32
    %dma_wait3A_216 = arith.constant 0 : i32
    %dma_wait3A_217 = arith.constant 0 : i32
    %dma_wait3A_218 = tpu.memref_slice %arg4[%dma_wait3A_216, %dma_wait3A_217] : memref<10000x128xf32, #tpu.memory_space<hbm>> -> memref<10000x128xf32, #tpu.memory_space<hbm>>
    tpu.wait_indirect_dma semaphore(%arg16 : memref<!tpu.dma_semaphore, #tpu.memory_space<semaphore_mem>>) src(%dma_wait3A_218 : memref<10000x128xf32, #tpu.memory_space<hbm>>) dst(%arg10 : memref<80x128xf32, #tpu.memory_space<vmem>>)
    "tpu.region"() ({
      %run_scoped3A = tpu.sem_alloc : memref<!tpu.dma_semaphore, #tpu.memory_space<semaphore_mem>>
      %dma_start3A_238 = arith.constant 0 : i32
      %dma_start3A_239 = arith.constant 0 : i32
      %dma_start3A_240 = tpu.memref_slice %arg13[%dma_start3A_238, %dma_start3A_239] : memref<10240x128xf32, #tpu.memory_space<vmem_shared>> -> memref<10240x128xf32, #tpu.memory_space<vmem_shared>>
      tpu.enqueue_indirect_dma source(%arg10 : memref<80x128xf32, #tpu.memory_space<vmem>>) target(%dma_start3A_240 : memref<10240x128xf32, #tpu.memory_space<vmem_shared>>) offsets(%arg8 : memref<80xi32, #tpu.memory_space<vmem>>) semaphore(%run_scoped3A : memref<!tpu.dma_semaphore, #tpu.memory_space<semaphore_mem>>) {add = true}
      %dma_wait3A_241 = arith.constant 0 : i32
      %dma_wait3A_242 = arith.constant 0 : i32
      %dma_wait3A_243 = tpu.memref_slice %arg13[%dma_wait3A_241, %dma_wait3A_242] : memref<10240x128xf32, #tpu.memory_space<vmem_shared>> -> memref<10240x128xf32, #tpu.memory_space<vmem_shared>>
      tpu.wait_indirect_dma semaphore(%run_scoped3A : memref<!tpu.dma_semaphore, #tpu.memory_space<semaphore_mem>>) src(%arg10 : memref<80x128xf32, #tpu.memory_space<vmem>>) dst(%dma_wait3A_243 : memref<10240x128xf32, #tpu.memory_space<vmem_shared>>)
      tpu.yield
    }) : () -> ()
    %dma_wait3A_219 = arith.constant 125 : i32
    %dma_wait3A_220 = arith.constant 0 : i32
    %dma_wait3A_221 = tpu.memref_slice %arg2[%add3A, %dma_wait3A_219, %dma_wait3A_220] : memref<32x127x80xi32, #tpu.memory_space<hbm>> -> memref<1x1x80xi32, #tpu.memory_space<hbm>>
    %dma_wait3A_222 = tpu.memref_squeeze %dma_wait3A_221 : memref<1x1x80xi32, #tpu.memory_space<hbm>> -> memref<80xi32, #tpu.memory_space<hbm>>
    %dma_wait3A_223 = arith.constant 0 : i32
    %dma_wait3A_224 = tpu.memref_slice %arg2[%add3A, %dma_wait3A_219, %dma_wait3A_223] : memref<32x127x80xi32, #tpu.memory_space<hbm>> -> memref<1x1x80xi32, #tpu.memory_space<hbm>>
    %dma_wait3A_225 = tpu.memref_squeeze %dma_wait3A_224 : memref<1x1x80xi32, #tpu.memory_space<hbm>> -> memref<80xi32, #tpu.memory_space<hbm>>
    tpu.wait_dma2 semaphore(%arg15 : memref<!tpu.dma_semaphore, #tpu.memory_space<semaphore_mem>>) src(%dma_wait3A_225 : memref<80xi32, #tpu.memory_space<hbm>>) dst(%arg7 : memref<80xi32, #tpu.memory_space<vmem>>)
    %dma_wait3A_226 = arith.constant 125 : i32
    %dma_wait3A_227 = arith.constant 0 : i32
    %dma_wait3A_228 = tpu.memref_slice %arg3[%add3A, %dma_wait3A_226, %dma_wait3A_227] : memref<32x127x80xi32, #tpu.memory_space<hbm>> -> memref<1x1x80xi32, #tpu.memory_space<hbm>>
    %dma_wait3A_229 = tpu.memref_squeeze %dma_wait3A_228 : memref<1x1x80xi32, #tpu.memory_space<hbm>> -> memref<80xi32, #tpu.memory_space<hbm>>
    %dma_wait3A_230 = arith.constant 0 : i32
    %dma_wait3A_231 = tpu.memref_slice %arg3[%add3A, %dma_wait3A_226, %dma_wait3A_230] : memref<32x127x80xi32, #tpu.memory_space<hbm>> -> memref<1x1x80xi32, #tpu.memory_space<hbm>>
    %dma_wait3A_232 = tpu.memref_squeeze %dma_wait3A_231 : memref<1x1x80xi32, #tpu.memory_space<hbm>> -> memref<80xi32, #tpu.memory_space<hbm>>
    tpu.wait_dma2 semaphore(%arg15 : memref<!tpu.dma_semaphore, #tpu.memory_space<semaphore_mem>>) src(%dma_wait3A_232 : memref<80xi32, #tpu.memory_space<hbm>>) dst(%arg9 : memref<80xi32, #tpu.memory_space<vmem>>)
    %barrier3A_233 = arith.constant 0 : index
    tpu.barrier barrier_id(%barrier3A_233)
    %mul3A_234 = arith.constant 640 : i32
    %mul3A_235 = arith.muli %arg1, %mul3A_234 : i32
    %mul3A_236 = arith.constant 640 : i32
    %mul3A_237 = arith.muli %arg1, %mul3A_236 : i32
    "tpu.region"() ({
      %run_scoped3A = tpu.sem_alloc : memref<!tpu.dma_semaphore, #tpu.memory_space<semaphore_mem>>
      %dma_start3A_238 = arith.constant 0 : i32
      %dma_start3A_239 = tpu.memref_slice %arg5[%arg0, %mul3A_237, %dma_start3A_238] : memref<2x10240x128xf32, #tpu.memory_space<hbm>> -> memref<1x640x128xf32, #tpu.memory_space<hbm>>
      %dma_start3A_240 = tpu.memref_squeeze %dma_start3A_239 : memref<1x640x128xf32, #tpu.memory_space<hbm>> -> memref<640x128xf32, #tpu.memory_space<hbm>>
      %dma_start3A_241 = arith.constant 0 : i32
      %dma_start3A_242 = tpu.memref_slice %arg13[%mul3A_235, %dma_start3A_241] : memref<10240x128xf32, #tpu.memory_space<vmem_shared>> -> memref<640x128xf32, #tpu.memory_space<vmem_shared>>
      tpu.enqueue_dma source(%dma_start3A_242 : memref<640x128xf32, #tpu.memory_space<vmem_shared>>) target(%dma_start3A_240 : memref<640x128xf32, #tpu.memory_space<hbm>>) target_semaphore(%run_scoped3A : memref<!tpu.dma_semaphore, #tpu.memory_space<semaphore_mem>>)
      %dma_wait3A_243 = arith.constant 0 : i32
      %dma_wait3A_244 = tpu.memref_slice %arg5[%arg0, %mul3A_237, %dma_wait3A_243] : memref<2x10240x128xf32, #tpu.memory_space<hbm>> -> memref<1x640x128xf32, #tpu.memory_space<hbm>>
      %dma_wait3A_245 = tpu.memref_squeeze %dma_wait3A_244 : memref<1x640x128xf32, #tpu.memory_space<hbm>> -> memref<640x128xf32, #tpu.memory_space<hbm>>
      %dma_wait3A_246 = arith.constant 0 : i32
      %dma_wait3A_247 = tpu.memref_slice %arg13[%mul3A_235, %dma_wait3A_246] : memref<10240x128xf32, #tpu.memory_space<vmem_shared>> -> memref<640x128xf32, #tpu.memory_space<vmem_shared>>
      tpu.wait_dma2 semaphore(%run_scoped3A : memref<!tpu.dma_semaphore, #tpu.memory_space<semaphore_mem>>) src(%dma_wait3A_247 : memref<640x128xf32, #tpu.memory_space<vmem_shared>>) dst(%dma_wait3A_245 : memref<640x128xf32, #tpu.memory_space<hbm>>)
      tpu.yield
    }) : () -> ()
    return
  }
}

#map = affine_map<(d0, d1) -> (0, 0, 0)>
#map1 = affine_map<(d0, d1) -> (0, 0)>
module attributes {stable_mosaic.version = 14 : i64} {
  func.func @agg(%arg0: i32, %arg1: i32, %arg2: memref<32x127x80xi32, #tpu.memory_space<hbm>>, %arg3: memref<32x127x80xi32, #tpu.memory_space<hbm>>, %arg4: memref<10000x128xf32, #tpu.memory_space<hbm>>, %arg5: memref<2x10240x128xf32, #tpu.memory_space<hbm>>, %arg6: memref<80xi32, #tpu.memory_space<vmem>>, %arg7: memref<80xi32, #tpu.memory_space<vmem>>, %arg8: memref<80xi32, #tpu.memory_space<vmem>>, %arg9: memref<80xi32, #tpu.memory_space<vmem>>, %arg10: memref<80x128xf32, #tpu.memory_space<vmem>>, %arg11: memref<80x128xf32, #tpu.memory_space<vmem>>, %arg12: memref<64x128xf32, #tpu.memory_space<vmem>>, %arg13: memref<10240x128xf32, #tpu.memory_space<vmem_shared>>, %arg14: memref<!tpu.dma_semaphore, #tpu.memory_space<semaphore_mem>>, %arg15: memref<!tpu.dma_semaphore, #tpu.memory_space<semaphore_mem>>, %arg16: memref<!tpu.dma_semaphore, #tpu.memory_space<semaphore_mem>>, %arg17: memref<!tpu.dma_semaphore, #tpu.memory_space<semaphore_mem>>, %arg18: memref<!tpu.dma_semaphore, #tpu.memory_space<semaphore_mem>>) attributes {dimension_semantics = [#tpu.dimension_semantics<core_parallel>, #tpu.dimension_semantics<subcore_parallel>], iteration_bounds = array<i64: 2, 16>, scalar_prefetch = 0 : i64, scratch_operands = 13 : i64, tpu.core_type = #tpu.core_type<sc_vector_subcore>, window_params = [{transform_indices = #map}, {transform_indices = #map}, {transform_indices = #map1}, {transform_indices = #map}]} {
    %mul3A = arith.constant 2 : i32
    %mul3A_0 = arith.muli %arg1, %mul3A : i32
    %add3A = arith.addi %mul3A_0, %arg0 : i32
    %dma_start3A = arith.constant 0 : i32
    %dma_start3A_1 = arith.constant 0 : i32
    %dma_start3A_2 = tpu.memref_slice %arg2[%add3A, %dma_start3A, %dma_start3A_1] : memref<32x127x80xi32, #tpu.memory_space<hbm>> -> memref<1x1x80xi32, #tpu.memory_space<hbm>>
    %dma_start3A_3 = tpu.memref_squeeze %dma_start3A_2 : memref<1x1x80xi32, #tpu.memory_space<hbm>> -> memref<80xi32, #tpu.memory_space<hbm>>
    %dma_start3A_4 = arith.constant 0 : i32
    %dma_start3A_5 = tpu.memref_slice %arg2[%add3A, %dma_start3A, %dma_start3A_4] : memref<32x127x80xi32, #tpu.memory_space<hbm>> -> memref<1x1x80xi32, #tpu.memory_space<hbm>>
    %dma_start3A_6 = tpu.memref_squeeze %dma_start3A_5 : memref<1x1x80xi32, #tpu.memory_space<hbm>> -> memref<80xi32, #tpu.memory_space<hbm>>
    tpu.enqueue_dma source(%dma_start3A_6 : memref<80xi32, #tpu.memory_space<hbm>>) target(%arg6 : memref<80xi32, #tpu.memory_space<vmem>>) target_semaphore(%arg14 : memref<!tpu.dma_semaphore, #tpu.memory_space<semaphore_mem>>)
    %dma_start3A_7 = arith.constant 0 : i32
    %dma_start3A_8 = arith.constant 0 : i32
    %dma_start3A_9 = tpu.memref_slice %arg3[%add3A, %dma_start3A_7, %dma_start3A_8] : memref<32x127x80xi32, #tpu.memory_space<hbm>> -> memref<1x1x80xi32, #tpu.memory_space<hbm>>
    %dma_start3A_10 = tpu.memref_squeeze %dma_start3A_9 : memref<1x1x80xi32, #tpu.memory_space<hbm>> -> memref<80xi32, #tpu.memory_space<hbm>>
    %dma_start3A_11 = arith.constant 0 : i32
    %dma_start3A_12 = tpu.memref_slice %arg3[%add3A, %dma_start3A_7, %dma_start3A_11] : memref<32x127x80xi32, #tpu.memory_space<hbm>> -> memref<1x1x80xi32, #tpu.memory_space<hbm>>
    %dma_start3A_13 = tpu.memref_squeeze %dma_start3A_12 : memref<1x1x80xi32, #tpu.memory_space<hbm>> -> memref<80xi32, #tpu.memory_space<hbm>>
    tpu.enqueue_dma source(%dma_start3A_13 : memref<80xi32, #tpu.memory_space<hbm>>) target(%arg8 : memref<80xi32, #tpu.memory_space<vmem>>) target_semaphore(%arg14 : memref<!tpu.dma_semaphore, #tpu.memory_space<semaphore_mem>>)
    %dma_start3A_14 = arith.constant 1 : i32
    %dma_start3A_15 = arith.constant 0 : i32
    %dma_start3A_16 = tpu.memref_slice %arg2[%add3A, %dma_start3A_14, %dma_start3A_15] : memref<32x127x80xi32, #tpu.memory_space<hbm>> -> memref<1x1x80xi32, #tpu.memory_space<hbm>>
    %dma_start3A_17 = tpu.memref_squeeze %dma_start3A_16 : memref<1x1x80xi32, #tpu.memory_space<hbm>> -> memref<80xi32, #tpu.memory_space<hbm>>
    %dma_start3A_18 = arith.constant 0 : i32
    %dma_start3A_19 = tpu.memref_slice %arg2[%add3A, %dma_start3A_14, %dma_start3A_18] : memref<32x127x80xi32, #tpu.memory_space<hbm>> -> memref<1x1x80xi32, #tpu.memory_space<hbm>>
    %dma_start3A_20 = tpu.memref_squeeze %dma_start3A_19 : memref<1x1x80xi32, #tpu.memory_space<hbm>> -> memref<80xi32, #tpu.memory_space<hbm>>
    tpu.enqueue_dma source(%dma_start3A_20 : memref<80xi32, #tpu.memory_space<hbm>>) target(%arg7 : memref<80xi32, #tpu.memory_space<vmem>>) target_semaphore(%arg15 : memref<!tpu.dma_semaphore, #tpu.memory_space<semaphore_mem>>)
    %dma_start3A_21 = arith.constant 1 : i32
    %dma_start3A_22 = arith.constant 0 : i32
    %dma_start3A_23 = tpu.memref_slice %arg3[%add3A, %dma_start3A_21, %dma_start3A_22] : memref<32x127x80xi32, #tpu.memory_space<hbm>> -> memref<1x1x80xi32, #tpu.memory_space<hbm>>
    %dma_start3A_24 = tpu.memref_squeeze %dma_start3A_23 : memref<1x1x80xi32, #tpu.memory_space<hbm>> -> memref<80xi32, #tpu.memory_space<hbm>>
    %dma_start3A_25 = arith.constant 0 : i32
    %dma_start3A_26 = tpu.memref_slice %arg3[%add3A, %dma_start3A_21, %dma_start3A_25] : memref<32x127x80xi32, #tpu.memory_space<hbm>> -> memref<1x1x80xi32, #tpu.memory_space<hbm>>
    %dma_start3A_27 = tpu.memref_squeeze %dma_start3A_26 : memref<1x1x80xi32, #tpu.memory_space<hbm>> -> memref<80xi32, #tpu.memory_space<hbm>>
    tpu.enqueue_dma source(%dma_start3A_27 : memref<80xi32, #tpu.memory_space<hbm>>) target(%arg9 : memref<80xi32, #tpu.memory_space<vmem>>) target_semaphore(%arg15 : memref<!tpu.dma_semaphore, #tpu.memory_space<semaphore_mem>>)
    %broadcast_in_dim3A = arith.constant 0.000000e+00 : f32
    %broadcast_in_dim3A_28 = vector.broadcast %broadcast_in_dim3A : f32 to vector<16xf32>
    %scan3A = arith.constant 0 : i32
    %scan3A_29 = arith.constant 0 : i32
    %scan3A_30 = arith.constant 64 : i32
    %scan3A_31 = arith.addi %scan3A_29, %scan3A_30 : i32
    %scan3A_32 = arith.constant 1 : i32
    scf.for %scan3A_238 = %scan3A_29 to %scan3A_31 step %scan3A_32  : i32 {
      %swap3A = arith.index_cast %scan3A_238 : i32 to index
      %swap3A_239 = arith.constant 0 : index
      %swap3A_240 = tpu.vector_load %arg12[%swap3A, %swap3A_239] {strides = array<i32>} : memref<64x128xf32, #tpu.memory_space<vmem>>, vector<1x16xf32>,
      %swap3A_241 = vector.shape_cast %swap3A_240 : vector<1x16xf32> to vector<16xf32>
      %swap3A_242 = vector.shape_cast %broadcast_in_dim3A_28 : vector<16xf32> to vector<1x16xf32>
      tpu.vector_store %arg12[%swap3A, %swap3A_239], %swap3A_242 {strides = array<i32>} : memref<64x128xf32, #tpu.memory_space<vmem>>, vector<1x16xf32>,
      %swap3A_243 = arith.index_cast %scan3A_238 : i32 to index
      %swap3A_244 = arith.constant 16 : index
      %swap3A_245 = tpu.vector_load %arg12[%swap3A_243, %swap3A_244] {strides = array<i32>} : memref<64x128xf32, #tpu.memory_space<vmem>>, vector<1x16xf32>,
      %swap3A_246 = vector.shape_cast %swap3A_245 : vector<1x16xf32> to vector<16xf32>
      %swap3A_247 = vector.shape_cast %broadcast_in_dim3A_28 : vector<16xf32> to vector<1x16xf32>
      tpu.vector_store %arg12[%swap3A_243, %swap3A_244], %swap3A_247 {strides = array<i32>} : memref<64x128xf32, #tpu.memory_space<vmem>>, vector<1x16xf32>,
      %swap3A_248 = arith.index_cast %scan3A_238 : i32 to index
      %swap3A_249 = arith.constant 32 : index
      %swap3A_250 = tpu.vector_load %arg12[%swap3A_248, %swap3A_249] {strides = array<i32>} : memref<64x128xf32, #tpu.memory_space<vmem>>, vector<1x16xf32>,
      %swap3A_251 = vector.shape_cast %swap3A_250 : vector<1x16xf32> to vector<16xf32>
      %swap3A_252 = vector.shape_cast %broadcast_in_dim3A_28 : vector<16xf32> to vector<1x16xf32>
      tpu.vector_store %arg12[%swap3A_248, %swap3A_249], %swap3A_252 {strides = array<i32>} : memref<64x128xf32, #tpu.memory_space<vmem>>, vector<1x16xf32>,
      %swap3A_253 = arith.index_cast %scan3A_238 : i32 to index
      %swap3A_254 = arith.constant 48 : index
      %swap3A_255 = tpu.vector_load %arg12[%swap3A_253, %swap3A_254] {strides = array<i32>} : memref<64x128xf32, #tpu.memory_space<vmem>>, vector<1x16xf32>,
      %swap3A_256 = vector.shape_cast %swap3A_255 : vector<1x16xf32> to vector<16xf32>
      %swap3A_257 = vector.shape_cast %broadcast_in_dim3A_28 : vector<16xf32> to vector<1x16xf32>
      tpu.vector_store %arg12[%swap3A_253, %swap3A_254], %swap3A_257 {strides = array<i32>} : memref<64x128xf32, #tpu.memory_space<vmem>>, vector<1x16xf32>,
      %swap3A_258 = arith.index_cast %scan3A_238 : i32 to index
      %swap3A_259 = arith.constant 64 : index
      %swap3A_260 = tpu.vector_load %arg12[%swap3A_258, %swap3A_259] {strides = array<i32>} : memref<64x128xf32, #tpu.memory_space<vmem>>, vector<1x16xf32>,
      %swap3A_261 = vector.shape_cast %swap3A_260 : vector<1x16xf32> to vector<16xf32>
      %swap3A_262 = vector.shape_cast %broadcast_in_dim3A_28 : vector<16xf32> to vector<1x16xf32>
      tpu.vector_store %arg12[%swap3A_258, %swap3A_259], %swap3A_262 {strides = array<i32>} : memref<64x128xf32, #tpu.memory_space<vmem>>, vector<1x16xf32>,
      %swap3A_263 = arith.index_cast %scan3A_238 : i32 to index
      %swap3A_264 = arith.constant 80 : index
      %swap3A_265 = tpu.vector_load %arg12[%swap3A_263, %swap3A_264] {strides = array<i32>} : memref<64x128xf32, #tpu.memory_space<vmem>>, vector<1x16xf32>,
      %swap3A_266 = vector.shape_cast %swap3A_265 : vector<1x16xf32> to vector<16xf32>
      %swap3A_267 = vector.shape_cast %broadcast_in_dim3A_28 : vector<16xf32> to vector<1x16xf32>
      tpu.vector_store %arg12[%swap3A_263, %swap3A_264], %swap3A_267 {strides = array<i32>} : memref<64x128xf32, #tpu.memory_space<vmem>>, vector<1x16xf32>,
      %swap3A_268 = arith.index_cast %scan3A_238 : i32 to index
      %swap3A_269 = arith.constant 96 : index
      %swap3A_270 = tpu.vector_load %arg12[%swap3A_268, %swap3A_269] {strides = array<i32>} : memref<64x128xf32, #tpu.memory_space<vmem>>, vector<1x16xf32>,
      %swap3A_271 = vector.shape_cast %swap3A_270 : vector<1x16xf32> to vector<16xf32>
      %swap3A_272 = vector.shape_cast %broadcast_in_dim3A_28 : vector<16xf32> to vector<1x16xf32>
      tpu.vector_store %arg12[%swap3A_268, %swap3A_269], %swap3A_272 {strides = array<i32>} : memref<64x128xf32, #tpu.memory_space<vmem>>, vector<1x16xf32>,
      %swap3A_273 = arith.index_cast %scan3A_238 : i32 to index
      %swap3A_274 = arith.constant 112 : index
      %swap3A_275 = tpu.vector_load %arg12[%swap3A_273, %swap3A_274] {strides = array<i32>} : memref<64x128xf32, #tpu.memory_space<vmem>>, vector<1x16xf32>,
      %swap3A_276 = vector.shape_cast %swap3A_275 : vector<1x16xf32> to vector<16xf32>
      %swap3A_277 = vector.shape_cast %broadcast_in_dim3A_28 : vector<16xf32> to vector<1x16xf32>
      tpu.vector_store %arg12[%swap3A_273, %swap3A_274], %swap3A_277 {strides = array<i32>} : memref<64x128xf32, #tpu.memory_space<vmem>>, vector<1x16xf32>,
    }
    %scan3A_33 = arith.constant 64 : i32
    %dma_wait3A = arith.constant 0 : i32
    %dma_wait3A_34 = arith.constant 0 : i32
    %dma_wait3A_35 = tpu.memref_slice %arg2[%add3A, %dma_wait3A, %dma_wait3A_34] : memref<32x127x80xi32, #tpu.memory_space<hbm>> -> memref<1x1x80xi32, #tpu.memory_space<hbm>>
    %dma_wait3A_36 = tpu.memref_squeeze %dma_wait3A_35 : memref<1x1x80xi32, #tpu.memory_space<hbm>> -> memref<80xi32, #tpu.memory_space<hbm>>
    %dma_wait3A_37 = arith.constant 0 : i32
    %dma_wait3A_38 = tpu.memref_slice %arg2[%add3A, %dma_wait3A, %dma_wait3A_37] : memref<32x127x80xi32, #tpu.memory_space<hbm>> -> memref<1x1x80xi32, #tpu.memory_space<hbm>>
    %dma_wait3A_39 = tpu.memref_squeeze %dma_wait3A_38 : memref<1x1x80xi32, #tpu.memory_space<hbm>> -> memref<80xi32, #tpu.memory_space<hbm>>
    tpu.wait_dma2 semaphore(%arg14 : memref<!tpu.dma_semaphore, #tpu.memory_space<semaphore_mem>>) src(%dma_wait3A_39 : memref<80xi32, #tpu.memory_space<hbm>>) dst(%arg6 : memref<80xi32, #tpu.memory_space<vmem>>)
    %dma_wait3A_40 = arith.constant 0 : i32
    %dma_wait3A_41 = arith.constant 0 : i32
    %dma_wait3A_42 = tpu.memref_slice %arg3[%add3A, %dma_wait3A_40, %dma_wait3A_41] : memref<32x127x80xi32, #tpu.memory_space<hbm>> -> memref<1x1x80xi32, #tpu.memory_space<hbm>>
    %dma_wait3A_43 = tpu.memref_squeeze %dma_wait3A_42 : memref<1x1x80xi32, #tpu.memory_space<hbm>> -> memref<80xi32, #tpu.memory_space<hbm>>
    %dma_wait3A_44 = arith.constant 0 : i32
    %dma_wait3A_45 = tpu.memref_slice %arg3[%add3A, %dma_wait3A_40, %dma_wait3A_44] : memref<32x127x80xi32, #tpu.memory_space<hbm>> -> memref<1x1x80xi32, #tpu.memory_space<hbm>>
    %dma_wait3A_46 = tpu.memref_squeeze %dma_wait3A_45 : memref<1x1x80xi32, #tpu.memory_space<hbm>> -> memref<80xi32, #tpu.memory_space<hbm>>
    tpu.wait_dma2 semaphore(%arg14 : memref<!tpu.dma_semaphore, #tpu.memory_space<semaphore_mem>>) src(%dma_wait3A_46 : memref<80xi32, #tpu.memory_space<hbm>>) dst(%arg8 : memref<80xi32, #tpu.memory_space<vmem>>)
    %dma_start3A_47 = arith.constant 0 : i32
    %dma_start3A_48 = arith.constant 0 : i32
    %dma_start3A_49 = tpu.memref_slice %arg4[%dma_start3A_47, %dma_start3A_48] : memref<10000x128xf32, #tpu.memory_space<hbm>> -> memref<10000x128xf32, #tpu.memory_space<hbm>>
    tpu.enqueue_indirect_dma source(%dma_start3A_49 : memref<10000x128xf32, #tpu.memory_space<hbm>>) target(%arg10 : memref<80x128xf32, #tpu.memory_space<vmem>>) offsets(%arg6 : memref<80xi32, #tpu.memory_space<vmem>>) semaphore(%arg16 : memref<!tpu.dma_semaphore, #tpu.memory_space<semaphore_mem>>)
    %mul3A_50 = arith.constant 640 : i32
    %mul3A_51 = arith.muli %arg1, %mul3A_50 : i32
    %add3A_52 = arith.constant 0 : i32
    %add3A_53 = arith.addi %mul3A_51, %add3A_52 : i32
    %dma_start3A_54 = arith.constant 0 : i32
    %dma_start3A_55 = tpu.memref_slice %arg13[%add3A_53, %dma_start3A_54] : memref<10240x128xf32, #tpu.memory_space<vmem_shared>> -> memref<64x128xf32, #tpu.memory_space<vmem_shared>>
    %dma_start3A_56 = arith.constant 0 : i32
    %dma_start3A_57 = tpu.memref_slice %arg13[%add3A_53, %dma_start3A_56] : memref<10240x128xf32, #tpu.memory_space<vmem_shared>> -> memref<64x128xf32, #tpu.memory_space<vmem_shared>>
    tpu.enqueue_dma source(%arg12 : memref<64x128xf32, #tpu.memory_space<vmem>>) target(%dma_start3A_57 : memref<64x128xf32, #tpu.memory_space<vmem_shared>>) target_semaphore(%arg18 : memref<!tpu.dma_semaphore, #tpu.memory_space<semaphore_mem>>)
    %mul3A_58 = arith.constant 640 : i32
    %mul3A_59 = arith.muli %arg1, %mul3A_58 : i32
    %add3A_60 = arith.constant 64 : i32
    %add3A_61 = arith.addi %mul3A_59, %add3A_60 : i32
    %dma_start3A_62 = arith.constant 0 : i32
    %dma_start3A_63 = tpu.memref_slice %arg13[%add3A_61, %dma_start3A_62] : memref<10240x128xf32, #tpu.memory_space<vmem_shared>> -> memref<64x128xf32, #tpu.memory_space<vmem_shared>>
    %dma_start3A_64 = arith.constant 0 : i32
    %dma_start3A_65 = tpu.memref_slice %arg13[%add3A_61, %dma_start3A_64] : memref<10240x128xf32, #tpu.memory_space<vmem_shared>> -> memref<64x128xf32, #tpu.memory_space<vmem_shared>>
    tpu.enqueue_dma source(%arg12 : memref<64x128xf32, #tpu.memory_space<vmem>>) target(%dma_start3A_65 : memref<64x128xf32, #tpu.memory_space<vmem_shared>>) target_semaphore(%arg18 : memref<!tpu.dma_semaphore, #tpu.memory_space<semaphore_mem>>)
    %mul3A_66 = arith.constant 640 : i32
    %mul3A_67 = arith.muli %arg1, %mul3A_66 : i32
    %add3A_68 = arith.constant 128 : i32
    %add3A_69 = arith.addi %mul3A_67, %add3A_68 : i32
    %dma_start3A_70 = arith.constant 0 : i32
    %dma_start3A_71 = tpu.memref_slice %arg13[%add3A_69, %dma_start3A_70] : memref<10240x128xf32, #tpu.memory_space<vmem_shared>> -> memref<64x128xf32, #tpu.memory_space<vmem_shared>>
    %dma_start3A_72 = arith.constant 0 : i32
    %dma_start3A_73 = tpu.memref_slice %arg13[%add3A_69, %dma_start3A_72] : memref<10240x128xf32, #tpu.memory_space<vmem_shared>> -> memref<64x128xf32, #tpu.memory_space<vmem_shared>>
    tpu.enqueue_dma source(%arg12 : memref<64x128xf32, #tpu.memory_space<vmem>>) target(%dma_start3A_73 : memref<64x128xf32, #tpu.memory_space<vmem_shared>>) target_semaphore(%arg18 : memref<!tpu.dma_semaphore, #tpu.memory_space<semaphore_mem>>)
    %mul3A_74 = arith.constant 640 : i32
    %mul3A_75 = arith.muli %arg1, %mul3A_74 : i32
    %add3A_76 = arith.constant 192 : i32
    %add3A_77 = arith.addi %mul3A_75, %add3A_76 : i32
    %dma_start3A_78 = arith.constant 0 : i32
    %dma_start3A_79 = tpu.memref_slice %arg13[%add3A_77, %dma_start3A_78] : memref<10240x128xf32, #tpu.memory_space<vmem_shared>> -> memref<64x128xf32, #tpu.memory_space<vmem_shared>>
    %dma_start3A_80 = arith.constant 0 : i32
    %dma_start3A_81 = tpu.memref_slice %arg13[%add3A_77, %dma_start3A_80] : memref<10240x128xf32, #tpu.memory_space<vmem_shared>> -> memref<64x128xf32, #tpu.memory_space<vmem_shared>>
    tpu.enqueue_dma source(%arg12 : memref<64x128xf32, #tpu.memory_space<vmem>>) target(%dma_start3A_81 : memref<64x128xf32, #tpu.memory_space<vmem_shared>>) target_semaphore(%arg18 : memref<!tpu.dma_semaphore, #tpu.memory_space<semaphore_mem>>)
    %mul3A_82 = arith.constant 640 : i32
    %mul3A_83 = arith.muli %arg1, %mul3A_82 : i32
    %add3A_84 = arith.constant 256 : i32
    %add3A_85 = arith.addi %mul3A_83, %add3A_84 : i32
    %dma_start3A_86 = arith.constant 0 : i32
    %dma_start3A_87 = tpu.memref_slice %arg13[%add3A_85, %dma_start3A_86] : memref<10240x128xf32, #tpu.memory_space<vmem_shared>> -> memref<64x128xf32, #tpu.memory_space<vmem_shared>>
    %dma_start3A_88 = arith.constant 0 : i32
    %dma_start3A_89 = tpu.memref_slice %arg13[%add3A_85, %dma_start3A_88] : memref<10240x128xf32, #tpu.memory_space<vmem_shared>> -> memref<64x128xf32, #tpu.memory_space<vmem_shared>>
    tpu.enqueue_dma source(%arg12 : memref<64x128xf32, #tpu.memory_space<vmem>>) target(%dma_start3A_89 : memref<64x128xf32, #tpu.memory_space<vmem_shared>>) target_semaphore(%arg18 : memref<!tpu.dma_semaphore, #tpu.memory_space<semaphore_mem>>)
    %mul3A_90 = arith.constant 640 : i32
    %mul3A_91 = arith.muli %arg1, %mul3A_90 : i32
    %add3A_92 = arith.constant 320 : i32
    %add3A_93 = arith.addi %mul3A_91, %add3A_92 : i32
    %dma_start3A_94 = arith.constant 0 : i32
    %dma_start3A_95 = tpu.memref_slice %arg13[%add3A_93, %dma_start3A_94] : memref<10240x128xf32, #tpu.memory_space<vmem_shared>> -> memref<64x128xf32, #tpu.memory_space<vmem_shared>>
    %dma_start3A_96 = arith.constant 0 : i32
    %dma_start3A_97 = tpu.memref_slice %arg13[%add3A_93, %dma_start3A_96] : memref<10240x128xf32, #tpu.memory_space<vmem_shared>> -> memref<64x128xf32, #tpu.memory_space<vmem_shared>>
    tpu.enqueue_dma source(%arg12 : memref<64x128xf32, #tpu.memory_space<vmem>>) target(%dma_start3A_97 : memref<64x128xf32, #tpu.memory_space<vmem_shared>>) target_semaphore(%arg18 : memref<!tpu.dma_semaphore, #tpu.memory_space<semaphore_mem>>)
    %mul3A_98 = arith.constant 640 : i32
    %mul3A_99 = arith.muli %arg1, %mul3A_98 : i32
    %add3A_100 = arith.constant 384 : i32
    %add3A_101 = arith.addi %mul3A_99, %add3A_100 : i32
    %dma_start3A_102 = arith.constant 0 : i32
    %dma_start3A_103 = tpu.memref_slice %arg13[%add3A_101, %dma_start3A_102] : memref<10240x128xf32, #tpu.memory_space<vmem_shared>> -> memref<64x128xf32, #tpu.memory_space<vmem_shared>>
    %dma_start3A_104 = arith.constant 0 : i32
    %dma_start3A_105 = tpu.memref_slice %arg13[%add3A_101, %dma_start3A_104] : memref<10240x128xf32, #tpu.memory_space<vmem_shared>> -> memref<64x128xf32, #tpu.memory_space<vmem_shared>>
    tpu.enqueue_dma source(%arg12 : memref<64x128xf32, #tpu.memory_space<vmem>>) target(%dma_start3A_105 : memref<64x128xf32, #tpu.memory_space<vmem_shared>>) target_semaphore(%arg18 : memref<!tpu.dma_semaphore, #tpu.memory_space<semaphore_mem>>)
    %mul3A_106 = arith.constant 640 : i32
    %mul3A_107 = arith.muli %arg1, %mul3A_106 : i32
    %add3A_108 = arith.constant 448 : i32
    %add3A_109 = arith.addi %mul3A_107, %add3A_108 : i32
    %dma_start3A_110 = arith.constant 0 : i32
    %dma_start3A_111 = tpu.memref_slice %arg13[%add3A_109, %dma_start3A_110] : memref<10240x128xf32, #tpu.memory_space<vmem_shared>> -> memref<64x128xf32, #tpu.memory_space<vmem_shared>>
    %dma_start3A_112 = arith.constant 0 : i32
    %dma_start3A_113 = tpu.memref_slice %arg13[%add3A_109, %dma_start3A_112] : memref<10240x128xf32, #tpu.memory_space<vmem_shared>> -> memref<64x128xf32, #tpu.memory_space<vmem_shared>>
    tpu.enqueue_dma source(%arg12 : memref<64x128xf32, #tpu.memory_space<vmem>>) target(%dma_start3A_113 : memref<64x128xf32, #tpu.memory_space<vmem_shared>>) target_semaphore(%arg18 : memref<!tpu.dma_semaphore, #tpu.memory_space<semaphore_mem>>)
    %mul3A_114 = arith.constant 640 : i32
    %mul3A_115 = arith.muli %arg1, %mul3A_114 : i32
    %add3A_116 = arith.constant 512 : i32
    %add3A_117 = arith.addi %mul3A_115, %add3A_116 : i32
    %dma_start3A_118 = arith.constant 0 : i32
    %dma_start3A_119 = tpu.memref_slice %arg13[%add3A_117, %dma_start3A_118] : memref<10240x128xf32, #tpu.memory_space<vmem_shared>> -> memref<64x128xf32, #tpu.memory_space<vmem_shared>>
    %dma_start3A_120 = arith.constant 0 : i32
    %dma_start3A_121 = tpu.memref_slice %arg13[%add3A_117, %dma_start3A_120] : memref<10240x128xf32, #tpu.memory_space<vmem_shared>> -> memref<64x128xf32, #tpu.memory_space<vmem_shared>>
    tpu.enqueue_dma source(%arg12 : memref<64x128xf32, #tpu.memory_space<vmem>>) target(%dma_start3A_121 : memref<64x128xf32, #tpu.memory_space<vmem_shared>>) target_semaphore(%arg18 : memref<!tpu.dma_semaphore, #tpu.memory_space<semaphore_mem>>)
    %mul3A_122 = arith.constant 640 : i32
    %mul3A_123 = arith.muli %arg1, %mul3A_122 : i32
    %add3A_124 = arith.constant 576 : i32
    %add3A_125 = arith.addi %mul3A_123, %add3A_124 : i32
    %dma_start3A_126 = arith.constant 0 : i32
    %dma_start3A_127 = tpu.memref_slice %arg13[%add3A_125, %dma_start3A_126] : memref<10240x128xf32, #tpu.memory_space<vmem_shared>> -> memref<64x128xf32, #tpu.memory_space<vmem_shared>>
    %dma_start3A_128 = arith.constant 0 : i32
    %dma_start3A_129 = tpu.memref_slice %arg13[%add3A_125, %dma_start3A_128] : memref<10240x128xf32, #tpu.memory_space<vmem_shared>> -> memref<64x128xf32, #tpu.memory_space<vmem_shared>>
    tpu.enqueue_dma source(%arg12 : memref<64x128xf32, #tpu.memory_space<vmem>>) target(%dma_start3A_129 : memref<64x128xf32, #tpu.memory_space<vmem_shared>>) target_semaphore(%arg18 : memref<!tpu.dma_semaphore, #tpu.memory_space<semaphore_mem>>)
    %mul3A_130 = arith.constant 640 : i32
    %mul3A_131 = arith.muli %arg1, %mul3A_130 : i32
    %add3A_132 = arith.constant 0 : i32
    %add3A_133 = arith.addi %mul3A_131, %add3A_132 : i32
    %dma_wait3A_134 = arith.constant 0 : i32
    %dma_wait3A_135 = tpu.memref_slice %arg13[%add3A_133, %dma_wait3A_134] : memref<10240x128xf32, #tpu.memory_space<vmem_shared>> -> memref<64x128xf32, #tpu.memory_space<vmem_shared>>
    %dma_wait3A_136 = arith.constant 0 : i32
    %dma_wait3A_137 = tpu.memref_slice %arg13[%add3A_133, %dma_wait3A_136] : memref<10240x128xf32, #tpu.memory_space<vmem_shared>> -> memref<64x128xf32, #tpu.memory_space<vmem_shared>>
    tpu.wait_dma2 semaphore(%arg18 : memref<!tpu.dma_semaphore, #tpu.memory_space<semaphore_mem>>) src(%arg12 : memref<64x128xf32, #tpu.memory_space<vmem>>) dst(%dma_wait3A_137 : memref<64x128xf32, #tpu.memory_space<vmem_shared>>)
    %mul3A_138 = arith.constant 640 : i32
    %mul3A_139 = arith.muli %arg1, %mul3A_138 : i32
    %add3A_140 = arith.constant 64 : i32
    %add3A_141 = arith.addi %mul3A_139, %add3A_140 : i32
    %dma_wait3A_142 = arith.constant 0 : i32
    %dma_wait3A_143 = tpu.memref_slice %arg13[%add3A_141, %dma_wait3A_142] : memref<10240x128xf32, #tpu.memory_space<vmem_shared>> -> memref<64x128xf32, #tpu.memory_space<vmem_shared>>
    %dma_wait3A_144 = arith.constant 0 : i32
    %dma_wait3A_145 = tpu.memref_slice %arg13[%add3A_141, %dma_wait3A_144] : memref<10240x128xf32, #tpu.memory_space<vmem_shared>> -> memref<64x128xf32, #tpu.memory_space<vmem_shared>>
    tpu.wait_dma2 semaphore(%arg18 : memref<!tpu.dma_semaphore, #tpu.memory_space<semaphore_mem>>) src(%arg12 : memref<64x128xf32, #tpu.memory_space<vmem>>) dst(%dma_wait3A_145 : memref<64x128xf32, #tpu.memory_space<vmem_shared>>)
    %mul3A_146 = arith.constant 640 : i32
    %mul3A_147 = arith.muli %arg1, %mul3A_146 : i32
    %add3A_148 = arith.constant 128 : i32
    %add3A_149 = arith.addi %mul3A_147, %add3A_148 : i32
    %dma_wait3A_150 = arith.constant 0 : i32
    %dma_wait3A_151 = tpu.memref_slice %arg13[%add3A_149, %dma_wait3A_150] : memref<10240x128xf32, #tpu.memory_space<vmem_shared>> -> memref<64x128xf32, #tpu.memory_space<vmem_shared>>
    %dma_wait3A_152 = arith.constant 0 : i32
    %dma_wait3A_153 = tpu.memref_slice %arg13[%add3A_149, %dma_wait3A_152] : memref<10240x128xf32, #tpu.memory_space<vmem_shared>> -> memref<64x128xf32, #tpu.memory_space<vmem_shared>>
    tpu.wait_dma2 semaphore(%arg18 : memref<!tpu.dma_semaphore, #tpu.memory_space<semaphore_mem>>) src(%arg12 : memref<64x128xf32, #tpu.memory_space<vmem>>) dst(%dma_wait3A_153 : memref<64x128xf32, #tpu.memory_space<vmem_shared>>)
    %mul3A_154 = arith.constant 640 : i32
    %mul3A_155 = arith.muli %arg1, %mul3A_154 : i32
    %add3A_156 = arith.constant 192 : i32
    %add3A_157 = arith.addi %mul3A_155, %add3A_156 : i32
    %dma_wait3A_158 = arith.constant 0 : i32
    %dma_wait3A_159 = tpu.memref_slice %arg13[%add3A_157, %dma_wait3A_158] : memref<10240x128xf32, #tpu.memory_space<vmem_shared>> -> memref<64x128xf32, #tpu.memory_space<vmem_shared>>
    %dma_wait3A_160 = arith.constant 0 : i32
    %dma_wait3A_161 = tpu.memref_slice %arg13[%add3A_157, %dma_wait3A_160] : memref<10240x128xf32, #tpu.memory_space<vmem_shared>> -> memref<64x128xf32, #tpu.memory_space<vmem_shared>>
    tpu.wait_dma2 semaphore(%arg18 : memref<!tpu.dma_semaphore, #tpu.memory_space<semaphore_mem>>) src(%arg12 : memref<64x128xf32, #tpu.memory_space<vmem>>) dst(%dma_wait3A_161 : memref<64x128xf32, #tpu.memory_space<vmem_shared>>)
    %mul3A_162 = arith.constant 640 : i32
    %mul3A_163 = arith.muli %arg1, %mul3A_162 : i32
    %add3A_164 = arith.constant 256 : i32
    %add3A_165 = arith.addi %mul3A_163, %add3A_164 : i32
    %dma_wait3A_166 = arith.constant 0 : i32
    %dma_wait3A_167 = tpu.memref_slice %arg13[%add3A_165, %dma_wait3A_166] : memref<10240x128xf32, #tpu.memory_space<vmem_shared>> -> memref<64x128xf32, #tpu.memory_space<vmem_shared>>
    %dma_wait3A_168 = arith.constant 0 : i32
    %dma_wait3A_169 = tpu.memref_slice %arg13[%add3A_165, %dma_wait3A_168] : memref<10240x128xf32, #tpu.memory_space<vmem_shared>> -> memref<64x128xf32, #tpu.memory_space<vmem_shared>>
    tpu.wait_dma2 semaphore(%arg18 : memref<!tpu.dma_semaphore, #tpu.memory_space<semaphore_mem>>) src(%arg12 : memref<64x128xf32, #tpu.memory_space<vmem>>) dst(%dma_wait3A_169 : memref<64x128xf32, #tpu.memory_space<vmem_shared>>)
    %mul3A_170 = arith.constant 640 : i32
    %mul3A_171 = arith.muli %arg1, %mul3A_170 : i32
    %add3A_172 = arith.constant 320 : i32
    %add3A_173 = arith.addi %mul3A_171, %add3A_172 : i32
    %dma_wait3A_174 = arith.constant 0 : i32
    %dma_wait3A_175 = tpu.memref_slice %arg13[%add3A_173, %dma_wait3A_174] : memref<10240x128xf32, #tpu.memory_space<vmem_shared>> -> memref<64x128xf32, #tpu.memory_space<vmem_shared>>
    %dma_wait3A_176 = arith.constant 0 : i32
    %dma_wait3A_177 = tpu.memref_slice %arg13[%add3A_173, %dma_wait3A_176] : memref<10240x128xf32, #tpu.memory_space<vmem_shared>> -> memref<64x128xf32, #tpu.memory_space<vmem_shared>>
    tpu.wait_dma2 semaphore(%arg18 : memref<!tpu.dma_semaphore, #tpu.memory_space<semaphore_mem>>) src(%arg12 : memref<64x128xf32, #tpu.memory_space<vmem>>) dst(%dma_wait3A_177 : memref<64x128xf32, #tpu.memory_space<vmem_shared>>)
    %mul3A_178 = arith.constant 640 : i32
    %mul3A_179 = arith.muli %arg1, %mul3A_178 : i32
    %add3A_180 = arith.constant 384 : i32
    %add3A_181 = arith.addi %mul3A_179, %add3A_180 : i32
    %dma_wait3A_182 = arith.constant 0 : i32
    %dma_wait3A_183 = tpu.memref_slice %arg13[%add3A_181, %dma_wait3A_182] : memref<10240x128xf32, #tpu.memory_space<vmem_shared>> -> memref<64x128xf32, #tpu.memory_space<vmem_shared>>
    %dma_wait3A_184 = arith.constant 0 : i32
    %dma_wait3A_185 = tpu.memref_slice %arg13[%add3A_181, %dma_wait3A_184] : memref<10240x128xf32, #tpu.memory_space<vmem_shared>> -> memref<64x128xf32, #tpu.memory_space<vmem_shared>>
    tpu.wait_dma2 semaphore(%arg18 : memref<!tpu.dma_semaphore, #tpu.memory_space<semaphore_mem>>) src(%arg12 : memref<64x128xf32, #tpu.memory_space<vmem>>) dst(%dma_wait3A_185 : memref<64x128xf32, #tpu.memory_space<vmem_shared>>)
    %mul3A_186 = arith.constant 640 : i32
    %mul3A_187 = arith.muli %arg1, %mul3A_186 : i32
    %add3A_188 = arith.constant 448 : i32
    %add3A_189 = arith.addi %mul3A_187, %add3A_188 : i32
    %dma_wait3A_190 = arith.constant 0 : i32
    %dma_wait3A_191 = tpu.memref_slice %arg13[%add3A_189, %dma_wait3A_190] : memref<10240x128xf32, #tpu.memory_space<vmem_shared>> -> memref<64x128xf32, #tpu.memory_space<vmem_shared>>
    %dma_wait3A_192 = arith.constant 0 : i32
    %dma_wait3A_193 = tpu.memref_slice %arg13[%add3A_189, %dma_wait3A_192] : memref<10240x128xf32, #tpu.memory_space<vmem_shared>> -> memref<64x128xf32, #tpu.memory_space<vmem_shared>>
    tpu.wait_dma2 semaphore(%arg18 : memref<!tpu.dma_semaphore, #tpu.memory_space<semaphore_mem>>) src(%arg12 : memref<64x128xf32, #tpu.memory_space<vmem>>) dst(%dma_wait3A_193 : memref<64x128xf32, #tpu.memory_space<vmem_shared>>)
    %mul3A_194 = arith.constant 640 : i32
    %mul3A_195 = arith.muli %arg1, %mul3A_194 : i32
    %add3A_196 = arith.constant 512 : i32
    %add3A_197 = arith.addi %mul3A_195, %add3A_196 : i32
    %dma_wait3A_198 = arith.constant 0 : i32
    %dma_wait3A_199 = tpu.memref_slice %arg13[%add3A_197, %dma_wait3A_198] : memref<10240x128xf32, #tpu.memory_space<vmem_shared>> -> memref<64x128xf32, #tpu.memory_space<vmem_shared>>
    %dma_wait3A_200 = arith.constant 0 : i32
    %dma_wait3A_201 = tpu.memref_slice %arg13[%add3A_197, %dma_wait3A_200] : memref<10240x128xf32, #tpu.memory_space<vmem_shared>> -> memref<64x128xf32, #tpu.memory_space<vmem_shared>>
    tpu.wait_dma2 semaphore(%arg18 : memref<!tpu.dma_semaphore, #tpu.memory_space<semaphore_mem>>) src(%arg12 : memref<64x128xf32, #tpu.memory_space<vmem>>) dst(%dma_wait3A_201 : memref<64x128xf32, #tpu.memory_space<vmem_shared>>)
    %mul3A_202 = arith.constant 640 : i32
    %mul3A_203 = arith.muli %arg1, %mul3A_202 : i32
    %add3A_204 = arith.constant 576 : i32
    %add3A_205 = arith.addi %mul3A_203, %add3A_204 : i32
    %dma_wait3A_206 = arith.constant 0 : i32
    %dma_wait3A_207 = tpu.memref_slice %arg13[%add3A_205, %dma_wait3A_206] : memref<10240x128xf32, #tpu.memory_space<vmem_shared>> -> memref<64x128xf32, #tpu.memory_space<vmem_shared>>
    %dma_wait3A_208 = arith.constant 0 : i32
    %dma_wait3A_209 = tpu.memref_slice %arg13[%add3A_205, %dma_wait3A_208] : memref<10240x128xf32, #tpu.memory_space<vmem_shared>> -> memref<64x128xf32, #tpu.memory_space<vmem_shared>>
    tpu.wait_dma2 semaphore(%arg18 : memref<!tpu.dma_semaphore, #tpu.memory_space<semaphore_mem>>) src(%arg12 : memref<64x128xf32, #tpu.memory_space<vmem>>) dst(%dma_wait3A_209 : memref<64x128xf32, #tpu.memory_space<vmem_shared>>)
    %barrier3A = arith.constant 0 : index
    tpu.barrier barrier_id(%barrier3A)
    %scan3A_210 = arith.constant 0 : i32
    %scan3A_211 = arith.constant 0 : i32
    %scan3A_212 = arith.constant 62 : i32
    %scan3A_213 = arith.addi %scan3A_211, %scan3A_212 : i32
    %scan3A_214 = arith.constant 1 : i32
    scf.for %scan3A_238 = %scan3A_211 to %scan3A_213 step %scan3A_214  : i32 {
      %mul3A_239 = arith.constant 2 : i32
      %mul3A_240 = arith.muli %mul3A_239, %scan3A_238 : i32
      %add3A_241 = arith.constant 1 : i32
      %add3A_242 = arith.addi %mul3A_240, %add3A_241 : i32
      %dma_wait3A_243 = arith.constant 0 : i32
      %dma_wait3A_244 = tpu.memref_slice %arg2[%add3A, %add3A_242, %dma_wait3A_243] : memref<32x127x80xi32, #tpu.memory_space<hbm>> -> memref<1x1x80xi32, #tpu.memory_space<hbm>>
      %dma_wait3A_245 = tpu.memref_squeeze %dma_wait3A_244 : memref<1x1x80xi32, #tpu.memory_space<hbm>> -> memref<80xi32, #tpu.memory_space<hbm>>
      %dma_wait3A_246 = arith.constant 0 : i32
      %dma_wait3A_247 = tpu.memref_slice %arg2[%add3A, %add3A_242, %dma_wait3A_246] : memref<32x127x80xi32, #tpu.memory_space<hbm>> -> memref<1x1x80xi32, #tpu.memory_space<hbm>>
      %dma_wait3A_248 = tpu.memref_squeeze %dma_wait3A_247 : memref<1x1x80xi32, #tpu.memory_space<hbm>> -> memref<80xi32, #tpu.memory_space<hbm>>
      tpu.wait_dma2 semaphore(%arg15 : memref<!tpu.dma_semaphore, #tpu.memory_space<semaphore_mem>>) src(%dma_wait3A_248 : memref<80xi32, #tpu.memory_space<hbm>>) dst(%arg7 : memref<80xi32, #tpu.memory_space<vmem>>)
      %dma_wait3A_249 = arith.constant 0 : i32
      %dma_wait3A_250 = tpu.memref_slice %arg3[%add3A, %add3A_242, %dma_wait3A_249] : memref<32x127x80xi32, #tpu.memory_space<hbm>> -> memref<1x1x80xi32, #tpu.memory_space<hbm>>
      %dma_wait3A_251 = tpu.memref_squeeze %dma_wait3A_250 : memref<1x1x80xi32, #tpu.memory_space<hbm>> -> memref<80xi32, #tpu.memory_space<hbm>>
      %dma_wait3A_252 = arith.constant 0 : i32
      %dma_wait3A_253 = tpu.memref_slice %arg3[%add3A, %add3A_242, %dma_wait3A_252] : memref<32x127x80xi32, #tpu.memory_space<hbm>> -> memref<1x1x80xi32, #tpu.memory_space<hbm>>
      %dma_wait3A_254 = tpu.memref_squeeze %dma_wait3A_253 : memref<1x1x80xi32, #tpu.memory_space<hbm>> -> memref<80xi32, #tpu.memory_space<hbm>>
      tpu.wait_dma2 semaphore(%arg15 : memref<!tpu.dma_semaphore, #tpu.memory_space<semaphore_mem>>) src(%dma_wait3A_254 : memref<80xi32, #tpu.memory_space<hbm>>) dst(%arg9 : memref<80xi32, #tpu.memory_space<vmem>>)
      %dma_start3A_255 = arith.constant 0 : i32
      %dma_start3A_256 = arith.constant 0 : i32
      %dma_start3A_257 = tpu.memref_slice %arg4[%dma_start3A_255, %dma_start3A_256] : memref<10000x128xf32, #tpu.memory_space<hbm>> -> memref<10000x128xf32, #tpu.memory_space<hbm>>
      tpu.enqueue_indirect_dma source(%dma_start3A_257 : memref<10000x128xf32, #tpu.memory_space<hbm>>) target(%arg11 : memref<80x128xf32, #tpu.memory_space<vmem>>) offsets(%arg7 : memref<80xi32, #tpu.memory_space<vmem>>) semaphore(%arg17 : memref<!tpu.dma_semaphore, #tpu.memory_space<semaphore_mem>>)
      %dma_wait3A_258 = arith.constant 0 : i32
      %dma_wait3A_259 = arith.constant 0 : i32
      %dma_wait3A_260 = tpu.memref_slice %arg4[%dma_wait3A_258, %dma_wait3A_259] : memref<10000x128xf32, #tpu.memory_space<hbm>> -> memref<10000x128xf32, #tpu.memory_space<hbm>>
      tpu.wait_indirect_dma semaphore(%arg16 : memref<!tpu.dma_semaphore, #tpu.memory_space<semaphore_mem>>) src(%dma_wait3A_260 : memref<10000x128xf32, #tpu.memory_space<hbm>>) dst(%arg10 : memref<80x128xf32, #tpu.memory_space<vmem>>)
      "tpu.region"() ({
        %run_scoped3A = tpu.sem_alloc : memref<!tpu.dma_semaphore, #tpu.memory_space<semaphore_mem>>
        %dma_start3A_309 = arith.constant 0 : i32
        %dma_start3A_310 = arith.constant 0 : i32
        %dma_start3A_311 = tpu.memref_slice %arg13[%dma_start3A_309, %dma_start3A_310] : memref<10240x128xf32, #tpu.memory_space<vmem_shared>> -> memref<10240x128xf32, #tpu.memory_space<vmem_shared>>
        tpu.enqueue_indirect_dma source(%arg10 : memref<80x128xf32, #tpu.memory_space<vmem>>) target(%dma_start3A_311 : memref<10240x128xf32, #tpu.memory_space<vmem_shared>>) offsets(%arg8 : memref<80xi32, #tpu.memory_space<vmem>>) semaphore(%run_scoped3A : memref<!tpu.dma_semaphore, #tpu.memory_space<semaphore_mem>>) {add = true}
        %dma_wait3A_312 = arith.constant 0 : i32
        %dma_wait3A_313 = arith.constant 0 : i32
        %dma_wait3A_314 = tpu.memref_slice %arg13[%dma_wait3A_312, %dma_wait3A_313] : memref<10240x128xf32, #tpu.memory_space<vmem_shared>> -> memref<10240x128xf32, #tpu.memory_space<vmem_shared>>
        tpu.wait_indirect_dma semaphore(%run_scoped3A : memref<!tpu.dma_semaphore, #tpu.memory_space<semaphore_mem>>) src(%arg10 : memref<80x128xf32, #tpu.memory_space<vmem>>) dst(%dma_wait3A_314 : memref<10240x128xf32, #tpu.memory_space<vmem_shared>>)
        tpu.yield
      }) : () -> ()
      %add3A_261 = arith.constant 2 : i32
      %add3A_262 = arith.addi %mul3A_240, %add3A_261 : i32
      %dma_start3A_263 = arith.constant 0 : i32
      %dma_start3A_264 = tpu.memref_slice %arg2[%add3A, %add3A_262, %dma_start3A_263] : memref<32x127x80xi32, #tpu.memory_space<hbm>> -> memref<1x1x80xi32, #tpu.memory_space<hbm>>
      %dma_start3A_265 = tpu.memref_squeeze %dma_start3A_264 : memref<1x1x80xi32, #tpu.memory_space<hbm>> -> memref<80xi32, #tpu.memory_space<hbm>>
      %dma_start3A_266 = arith.constant 0 : i32
      %dma_start3A_267 = tpu.memref_slice %arg2[%add3A, %add3A_262, %dma_start3A_266] : memref<32x127x80xi32, #tpu.memory_space<hbm>> -> memref<1x1x80xi32, #tpu.memory_space<hbm>>
      %dma_start3A_268 = tpu.memref_squeeze %dma_start3A_267 : memref<1x1x80xi32, #tpu.memory_space<hbm>> -> memref<80xi32, #tpu.memory_space<hbm>>
      tpu.enqueue_dma source(%dma_start3A_268 : memref<80xi32, #tpu.memory_space<hbm>>) target(%arg6 : memref<80xi32, #tpu.memory_space<vmem>>) target_semaphore(%arg14 : memref<!tpu.dma_semaphore, #tpu.memory_space<semaphore_mem>>)
      %dma_start3A_269 = arith.constant 0 : i32
      %dma_start3A_270 = tpu.memref_slice %arg3[%add3A, %add3A_262, %dma_start3A_269] : memref<32x127x80xi32, #tpu.memory_space<hbm>> -> memref<1x1x80xi32, #tpu.memory_space<hbm>>
      %dma_start3A_271 = tpu.memref_squeeze %dma_start3A_270 : memref<1x1x80xi32, #tpu.memory_space<hbm>> -> memref<80xi32, #tpu.memory_space<hbm>>
      %dma_start3A_272 = arith.constant 0 : i32
      %dma_start3A_273 = tpu.memref_slice %arg3[%add3A, %add3A_262, %dma_start3A_272] : memref<32x127x80xi32, #tpu.memory_space<hbm>> -> memref<1x1x80xi32, #tpu.memory_space<hbm>>
      %dma_start3A_274 = tpu.memref_squeeze %dma_start3A_273 : memref<1x1x80xi32, #tpu.memory_space<hbm>> -> memref<80xi32, #tpu.memory_space<hbm>>
      tpu.enqueue_dma source(%dma_start3A_274 : memref<80xi32, #tpu.memory_space<hbm>>) target(%arg8 : memref<80xi32, #tpu.memory_space<vmem>>) target_semaphore(%arg14 : memref<!tpu.dma_semaphore, #tpu.memory_space<semaphore_mem>>)
      %add3A_275 = arith.constant 2 : i32
      %add3A_276 = arith.addi %mul3A_240, %add3A_275 : i32
      %dma_wait3A_277 = arith.constant 0 : i32
      %dma_wait3A_278 = tpu.memref_slice %arg2[%add3A, %add3A_276, %dma_wait3A_277] : memref<32x127x80xi32, #tpu.memory_space<hbm>> -> memref<1x1x80xi32, #tpu.memory_space<hbm>>
      %dma_wait3A_279 = tpu.memref_squeeze %dma_wait3A_278 : memref<1x1x80xi32, #tpu.memory_space<hbm>> -> memref<80xi32, #tpu.memory_space<hbm>>
      %dma_wait3A_280 = arith.constant 0 : i32
      %dma_wait3A_281 = tpu.memref_slice %arg2[%add3A, %add3A_276, %dma_wait3A_280] : memref<32x127x80xi32, #tpu.memory_space<hbm>> -> memref<1x1x80xi32, #tpu.memory_space<hbm>>
      %dma_wait3A_282 = tpu.memref_squeeze %dma_wait3A_281 : memref<1x1x80xi32, #tpu.memory_space<hbm>> -> memref<80xi32, #tpu.memory_space<hbm>>
      tpu.wait_dma2 semaphore(%arg14 : memref<!tpu.dma_semaphore, #tpu.memory_space<semaphore_mem>>) src(%dma_wait3A_282 : memref<80xi32, #tpu.memory_space<hbm>>) dst(%arg6 : memref<80xi32, #tpu.memory_space<vmem>>)
      %dma_wait3A_283 = arith.constant 0 : i32
      %dma_wait3A_284 = tpu.memref_slice %arg3[%add3A, %add3A_276, %dma_wait3A_283] : memref<32x127x80xi32, #tpu.memory_space<hbm>> -> memref<1x1x80xi32, #tpu.memory_space<hbm>>
      %dma_wait3A_285 = tpu.memref_squeeze %dma_wait3A_284 : memref<1x1x80xi32, #tpu.memory_space<hbm>> -> memref<80xi32, #tpu.memory_space<hbm>>
      %dma_wait3A_286 = arith.constant 0 : i32
      %dma_wait3A_287 = tpu.memref_slice %arg3[%add3A, %add3A_276, %dma_wait3A_286] : memref<32x127x80xi32, #tpu.memory_space<hbm>> -> memref<1x1x80xi32, #tpu.memory_space<hbm>>
      %dma_wait3A_288 = tpu.memref_squeeze %dma_wait3A_287 : memref<1x1x80xi32, #tpu.memory_space<hbm>> -> memref<80xi32, #tpu.memory_space<hbm>>
      tpu.wait_dma2 semaphore(%arg14 : memref<!tpu.dma_semaphore, #tpu.memory_space<semaphore_mem>>) src(%dma_wait3A_288 : memref<80xi32, #tpu.memory_space<hbm>>) dst(%arg8 : memref<80xi32, #tpu.memory_space<vmem>>)
      %dma_start3A_289 = arith.constant 0 : i32
      %dma_start3A_290 = arith.constant 0 : i32
      %dma_start3A_291 = tpu.memref_slice %arg4[%dma_start3A_289, %dma_start3A_290] : memref<10000x128xf32, #tpu.memory_space<hbm>> -> memref<10000x128xf32, #tpu.memory_space<hbm>>
      tpu.enqueue_indirect_dma source(%dma_start3A_291 : memref<10000x128xf32, #tpu.memory_space<hbm>>) target(%arg10 : memref<80x128xf32, #tpu.memory_space<vmem>>) offsets(%arg6 : memref<80xi32, #tpu.memory_space<vmem>>) semaphore(%arg16 : memref<!tpu.dma_semaphore, #tpu.memory_space<semaphore_mem>>)
      %dma_wait3A_292 = arith.constant 0 : i32
      %dma_wait3A_293 = arith.constant 0 : i32
      %dma_wait3A_294 = tpu.memref_slice %arg4[%dma_wait3A_292, %dma_wait3A_293] : memref<10000x128xf32, #tpu.memory_space<hbm>> -> memref<10000x128xf32, #tpu.memory_space<hbm>>
      tpu.wait_indirect_dma semaphore(%arg17 : memref<!tpu.dma_semaphore, #tpu.memory_space<semaphore_mem>>) src(%dma_wait3A_294 : memref<10000x128xf32, #tpu.memory_space<hbm>>) dst(%arg11 : memref<80x128xf32, #tpu.memory_space<vmem>>)
      "tpu.region"() ({
        %run_scoped3A = tpu.sem_alloc : memref<!tpu.dma_semaphore, #tpu.memory_space<semaphore_mem>>
        %dma_start3A_309 = arith.constant 0 : i32
        %dma_start3A_310 = arith.constant 0 : i32
        %dma_start3A_311 = tpu.memref_slice %arg13[%dma_start3A_309, %dma_start3A_310] : memref<10240x128xf32, #tpu.memory_space<vmem_shared>> -> memref<10240x128xf32, #tpu.memory_space<vmem_shared>>
        tpu.enqueue_indirect_dma source(%arg11 : memref<80x128xf32, #tpu.memory_space<vmem>>) target(%dma_start3A_311 : memref<10240x128xf32, #tpu.memory_space<vmem_shared>>) offsets(%arg9 : memref<80xi32, #tpu.memory_space<vmem>>) semaphore(%run_scoped3A : memref<!tpu.dma_semaphore, #tpu.memory_space<semaphore_mem>>) {add = true}
        %dma_wait3A_312 = arith.constant 0 : i32
        %dma_wait3A_313 = arith.constant 0 : i32
        %dma_wait3A_314 = tpu.memref_slice %arg13[%dma_wait3A_312, %dma_wait3A_313] : memref<10240x128xf32, #tpu.memory_space<vmem_shared>> -> memref<10240x128xf32, #tpu.memory_space<vmem_shared>>
        tpu.wait_indirect_dma semaphore(%run_scoped3A : memref<!tpu.dma_semaphore, #tpu.memory_space<semaphore_mem>>) src(%arg11 : memref<80x128xf32, #tpu.memory_space<vmem>>) dst(%dma_wait3A_314 : memref<10240x128xf32, #tpu.memory_space<vmem_shared>>)
        tpu.yield
      }) : () -> ()
      %add3A_295 = arith.constant 3 : i32
      %add3A_296 = arith.addi %mul3A_240, %add3A_295 : i32
      %dma_start3A_297 = arith.constant 0 : i32
      %dma_start3A_298 = tpu.memref_slice %arg2[%add3A, %add3A_296, %dma_start3A_297] : memref<32x127x80xi32, #tpu.memory_space<hbm>> -> memref<1x1x80xi32, #tpu.memory_space<hbm>>
      %dma_start3A_299 = tpu.memref_squeeze %dma_start3A_298 : memref<1x1x80xi32, #tpu.memory_space<hbm>> -> memref<80xi32, #tpu.memory_space<hbm>>
      %dma_start3A_300 = arith.constant 0 : i32
      %dma_start3A_301 = tpu.memref_slice %arg2[%add3A, %add3A_296, %dma_start3A_300] : memref<32x127x80xi32, #tpu.memory_space<hbm>> -> memref<1x1x80xi32, #tpu.memory_space<hbm>>
      %dma_start3A_302 = tpu.memref_squeeze %dma_start3A_301 : memref<1x1x80xi32, #tpu.memory_space<hbm>> -> memref<80xi32, #tpu.memory_space<hbm>>
      tpu.enqueue_dma source(%dma_start3A_302 : memref<80xi32, #tpu.memory_space<hbm>>) target(%arg7 : memref<80xi32, #tpu.memory_space<vmem>>) target_semaphore(%arg15 : memref<!tpu.dma_semaphore, #tpu.memory_space<semaphore_mem>>)
      %dma_start3A_303 = arith.constant 0 : i32
      %dma_start3A_304 = tpu.memref_slice %arg3[%add3A, %add3A_296, %dma_start3A_303] : memref<32x127x80xi32, #tpu.memory_space<hbm>> -> memref<1x1x80xi32, #tpu.memory_space<hbm>>
      %dma_start3A_305 = tpu.memref_squeeze %dma_start3A_304 : memref<1x1x80xi32, #tpu.memory_space<hbm>> -> memref<80xi32, #tpu.memory_space<hbm>>
      %dma_start3A_306 = arith.constant 0 : i32
      %dma_start3A_307 = tpu.memref_slice %arg3[%add3A, %add3A_296, %dma_start3A_306] : memref<32x127x80xi32, #tpu.memory_space<hbm>> -> memref<1x1x80xi32, #tpu.memory_space<hbm>>
      %dma_start3A_308 = tpu.memref_squeeze %dma_start3A_307 : memref<1x1x80xi32, #tpu.memory_space<hbm>> -> memref<80xi32, #tpu.memory_space<hbm>>
      tpu.enqueue_dma source(%dma_start3A_308 : memref<80xi32, #tpu.memory_space<hbm>>) target(%arg9 : memref<80xi32, #tpu.memory_space<vmem>>) target_semaphore(%arg15 : memref<!tpu.dma_semaphore, #tpu.memory_space<semaphore_mem>>)
    }
    %scan3A_215 = arith.constant 62 : i32
    %dma_wait3A_216 = arith.constant 0 : i32
    %dma_wait3A_217 = arith.constant 0 : i32
    %dma_wait3A_218 = tpu.memref_slice %arg4[%dma_wait3A_216, %dma_wait3A_217] : memref<10000x128xf32, #tpu.memory_space<hbm>> -> memref<10000x128xf32, #tpu.memory_space<hbm>>
    tpu.wait_indirect_dma semaphore(%arg16 : memref<!tpu.dma_semaphore, #tpu.memory_space<semaphore_mem>>) src(%dma_wait3A_218 : memref<10000x128xf32, #tpu.memory_space<hbm>>) dst(%arg10 : memref<80x128xf32, #tpu.memory_space<vmem>>)
    "tpu.region"() ({
      %run_scoped3A = tpu.sem_alloc : memref<!tpu.dma_semaphore, #tpu.memory_space<semaphore_mem>>
      %dma_start3A_238 = arith.constant 0 : i32
      %dma_start3A_239 = arith.constant 0 : i32
      %dma_start3A_240 = tpu.memref_slice %arg13[%dma_start3A_238, %dma_start3A_239] : memref<10240x128xf32, #tpu.memory_space<vmem_shared>> -> memref<10240x128xf32, #tpu.memory_space<vmem_shared>>
      tpu.enqueue_indirect_dma source(%arg10 : memref<80x128xf32, #tpu.memory_space<vmem>>) target(%dma_start3A_240 : memref<10240x128xf32, #tpu.memory_space<vmem_shared>>) offsets(%arg8 : memref<80xi32, #tpu.memory_space<vmem>>) semaphore(%run_scoped3A : memref<!tpu.dma_semaphore, #tpu.memory_space<semaphore_mem>>) {add = true}
      %dma_wait3A_241 = arith.constant 0 : i32
      %dma_wait3A_242 = arith.constant 0 : i32
      %dma_wait3A_243 = tpu.memref_slice %arg13[%dma_wait3A_241, %dma_wait3A_242] : memref<10240x128xf32, #tpu.memory_space<vmem_shared>> -> memref<10240x128xf32, #tpu.memory_space<vmem_shared>>
      tpu.wait_indirect_dma semaphore(%run_scoped3A : memref<!tpu.dma_semaphore, #tpu.memory_space<semaphore_mem>>) src(%arg10 : memref<80x128xf32, #tpu.memory_space<vmem>>) dst(%dma_wait3A_243 : memref<10240x128xf32, #tpu.memory_space<vmem_shared>>)
      tpu.yield
    }) : () -> ()
    %dma_wait3A_219 = arith.constant 125 : i32
    %dma_wait3A_220 = arith.constant 0 : i32
    %dma_wait3A_221 = tpu.memref_slice %arg2[%add3A, %dma_wait3A_219, %dma_wait3A_220] : memref<32x127x80xi32, #tpu.memory_space<hbm>> -> memref<1x1x80xi32, #tpu.memory_space<hbm>>
    %dma_wait3A_222 = tpu.memref_squeeze %dma_wait3A_221 : memref<1x1x80xi32, #tpu.memory_space<hbm>> -> memref<80xi32, #tpu.memory_space<hbm>>
    %dma_wait3A_223 = arith.constant 0 : i32
    %dma_wait3A_224 = tpu.memref_slice %arg2[%add3A, %dma_wait3A_219, %dma_wait3A_223] : memref<32x127x80xi32, #tpu.memory_space<hbm>> -> memref<1x1x80xi32, #tpu.memory_space<hbm>>
    %dma_wait3A_225 = tpu.memref_squeeze %dma_wait3A_224 : memref<1x1x80xi32, #tpu.memory_space<hbm>> -> memref<80xi32, #tpu.memory_space<hbm>>
    tpu.wait_dma2 semaphore(%arg15 : memref<!tpu.dma_semaphore, #tpu.memory_space<semaphore_mem>>) src(%dma_wait3A_225 : memref<80xi32, #tpu.memory_space<hbm>>) dst(%arg7 : memref<80xi32, #tpu.memory_space<vmem>>)
    %dma_wait3A_226 = arith.constant 125 : i32
    %dma_wait3A_227 = arith.constant 0 : i32
    %dma_wait3A_228 = tpu.memref_slice %arg3[%add3A, %dma_wait3A_226, %dma_wait3A_227] : memref<32x127x80xi32, #tpu.memory_space<hbm>> -> memref<1x1x80xi32, #tpu.memory_space<hbm>>
    %dma_wait3A_229 = tpu.memref_squeeze %dma_wait3A_228 : memref<1x1x80xi32, #tpu.memory_space<hbm>> -> memref<80xi32, #tpu.memory_space<hbm>>
    %dma_wait3A_230 = arith.constant 0 : i32
    %dma_wait3A_231 = tpu.memref_slice %arg3[%add3A, %dma_wait3A_226, %dma_wait3A_230] : memref<32x127x80xi32, #tpu.memory_space<hbm>> -> memref<1x1x80xi32, #tpu.memory_space<hbm>>
    %dma_wait3A_232 = tpu.memref_squeeze %dma_wait3A_231 : memref<1x1x80xi32, #tpu.memory_space<hbm>> -> memref<80xi32, #tpu.memory_space<hbm>>
    tpu.wait_dma2 semaphore(%arg15 : memref<!tpu.dma_semaphore, #tpu.memory_space<semaphore_mem>>) src(%dma_wait3A_232 : memref<80xi32, #tpu.memory_space<hbm>>) dst(%arg9 : memref<80xi32, #tpu.memory_space<vmem>>)
    %barrier3A_233 = arith.constant 0 : index
    tpu.barrier barrier_id(%barrier3A_233)
    %mul3A_234 = arith.constant 640 : i32
    %mul3A_235 = arith.muli %arg1, %mul3A_234 : i32
    %mul3A_236 = arith.constant 640 : i32
    %mul3A_237 = arith.muli %arg1, %mul3A_236 : i32
    "tpu.region"() ({
      %run_scoped3A = tpu.sem_alloc : memref<!tpu.dma_semaphore, #tpu.memory_space<semaphore_mem>>
      %dma_start3A_238 = arith.constant 0 : i32
      %dma_start3A_239 = tpu.memref_slice %arg5[%arg0, %mul3A_237, %dma_start3A_238] : memref<2x10240x128xf32, #tpu.memory_space<hbm>> -> memref<1x640x128xf32, #tpu.memory_space<hbm>>
      %dma_start3A_240 = tpu.memref_squeeze %dma_start3A_239 : memref<1x640x128xf32, #tpu.memory_space<hbm>> -> memref<640x128xf32, #tpu.memory_space<hbm>>
      %dma_start3A_241 = arith.constant 0 : i32
      %dma_start3A_242 = tpu.memref_slice %arg13[%mul3A_235, %dma_start3A_241] : memref<10240x128xf32, #tpu.memory_space<vmem_shared>> -> memref<640x128xf32, #tpu.memory_space<vmem_shared>>
      tpu.enqueue_dma source(%dma_start3A_242 : memref<640x128xf32, #tpu.memory_space<vmem_shared>>) target(%dma_start3A_240 : memref<640x128xf32, #tpu.memory_space<hbm>>) target_semaphore(%run_scoped3A : memref<!tpu.dma_semaphore, #tpu.memory_space<semaphore_mem>>)
      %dma_wait3A_243 = arith.constant 0 : i32
      %dma_wait3A_244 = tpu.memref_slice %arg5[%arg0, %mul3A_237, %dma_wait3A_243] : memref<2x10240x128xf32, #tpu.memory_space<hbm>> -> memref<1x640x128xf32, #tpu.memory_space<hbm>>
      %dma_wait3A_245 = tpu.memref_squeeze %dma_wait3A_244 : memref<1x640x128xf32, #tpu.memory_space<hbm>> -> memref<640x128xf32, #tpu.memory_space<hbm>>
      %dma_wait3A_246 = arith.constant 0 : i32
      %dma_wait3A_247 = tpu.memref_slice %arg13[%mul3A_235, %dma_wait3A_246] : memref<10240x128xf32, #tpu.memory_space<vmem_shared>> -> memref<640x128xf32, #tpu.memory_space<vmem_shared>>
      tpu.wait_dma2 semaphore(%run_scoped3A : memref<!tpu.dma_semaphore, #tpu.memory_space<semaphore_mem>>) src(%dma_wait3A_247 : memref<640x128xf32, #tpu.memory_space<vmem_shared>>) dst(%dma_wait3A_245 : memref<640x128xf32, #tpu.memory_space<hbm>>)
      tpu.yield
    }) : () -> ()
    return
  }
}

module attributes {stable_mosaic.version = 14 : i64} {
  func.func @_mm_body(%arg0: i32, %arg1: memref<2000x128xf32, #tpu.memory_space<vmem>>, %arg2: memref<128x128xf32, #tpu.memory_space<vmem>>, %arg3: memref<2000x128xf32, #tpu.memory_space<vmem>>) attributes {dimension_semantics = [#tpu.dimension_semantics<arbitrary>], iteration_bounds = array<i64: 5>, scalar_prefetch = 0 : i64, scratch_operands = 0 : i64, tpu.core_type = #tpu.core_type<tc>, window_params = [{transform_indices = @transform_0, window_bounds = array<i64: 2000, 128>}, {pipeline_mode = #tpu.pipeline_mode<synchronous>, transform_indices = @transform_1, window_bounds = array<i64: 128, 128>}, {transform_indices = @transform_2, window_bounds = array<i64: 2000, 128>}]} {
    %get3A = arith.constant 0 : index
    %get3A_0 = arith.constant 0 : index
    %get3A_1 = vector.load %arg1[%get3A, %get3A_0] : memref<2000x128xf32, #tpu.memory_space<vmem>>, vector<2000x128xf32>
    %get3A_2 = arith.constant 0 : index
    %get3A_3 = arith.constant 0 : index
    %get3A_4 = vector.load %arg2[%get3A_2, %get3A_3] : memref<128x128xf32, #tpu.memory_space<vmem>>, vector<128x128xf32>
    %dot_general3A = arith.constant dense<0.000000e+00> : vector<2000x128xf32>
    %dot_general3A_5 = tpu.matmul %get3A_1, %get3A_4, %dot_general3A {dimension_numbers = #tpu.dot_dimension_numbers<[1], [0], [0], [1], [0, 0, 1, 1], [], []>, transpose_lhs_hint = false} : vector<2000x128xf32>, vector<128x128xf32>, vector<2000x128xf32> -> vector<2000x128xf32>
    %swap3A = arith.constant 0 : index
    %swap3A_6 = arith.constant 0 : index
    %swap3A_7 = vector.load %arg3[%swap3A, %swap3A_6] : memref<2000x128xf32, #tpu.memory_space<vmem>>, vector<2000x128xf32>
    tpu.vector_store %arg3[%swap3A, %swap3A_6], %dot_general3A_5 {strides = array<i32>} : memref<2000x128xf32, #tpu.memory_space<vmem>>, vector<2000x128xf32>,
    return
  }
  func.func @transform_0(%arg0: i32) -> (i32, i32) {
    %c0_i32 = arith.constant 0 : i32
    %c0_i32_0 = arith.constant 0 : i32
    return %arg0, %c0_i32 : i32, i32
  }
  func.func @transform_1(%arg0: i32) -> (i32, i32) {
    %c0_i32 = arith.constant 0 : i32
    %c0_i32_0 = arith.constant 0 : i32
    %c0_i32_1 = arith.constant 0 : i32
    return %c0_i32, %c0_i32_0 : i32, i32
  }
  func.func @transform_2(%arg0: i32) -> (i32, i32) {
    %c0_i32 = arith.constant 0 : i32
    %c0_i32_0 = arith.constant 0 : i32
    return %arg0, %c0_i32 : i32, i32
  }
}

module attributes {stable_mosaic.version = 14 : i64} {
  func.func @_relu_mm_body(%arg0: i32, %arg1: memref<2x2000x128xf32, #tpu.memory_space<vmem>>, %arg2: memref<1x128xf32, #tpu.memory_space<vmem>>, %arg3: memref<128x128xf32, #tpu.memory_space<vmem>>, %arg4: memref<2000x128xf32, #tpu.memory_space<vmem>>) attributes {dimension_semantics = [#tpu.dimension_semantics<arbitrary>], iteration_bounds = array<i64: 5>, scalar_prefetch = 0 : i64, scratch_operands = 0 : i64, tpu.core_type = #tpu.core_type<tc>, window_params = [{transform_indices = @transform_0, window_bounds = array<i64: 2, 2000, 128>}, {pipeline_mode = #tpu.pipeline_mode<synchronous>, transform_indices = @transform_1, window_bounds = array<i64: 1, 128>}, {pipeline_mode = #tpu.pipeline_mode<synchronous>, transform_indices = @transform_2, window_bounds = array<i64: 128, 128>}, {transform_indices = @transform_3, window_bounds = array<i64: 2000, 128>}]} {
    %get3A = arith.constant 0 : index
    %get3A_0 = arith.constant 0 : index
    %get3A_1 = arith.constant 0 : index
    %get3A_2 = vector.load %arg1[%get3A, %get3A_0, %get3A_1] : memref<2x2000x128xf32, #tpu.memory_space<vmem>>, vector<1x2000x128xf32>
    %get3A_3 = vector.shape_cast %get3A_2 : vector<1x2000x128xf32> to vector<2000x128xf32>
    %get3A_4 = arith.constant 1 : index
    %get3A_5 = arith.constant 0 : index
    %get3A_6 = arith.constant 0 : index
    %get3A_7 = vector.load %arg1[%get3A_4, %get3A_5, %get3A_6] : memref<2x2000x128xf32, #tpu.memory_space<vmem>>, vector<1x2000x128xf32>
    %get3A_8 = vector.shape_cast %get3A_7 : vector<1x2000x128xf32> to vector<2000x128xf32>
    %add3A = arith.addf %get3A_3, %get3A_8 : vector<2000x128xf32>
    %get3A_9 = arith.constant 0 : index
    %get3A_10 = arith.constant 0 : index
    %get3A_11 = vector.load %arg2[%get3A_9, %get3A_10] : memref<1x128xf32, #tpu.memory_space<vmem>>, vector<1x128xf32>
    %add3A_12 = vector.broadcast %get3A_11 : vector<1x128xf32> to vector<2000x128xf32>
    %add3A_13 = arith.addf %add3A, %add3A_12 : vector<2000x128xf32>
    %max3A = arith.constant 0.000000e+00 : f32
    %max3A_14 = vector.broadcast %max3A : f32 to vector<2000x128xf32>
    %max3A_15 = arith.maximumf %add3A_13, %max3A_14 : vector<2000x128xf32>
    %get3A_16 = arith.constant 0 : index
    %get3A_17 = arith.constant 0 : index
    %get3A_18 = vector.load %arg3[%get3A_16, %get3A_17] : memref<128x128xf32, #tpu.memory_space<vmem>>, vector<128x128xf32>
    %dot_general3A = arith.constant dense<0.000000e+00> : vector<2000x128xf32>
    %dot_general3A_19 = tpu.matmul %max3A_15, %get3A_18, %dot_general3A {dimension_numbers = #tpu.dot_dimension_numbers<[1], [0], [0], [1], [0, 0, 1, 1], [], []>, transpose_lhs_hint = false} : vector<2000x128xf32>, vector<128x128xf32>, vector<2000x128xf32> -> vector<2000x128xf32>
    %swap3A = arith.constant 0 : index
    %swap3A_20 = arith.constant 0 : index
    %swap3A_21 = vector.load %arg4[%swap3A, %swap3A_20] : memref<2000x128xf32, #tpu.memory_space<vmem>>, vector<2000x128xf32>
    tpu.vector_store %arg4[%swap3A, %swap3A_20], %dot_general3A_19 {strides = array<i32>} : memref<2000x128xf32, #tpu.memory_space<vmem>>, vector<2000x128xf32>,
    return
  }
  func.func @transform_0(%arg0: i32) -> (i32, i32, i32) {
    %c0_i32 = arith.constant 0 : i32
    %c0_i32_0 = arith.constant 0 : i32
    %c0_i32_1 = arith.constant 0 : i32
    return %c0_i32, %arg0, %c0_i32_0 : i32, i32, i32
  }
  func.func @transform_1(%arg0: i32) -> (i32, i32) {
    %c0_i32 = arith.constant 0 : i32
    %c0_i32_0 = arith.constant 0 : i32
    %c0_i32_1 = arith.constant 0 : i32
    return %c0_i32, %c0_i32_0 : i32, i32
  }
  func.func @transform_2(%arg0: i32) -> (i32, i32) {
    %c0_i32 = arith.constant 0 : i32
    %c0_i32_0 = arith.constant 0 : i32
    %c0_i32_1 = arith.constant 0 : i32
    return %c0_i32, %c0_i32_0 : i32, i32
  }
  func.func @transform_3(%arg0: i32) -> (i32, i32) {
    %c0_i32 = arith.constant 0 : i32
    %c0_i32_0 = arith.constant 0 : i32
    return %arg0, %c0_i32 : i32, i32
  }
}

module attributes {stable_mosaic.version = 14 : i64} {
  func.func @_bias_body(%arg0: i32, %arg1: memref<2x2000x128xf32, #tpu.memory_space<vmem>>, %arg2: memref<1x128xf32, #tpu.memory_space<vmem>>, %arg3: memref<2000x64xf32, #tpu.memory_space<vmem>>) attributes {dimension_semantics = [#tpu.dimension_semantics<arbitrary>], iteration_bounds = array<i64: 5>, scalar_prefetch = 0 : i64, scratch_operands = 0 : i64, tpu.core_type = #tpu.core_type<tc>, window_params = [{transform_indices = @transform_0, window_bounds = array<i64: 2, 2000, 128>}, {pipeline_mode = #tpu.pipeline_mode<synchronous>, transform_indices = @transform_1, window_bounds = array<i64: 1, 128>}, {transform_indices = @transform_2, window_bounds = array<i64: 2000, 64>}]} {
    %get3A = arith.constant 0 : index
    %get3A_0 = arith.constant 0 : index
    %get3A_1 = arith.constant 0 : index
    %get3A_2 = vector.load %arg1[%get3A, %get3A_0, %get3A_1] : memref<2x2000x128xf32, #tpu.memory_space<vmem>>, vector<1x2000x128xf32>
    %get3A_3 = vector.shape_cast %get3A_2 : vector<1x2000x128xf32> to vector<2000x128xf32>
    %get3A_4 = arith.constant 1 : index
    %get3A_5 = arith.constant 0 : index
    %get3A_6 = arith.constant 0 : index
    %get3A_7 = vector.load %arg1[%get3A_4, %get3A_5, %get3A_6] : memref<2x2000x128xf32, #tpu.memory_space<vmem>>, vector<1x2000x128xf32>
    %get3A_8 = vector.shape_cast %get3A_7 : vector<1x2000x128xf32> to vector<2000x128xf32>
    %add3A = arith.addf %get3A_3, %get3A_8 : vector<2000x128xf32>
    %get3A_9 = arith.constant 0 : index
    %get3A_10 = arith.constant 0 : index
    %get3A_11 = vector.load %arg2[%get3A_9, %get3A_10] : memref<1x128xf32, #tpu.memory_space<vmem>>, vector<1x128xf32>
    %add3A_12 = vector.broadcast %get3A_11 : vector<1x128xf32> to vector<2000x128xf32>
    %add3A_13 = arith.addf %add3A, %add3A_12 : vector<2000x128xf32>
    %slice3A = vector.extract_strided_slice %add3A_13 {offsets = [0, 0], sizes = [2000, 64], strides = [1, 1]} : vector<2000x128xf32> to vector<2000x64xf32>
    %swap3A = arith.constant 0 : index
    %swap3A_14 = arith.constant 0 : index
    %swap3A_15 = vector.load %arg3[%swap3A, %swap3A_14] : memref<2000x64xf32, #tpu.memory_space<vmem>>, vector<2000x64xf32>
    tpu.vector_store %arg3[%swap3A, %swap3A_14], %slice3A {strides = array<i32>} : memref<2000x64xf32, #tpu.memory_space<vmem>>, vector<2000x64xf32>,
    return
  }
  func.func @transform_0(%arg0: i32) -> (i32, i32, i32) {
    %c0_i32 = arith.constant 0 : i32
    %c0_i32_0 = arith.constant 0 : i32
    %c0_i32_1 = arith.constant 0 : i32
    return %c0_i32, %arg0, %c0_i32_0 : i32, i32, i32
  }
  func.func @transform_1(%arg0: i32) -> (i32, i32) {
    %c0_i32 = arith.constant 0 : i32
    %c0_i32_0 = arith.constant 0 : i32
    %c0_i32_1 = arith.constant 0 : i32
    return %c0_i32, %c0_i32_0 : i32, i32
  }
  func.func @transform_2(%arg0: i32) -> (i32, i32) {
    %c0_i32 = arith.constant 0 : i32
    %c0_i32_0 = arith.constant 0 : i32
    return %arg0, %c0_i32 : i32, i32
  }
}

module attributes {stable_mosaic.version = 14 : i64} {
  func.func @_dists_body(%arg0: i32, %arg1: i32, %arg2: memref<1024x64xf32, #tpu.memory_space<vmem>>, %arg3: memref<1024x64xf32, #tpu.memory_space<vmem>>, %arg4: memref<1024x1024xf32, #tpu.memory_space<vmem>>) attributes {dimension_semantics = [#tpu.dimension_semantics<arbitrary>, #tpu.dimension_semantics<arbitrary>], iteration_bounds = array<i64: 10, 10>, scalar_prefetch = 0 : i64, scratch_operands = 0 : i64, tpu.core_type = #tpu.core_type<tc>, window_params = [{transform_indices = @transform_0, window_bounds = array<i64: 1024, 64>}, {transform_indices = @transform_1, window_bounds = array<i64: 1024, 64>}, {transform_indices = @transform_2, window_bounds = array<i64: 1024, 1024>}]} {
    %get3A = arith.constant 0 : index
    %get3A_0 = arith.constant 0 : index
    %get3A_1 = vector.load %arg2[%get3A, %get3A_0] : memref<1024x64xf32, #tpu.memory_space<vmem>>, vector<1024x64xf32>
    %get3A_2 = arith.constant 0 : index
    %get3A_3 = arith.constant 0 : index
    %get3A_4 = vector.load %arg3[%get3A_2, %get3A_3] : memref<1024x64xf32, #tpu.memory_space<vmem>>, vector<1024x64xf32>
    %dot_general3A = arith.constant dense<0.000000e+00> : vector<1024x1024xf32>
    %dot_general3A_5 = tpu.matmul %get3A_1, %get3A_4, %dot_general3A {dimension_numbers = #tpu.dot_dimension_numbers<[1], [1], [0], [0], [0, 0, 1, 0], [], []>, transpose_lhs_hint = false} : vector<1024x64xf32>, vector<1024x64xf32>, vector<1024x1024xf32> -> vector<1024x1024xf32>
    %eq3A = arith.cmpi eq, %arg0, %arg1 : i32
    %convert_element_type3A = arith.extui %eq3A : i1 to i32
    %cond3A = arith.constant 0 : i32
    %cond3A_6 = arith.cmpi ne, %convert_element_type3A, %cond3A : i32
    scf.if %cond3A_6 {
      %iota3A = tpu.iota {dimensions = array<i32: 0>} : vector<1024x1024xi32>
      %iota3A_10 = tpu.iota {dimensions = array<i32: 1>} : vector<1024x1024xi32>
      %eq3A_11 = arith.cmpi eq, %iota3A, %iota3A_10 : vector<1024x1024xi32>
      %jit3A = arith.constant 0.000000e+00 : f32
      %broadcast_in_dim3A = vector.broadcast %jit3A : f32 to vector<1024x1024xf32>
      %select_n3A = arith.select %eq3A_11, %broadcast_in_dim3A, %dot_general3A_5 : vector<1024x1024xi1>, vector<1024x1024xf32>
      %swap3A = arith.constant 0 : index
      %swap3A_12 = arith.constant 0 : index
      %swap3A_13 = vector.load %arg4[%swap3A, %swap3A_12] : memref<1024x1024xf32, #tpu.memory_space<vmem>>, vector<1024x1024xf32>
      tpu.vector_store %arg4[%swap3A, %swap3A_12], %select_n3A {strides = array<i32>} : memref<1024x1024xf32, #tpu.memory_space<vmem>>, vector<1024x1024xf32>,
    } else {
    }
    %ne3A = arith.cmpi ne, %arg0, %arg1 : i32
    %convert_element_type3A_7 = arith.extui %ne3A : i1 to i32
    %cond3A_8 = arith.constant 0 : i32
    %cond3A_9 = arith.cmpi ne, %convert_element_type3A_7, %cond3A_8 : i32
    scf.if %cond3A_9 {
      %swap3A = arith.constant 0 : index
      %swap3A_10 = arith.constant 0 : index
      %swap3A_11 = vector.load %arg4[%swap3A, %swap3A_10] : memref<1024x1024xf32, #tpu.memory_space<vmem>>, vector<1024x1024xf32>
      tpu.vector_store %arg4[%swap3A, %swap3A_10], %dot_general3A_5 {strides = array<i32>} : memref<1024x1024xf32, #tpu.memory_space<vmem>>, vector<1024x1024xf32>,
    } else {
    }
    return
  }
  func.func @transform_0(%arg0: i32, %arg1: i32) -> (i32, i32) {
    %c0_i32 = arith.constant 0 : i32
    %c0_i32_0 = arith.constant 0 : i32
    return %arg0, %c0_i32 : i32, i32
  }
  func.func @transform_1(%arg0: i32, %arg1: i32) -> (i32, i32) {
    %c0_i32 = arith.constant 0 : i32
    %c0_i32_0 = arith.constant 0 : i32
    return %arg1, %c0_i32 : i32, i32
  }
  func.func @transform_2(%arg0: i32, %arg1: i32) -> (i32, i32) {
    %c0_i32 = arith.constant 0 : i32
    return %arg0, %arg1 : i32, i32
  }
}

</mosaic_0001>

<sc_bundles>
// kernel: kernel.10.cloned.1.call-start
scs
__scs_entry_jumppad:
0x0: {  	(pc) =	sbr.rel $0x88, $3  }
0x1: {  	(tag) =	ssettag $0x0;
	lr =	simm.s32 $0x1  }
0x2: {  	[smem:$0x3F99] =	sst lr;
	_ =	strace $0xD0000000  }
0x3: {  	_ = 	snop  }
0x4: {  	_ = 	snop  }
0x5: {  	_ = 	snop  }
0x6: {  	_ = 	snop  }
0x7: {  	_ = 	snop  }
__scs_overlays_trampoline_lowered:
0x8: {  	[smem:$0x3FA8] =	sst s0  }
0x9: {  	[smem:$0x3FA9] =	sst s1  }
0xa: {  	[smem:$0x3FAA] =	sst s2  }
0xb: {  	[smem:$0x3FAB] =	sst s3  }
0xc: {  	[smem:$0x3FAC] =	sst s4  }
0xd: {  	[smem:$0x3FAD] =	sst s5  }
0xe: {  	[smem:$0x3FAE] =	sst s6  }
0xf: {  	[smem:$0x3FAF] =	sst s7  }
0x10: {  	[smem:$0x3FB0] =	sst s8  }
0x11: {  	[smem:$0x3FB1] =	sst s9;
	s0 =	simm.s32 @!p0 $0x0  }
0x12: {  	s1 =	sld [smem:$0x3F97];
	s0 =	simm.s32 @p0 $0x1  }
0x13: {  	[smem:$0x3FB2] =	sst s0;
	s0 =	simm.s32 @!p1 $0x0  }
0x14: {  	s2 =	sld [smem:$0x3F96];
	s0 =	simm.s32 @p1 $0x1  }
0x15: {  	[smem:$0x3FB3] =	sst s0;
	s0 =	simm.s32 @!p2 $0x0  }
0x16: {  	s3 =	sld [smem:$0x3FDB];
	s0 =	simm.s32 @p2 $0x1  }
0x17: {  	s4 =	simm.s32 $0x1BF5;
	[smem:$0x3FB5] =	sst s0  }
0x18: {  	s0 =	sld [smem:$0x3F98];
	_ =	swait.ge [sflag:s4], $0x0  }
0x19: {  	s7 =	sld [smem:$0x3F99]  }
0x1a: {  	s8 =	sadd.s32 $0xFFFFE003, lr  }
0x1b: {  	s9 =	sadd.s32 $0xFFFFFEF7, lr;
	s5 =	simm.s32 $0xFFFFFFFF;
	p2 =	slt.u32 s8, $0xFFFFF086  }
0x1c: {  	p1 =	slt.u32 s9, $0xF7A;
	s5 =	simm.s32 @!p2 $0x0  }
0x1d: {  	s5 =	simm.s32 @p1 $0x1;
	p0 =	seq.s32 s7, s2  }
0x1e: {  	s7 =	smul.u32 @!p0 $0xF7A, s2;
	p2 =	seq.s32 @!p0 s5, $0x0  }
0x1f: {  	s9 =	smul.u32 $0xF7A, s1;
	s8 =	simm.s32 @!p0 $0x1BF5;
	p2 =	por !p2, p0  }
0x20: {  	[sflag:s8] =	ssyncset.s32 @!p0 $0xFFFFF086;
	s6 =	sadd.s32 @!p0 s3, s7;
	s7 =	simm.s32 @!p0 $0x108  }
0x21: {  	s3 =	sadd.s32 s3, s9;
	s6 =	sadd.s32 @!p0 $0x88, s6;
	s7 =	simm.s32 @p2 $0x1082  }
0x22: {  	[simem:s7], [sflag:s8] =	dma.local @!p0 [hbm:s6], $0xF7A  }
0x23: {  	s9 =	sor.u32 $0xD0000000, s2;
	s6 =	simm.s32 $0x108;
	_ =	swait.ge @!p0 [sflag:s8], $0x0  }
0x24: {  	s3 =	sadd.s32 $0x88, s3;
	s6 =	simm.s32 @!p1 $0x1082;
	[sflag:s4] =	ssyncset.s32 $0xFFFFF086  }
0x25: {  	[simem:s6], [sflag:s4] =	dma.local [hbm:s3], $0xF7A  }
0x26: {  	[smem:$0x3F99] =	sst s1;
	(tag) =	ssettag s2;
	_ =	strace s9  }
0x27: {  	s1 =	sld [smem:$0x3FA9]  }
0x28: {  	s2 =	sld [smem:$0x3FAA]  }
0x29: {  	s4 =	sld [smem:$0x3FAC]  }
0x2a: {  	p0 =	seq.s32 s5, $0x0;
	s5 =	sld [smem:$0x3FAD]  }
0x2b: {  	s6 =	sld [smem:$0x3FAE]  }
0x2c: {  	s7 =	sld [smem:$0x3FAF]  }
0x2d: {  	s3 =	simm.s32 $0x108;
	s8 =	sld [smem:$0x3FB0]  }
0x2e: {  	s3 =	simm.s32 @!p0 $0x1082;
	s9 =	sld [smem:$0x3FB1]  }
0x2f: {  	lr =	sadd.s32 s0, s3;
	s0 =	sld [smem:$0x3FA8]  }
0x30: {  	s3 =	sld [smem:$0x3FAB]  }
0x31: {  	[smem:$0x3FB4] =	sst s10  }
0x32: {  	s10 =	sld [smem:$0x3FB2];
	_ =	sdelay $0x3  }
0x33: {  	p0 =	seq.s32 s10, $0x1;
	s10 =	sld [smem:$0x3FB4];
	_ =	sdelay $0x3  }
0x34: {  	[smem:$0x3FB4] =	sst s10  }
0x35: {  	s10 =	sld [smem:$0x3FB3];
	_ =	sdelay $0x3  }
0x36: {  	p1 =	seq.s32 s10, $0x1;
	s10 =	sld [smem:$0x3FB4];
	_ =	sdelay $0x3  }
0x37: {  	[smem:$0x3FB4] =	sst s10  }
0x38: {  	s10 =	sld [smem:$0x3FB5]  }
0x39: {  	_ = 	snop;
	(pc) =	sbr.ind lr, $3  }
0x3a: {  	_ = 	snop  }
0x3b: {  	_ = 	snop  }
0x3c: {  	p2 =	seq.s32 s10, $0x1;
	s10 =	sld [smem:$0x3FB4]  }
0x3d: {  	_ =	shalt  }
0x3e: {  	_ =	shalt  }
0x3f: {  	_ =	shalt  }
0x40: {  	_ =	shalt  }
0x41: {  	_ =	shalt  }
0x42: {  	_ =	shalt  }
0x43: {  	_ =	shalt  }
0x44: {  	_ =	shalt  }
0x45: {  	_ =	shalt  }
0x46: {  	_ =	shalt  }
0x47: {  	_ =	shalt  }
0x48: {  	_ =	shalt  }
0x49: {  	_ =	shalt  }
0x4a: {  	_ =	shalt  }
0x4b: {  	_ =	shalt  }
0x4c: {  	_ =	shalt  }
0x4d: {  	_ =	shalt  }
0x4e: {  	_ =	shalt  }
0x4f: {  	_ =	shalt  }
0x50: {  	_ =	shalt  }
0x51: {  	_ =	shalt  }
0x52: {  	_ =	shalt  }
0x53: {  	_ =	shalt  }
0x54: {  	_ =	shalt  }
0x55: {  	_ =	shalt  }
0x56: {  	_ =	shalt  }
0x57: {  	_ =	shalt  }
0x58: {  	_ =	shalt  }
0x59: {  	_ =	shalt  }
0x5a: {  	_ =	shalt  }
0x5b: {  	_ =	shalt  }
0x5c: {  	_ =	shalt  }
0x5d: {  	_ =	shalt  }
0x5e: {  	_ =	shalt  }
0x5f: {  	_ =	shalt  }
0x60: {  	_ =	shalt  }
0x61: {  	_ =	shalt  }
0x62: {  	_ =	shalt  }
0x63: {  	_ =	shalt  }
0x64: {  	_ =	shalt  }
0x65: {  	_ =	shalt  }
0x66: {  	_ =	shalt  }
0x67: {  	_ =	shalt  }
0x68: {  	_ =	shalt  }
0x69: {  	_ =	shalt  }
0x6a: {  	_ =	shalt  }
0x6b: {  	_ =	shalt  }
0x6c: {  	_ =	shalt  }
0x6d: {  	_ =	shalt  }
0x6e: {  	_ =	shalt  }
0x6f: {  	_ =	shalt  }
0x70: {  	_ =	shalt  }
0x71: {  	_ =	shalt  }
0x72: {  	_ =	shalt  }
0x73: {  	_ =	shalt  }
0x74: {  	_ =	shalt  }
0x75: {  	_ =	shalt  }
0x76: {  	_ =	shalt  }
0x77: {  	_ =	shalt  }
0x78: {  	_ =	shalt  }
0x79: {  	_ =	shalt  }
0x7a: {  	_ =	shalt  }
0x7b: {  	_ =	shalt  }
0x7c: {  	_ =	shalt  }
0x7d: {  	_ =	shalt  }
0x7e: {  	_ =	shalt  }
0x7f: {  	_ =	shalt  }
0x80: {  	_ =	shalt  }
0x81: {  	_ =	shalt  }
0x82: {  	_ =	shalt  }
0x83: {  	_ =	shalt  }
0x84: {  	_ =	shalt  }
0x85: {  	_ =	shalt  }
0x86: {  	_ =	shalt  }
0x87: {  	_ =	shalt  }
.Lfunc_end0:
.L_simem_size_0:
called_computation_lowered:
.L_overlay_start_0:
0x88: {  	s2 =	sld [smem:$0x3FD9]  }
0x89: {  	s3 =	sld [smem:$0x3FFE];
	_ =	sdelay $0x1  }
0x8a: {  	s1 =	srdreg.scid  }
0x8b: {  	s0 =	sand.u32 $0x1, s1  }
0x8c: {  	s14 =	sshll.u32 s0, $0xA;
	s2 =	sadd.s32 s3, s2  }
0x8d: {  	s2 =	sadd.s32 s2, s14  }
0x8e: {  	[smem:$0x3FC0] =	sst s2  }
0x8f: {  	_ = 	snop  }
0x90: {  	s2 =	sld [smem:$0x3FD0];
	_ =	sdelay $0x2  }
0x91: {  	s15 =	simm.s32 $0xA;
	s4 =	simm.s32 $0x10  }
0x92: {  	[smem:s4], [sflag:s15] =	dma.local [hbm:s2], $0x1  }
0x93: {  	_ =	swait.eq [sflag:s15], $0x1  }
0x94: {  	[sflag:s15] =	ssyncset.done $0x0  }
0x95: {  	s16 =	sld [smem:$0x10];
	[sflag:s15] =	ssyncadd.s32 $0xFFFFFFFF  }
0x96: {  	s17 =	sld [smem:$0x11];
	(tm) =	ssettm $0x1  }
0x97: {  	s18 =	sld [smem:$0x3FFB];
	_ =	sdelay $0x3  }
0x98: {  	_ =	strace s18  }
0x99: {  	s4 =	sld [smem:$0x3FFC];
	_ =	sdelay $0x3  }
0x9a: {  	_ =	strace s4  }
0x9b: {  	s4 =	sld [smem:$0x3FFD];
	_ =	sdelay $0x3  }
0x9c: {  	_ =	strace s4  }
0x9d: {  	_ =	strace $0x8FFFFFFF  }
0x9e: {  	s19 =	sld [smem:$0x3FDB];
	_ =	sdelay $0x1  }
0x9f: {  	s5 =	simm.s32 $_scs_section_size  }
0xa0: {  	s6 =	simm.s32 $_size__tile_overlayer_lowered;
	s7 =	simm.s32 $_tile_overlayer_lowered  }
0xa1: {  	s22 =	simm.s32 $0x1BFF;
	s21 =	sshll.u32 s7, $0x1;
	s4 =	sadd.s32 s5, s19  }
0xa2: {  	s8 =	simm.s32 $0x0;
	s20 =	sshll.u32 s6, $0x1;
	s6 =	sadd.s32 s21, s4  }
0xa3: {  	[timem:s8], [sflag:s22] =	dma.local [hbm:s6], s20  }
0xa4: {  	_ =	swait.ge [sflag:s22], s20  }
0xa5: {  	s5 =	ssub.s32 $0x0, s20;
	[sflag:s22] =	ssyncset.done $0x0  }
0xa6: {  	[sflag:s22] =	ssyncadd.s32 s5;
	_ =	sdelay $0x1  }
0xa7: {  	s23 =	simm.s32 $0x1B8B  }
0xa8: {  	_ =	swait.ge [sflag:s23], $0x1  }
0xa9: {  	[sflag:s23] =	ssyncset.done $0x0  }
0xaa: {  	s25 =	simm.s32 $0x1B8E;
	s24 =	sld [smem:$0x3FFE];
	[sflag:s23] =	ssyncadd.s32 $0xFFFFFFFF  }
0xab: {  	s26 =	simm.s32 $execute0_lowered;
	[smem:$0x3FD2] =	sst s25  }
0xac: {  	s6 =	sshll.u32 s26, $0x1;
	_ =	strace $0x80000046;
	[dreg:$0x1] =	wrdreg $0xFFFFFFFF  }
0xad: {  	s28 =	simm.s32 $_size_execute0_lowered;
	s4 =	sadd.s32 s4, s6;
	[dreg:$0x0] =	wrdreg $0x0  }
0xae: {  	s6 =	sshll.u32 s28, $0x1;
	[dreg:$0x2] =	wrdreg s4  }
0xaf: {  	[dreg:$0x3] =	wrdreg s6  }
0xb0: {  	[dreg:$0x4] =	wrdreg $0xC0  }
0xb1: {  	_ =	task [dreg:s8], $0x5FFFF  }
0xb2: {  	[dreg:$0x1] =	wrdreg $0xFFFFFFFF  }
0xb3: {  	[dreg:$0x0] =	wrdreg $0x60  }
0xb4: {  	[dreg:$0x2] =	wrdreg s16  }
0xb5: {  	[dreg:$0x3] =	wrdreg s24  }
0xb6: {  	[dreg:$0x4] =	wrdreg s17  }
0xb7: {  	[dreg:$0x5] =	wrdreg $0x72000  }
0xb8: {  	[dreg:$0x6] =	wrdreg $0x9  }
0xb9: {  	_ =	task.clear_ibuf [dreg:s8], $0x7FFFF;
	_ =	strace $0x90000046  }
0xba: {  	s29 =	simm.s32 $0x9;
	_ =	strace $0x80000048  }
0xbb: {  	_ =	swait.ge [sflag:s29], $0x1  }
0xbc: {  	[sflag:s29] =	ssyncadd.s32 $0xFFFFFFFF  }
0xbd: {  	_ =	strace $0x90000048  }
0xbe: {  	_ =	sfence  }
0xbf: {  	s30 =	sld [smem:$0x0];
	_ =	sdelay $0x2  }
0xc0: {  	s31 =	sshll.u32 s1, $0xD;
	s1 =	sshrl.u32 s1, $0x2  }
0xc1: {  	s3 =	sand.u32 $0x4000, s31;
	s1 =	sadd.s32 s1, s30  }
0xc2: {  	s0 =	sor.u32 s3, s0;
	s1 =	sshll.u32 s1, $0x11  }
0xc3: {  	s0 =	sor.u32 s1, s0  }
0xc4: {  	s0 =	sadd.s32 $0x8F2B, s0  }
0xc5: {  	[sflag:s0] =	ssyncadd.remote.s32 $0x1  }
0xc6: {  	_ =	sfence.sel $0xFFFF  }
0xc7: {  	[dreg:$0x0] =	wrdreg $0xFFFFFFFF;
	(pc) =	sbr.abs _section_cstart, $3  }
0xc8: {  	[dreg:$0x1] =	wrdreg $0xFFFFFFFF  }
0xc9: {  	_ =	task.clear_ibuf [dreg:s8], $0x2FFFF;
	_ =	strace $0x9FFFFFFF  }
0xca: {  	(tm) =	ssettm $0x7FFFFFFF  }
0xcb: {  	_ =	shalt  }
tec
execute0_lowered:
.L_overlay_start_1:
0x0: {  	(tag) =	ssettag $0x1  }
0x1: {  	s1 =	rddreg [dreg:$0x0]  }
0x2: {  	s0 =	rddreg [dreg:$0x1]  }
0x3: {  	s4 =	rddreg [dreg:$0x2]  }
0x4: {  	s2 =	rddreg [dreg:$0x3];
	s3 =	simm.s32 $0x0  }
0x5: {  	s6 =	srdreg.scid;
	s11 =	stileid.u32;
	s28 =	simm.s32 $0x1  }
0x6: {  	s29 =	simm.s32 $0x50;
	s30 =	simm.s32 $0x200;
	s31 =	simm.s32 $0x5200  }
0x7: {  	s13 =	simm.s32 $0x0;
	[smem:$0x7FF] =	sst s3;
	s5 =	sadd.s32 $0x2A00, s0  }
0x8: {  	s8 =	sand.u32 $0x1, s6;
	s7 =	sshll.u32 s11, $0xF;
	s19 =	smul.u32 $0x50000, s11  }
0x9: {  	s6 =	sadd.s32 $0x12A00, s0;
	s22 =	smul.u32 $0x14000, s11;
	s11 =	simm.s32 $0x4  }
0xa: {  	_ =	strace $0x80000047;
	s9 =	ssub.s32 $0x2, s8;
	s10 =	sshll.u32 s8, $0xE  }
0xb: {  	s8 =	smul.u32 $0x140000, s8;
	s17 =	sshrl.u32 s9, $0x1;
	s7 =	sor.u32 s10, s7  }
0xc: {  	s10 =	sshrl.u32 s19, $0x2;
	s0 =	ssub.s32 s9, s17;
	s18 =	sshrl.u32 s7, $0x3  }
0xd: {  	s8 =	sadd.s32 s22, s8;
	s12 =	sadd.s32 s1, s18;
	s20 =	sadd.s32 s5, s18  }
0xe: {  	s9 =	sor.u32 $0x10, s18;
	s8 =	sshrl.u32 s8, $0x3;
	[dreg:$0x5] =	wrdreg s12  }
0xf: {  	[dreg:$0x6] =	wrdreg s20;
	s21 =	sadd.s32 s1, s9;
	s9 =	sadd.s32 s5, s9  }
0x10: {  	s12 =	sadd.s32 s10, s2;
	s22 =	sadd.s32 s4, s8;
	[dreg:$0x7] =	wrdreg s21  }
0x11: {  	s4 =	simm.s32 $0x2;
	[dreg:$0x8] =	wrdreg s9;
	s10 =	sadd.s32 $0x2000, s12  }
0x12: {  	s8 =	simm.s32 $0x2A00;
	s23 =	sadd.s32 $0x4000, s12;
	[dreg:$0x9] =	wrdreg s10  }
0x13: {  	s24 =	sadd.s32 $0x6000, s12;
	s25 =	sadd.s32 $0x8000, s12;
	[dreg:$0xa] =	wrdreg s23  }
0x14: {  	s26 =	sadd.s32 $0xA000, s12;
	s18 =	sadd.s32 $0xC000, s12;
	[dreg:$0xb] =	wrdreg s24  }
0x15: {  	s19 =	sadd.s32 $0xE000, s12;
	s20 =	sadd.s32 $0x10000, s12;
	[dreg:$0xc] =	wrdreg s25  }
0x16: {  	s21 =	sadd.s32 $0x12000, s12;
	s9 =	simm.s32 $0x3;
	[dreg:$0xd] =	wrdreg s26  }
0x17: {  	s23 =	smax.u32 s0, $0x1;
	s24 =	simm.s32 $0x100;
	s25 =	simm.s32 $0x80  }
0x18: {  	v0 =	vimm.f32 $0.0e+00;
	s26 =	simm.s32 $0x180;
	s0 =	simm.s32 $0x5;
	s10 =	simm.s32 $0x6  }
.LBB2_1:
0x19: {  	s14 =	rddreg [dreg:$0x5]  }
0x1a: {  	[tilespmem:s3], [sflag:$0x1] =	stream.linear.gather [hbm4b:s14+s3], $0x80, $0x38;
	[tilespmem:$0x1B200] =	vst v63  }
0x1b: {  	s15 =	rddreg [dreg:$0x6]  }
0x1c: {  	[tilespmem:s24], [sflag:$0x1] =	stream.linear.gather [hbm4b:s15+s3], $0x80, $0x38;
	[tilespmem:$0x1B200] =	vst v63  }
0x1d: {  	s16 =	rddreg [dreg:$0x7]  }
0x1e: {  	[tilespmem:s25], [sflag:$0x2] =	stream.linear.gather [hbm4b:s16+s3], $0x80, $0x38;
	[tilespmem:$0x1B200] =	vst v63  }
0x1f: {  	s17 =	rddreg [dreg:$0x8];
	s14 =	simm.s32 $0x0;
	s15 =	simm.s32 $0x200  }
0x20: {  	[tilespmem:s26], [sflag:$0x2] =	stream.linear.gather [hbm4b:s17+s3], $0x80, $0x38;
	[tilespmem:$0x1B200] =	vst v63  }
.LBB2_2:
0x21: {  	p0 =	sne.s32 s15, $0x7E00;
	[tilespmem:s14+$0x5270] =	vst v0  }
0x22: {  	[tilespmem:s14+$0x5200] =	vst v0  }
0x23: {  	[tilespmem:s14+$0x5210] =	vst v0  }
.Ltmp0:
0x24: {  	[tilespmem:s14+$0x5220] =	vst v0;
	(pc) =	sbr.rel @p0 .LBB2_2-.Ltmp0, $4  }
0x25: {  	[tilespmem:s14+$0x5230] =	vst v0  }
0x26: {  	[tilespmem:s14+$0x5240] =	vst v0  }
0x27: {  	[tilespmem:s14+$0x5250] =	vst v0  }
0x28: {  	[tilespmem:s14+$0x5260] =	vst v0;
	s14 =	sshra.s32 s15, $0x2;
	s15 =	sadd.s32 $0x200, s15  }
0x29: {  	[tilespmem:s14+$0x5270] =	vst v0  }
0x2a: {  	[tilespmem:s14+$0x5200] =	vst v0  }
0x2b: {  	[tilespmem:s14+$0x5210] =	vst v0  }
0x2c: {  	[tilespmem:s14+$0x5220] =	vst v0  }
0x2d: {  	[tilespmem:s14+$0x5230] =	vst v0  }
0x2e: {  	[tilespmem:s14+$0x5240] =	vst v0  }
0x2f: {  	[tilespmem:s14+$0x5250] =	vst v0  }
0x30: {  	[tilespmem:s14+$0x5260] =	vst v0  }
0x31: {  	_ =	swait.ge [sflag:s28], $0x80  }
0x32: {  	[sflag:s28] =	ssyncset.done $0x0  }
0x33: {  	[sflag:s28] =	ssyncadd.s32 $0xFFFFFF80  }
0x34: {  	_ =	swait.ge [sflag:s28], $0x80  }
0x35: {  	[sflag:s28] =	ssyncset.done $0x0  }
0x36: {  	[sflag:s28] =	ssyncadd.s32 $0xFFFFFF80  }
0x37: {  	[tilespmem:s30], [sflag:$0x3] =	stream.indirect.gather [hbm4b:s6+s29], $0x80, s3, s29, $0xb8;
	[tilespmem:$0x1B200] =	vst v63  }
0x38: {  	_ = 	snop  }
0x39: {  	[spmem:s12] =	stream.linear.scatter [tilespmem:s31], [sflag:$0x5], $0x2000, $0x38;
	[tilespmem:$0x1B200] =	vst v63  }
0x3a: {  	s17 =	rddreg [dreg:$0x9]  }
0x3b: {  	[spmem:s17] =	stream.linear.scatter [tilespmem:s31], [sflag:$0x5], $0x2000, $0x38;
	[tilespmem:$0x1B200] =	vst v63  }
0x3c: {  	s15 =	rddreg [dreg:$0xa]  }
0x3d: {  	[spmem:s15] =	stream.linear.scatter [tilespmem:s31], [sflag:$0x5], $0x2000, $0x38;
	[tilespmem:$0x1B200] =	vst v63  }
0x3e: {  	s16 =	rddreg [dreg:$0xb]  }
0x3f: {  	[spmem:s16] =	stream.linear.scatter [tilespmem:s31], [sflag:$0x5], $0x2000, $0x38;
	[tilespmem:$0x1B200] =	vst v63  }
0x40: {  	s17 =	rddreg [dreg:$0xc]  }
0x41: {  	[spmem:s17] =	stream.linear.scatter [tilespmem:s31], [sflag:$0x5], $0x2000, $0x38;
	[tilespmem:$0x1B200] =	vst v63  }
0x42: {  	s15 =	rddreg [dreg:$0xd]  }
0x43: {  	[spmem:s15] =	stream.linear.scatter [tilespmem:s31], [sflag:$0x5], $0x2000, $0x38;
	[tilespmem:$0x1B200] =	vst v63  }
0x44: {  	_ = 	snop  }
0x45: {  	[spmem:s18] =	stream.linear.scatter [tilespmem:s31], [sflag:$0x5], $0x2000, $0x38;
	[tilespmem:$0x1B200] =	vst v63  }
0x46: {  	_ = 	snop  }
0x47: {  	[spmem:s19] =	stream.linear.scatter [tilespmem:s31], [sflag:$0x5], $0x2000, $0x38;
	[tilespmem:$0x1B200] =	vst v63  }
0x48: {  	_ = 	snop  }
0x49: {  	[spmem:s20] =	stream.linear.scatter [tilespmem:s31], [sflag:$0x5], $0x2000, $0x38;
	[tilespmem:$0x1B200] =	vst v63  }
0x4a: {  	_ = 	snop  }
0x4b: {  	[spmem:s21] =	stream.linear.scatter [tilespmem:s31], [sflag:$0x5], $0x2000, $0x38;
	[tilespmem:$0x1B200] =	vst v63  }
0x4c: {  	_ =	swait.ge [sflag:s0], $0x2000  }
0x4d: {  	[sflag:s0] =	ssyncset.done $0x0  }
0x4e: {  	[sflag:s0] =	ssyncadd.s32 $0xFFFFE000  }
0x4f: {  	_ =	swait.ge [sflag:s0], $0x2000  }
0x50: {  	[sflag:s0] =	ssyncset.done $0x0  }
0x51: {  	[sflag:s0] =	ssyncadd.s32 $0xFFFFE000  }
0x52: {  	_ =	swait.ge [sflag:s0], $0x2000  }
0x53: {  	[sflag:s0] =	ssyncset.done $0x0  }
0x54: {  	[sflag:s0] =	ssyncadd.s32 $0xFFFFE000  }
0x55: {  	_ =	swait.ge [sflag:s0], $0x2000  }
0x56: {  	[sflag:s0] =	ssyncset.done $0x0  }
0x57: {  	[sflag:s0] =	ssyncadd.s32 $0xFFFFE000  }
0x58: {  	_ =	swait.ge [sflag:s0], $0x2000  }
0x59: {  	[sflag:s0] =	ssyncset.done $0x0  }
0x5a: {  	[sflag:s0] =	ssyncadd.s32 $0xFFFFE000  }
0x5b: {  	_ =	swait.ge [sflag:s0], $0x2000  }
0x5c: {  	[sflag:s0] =	ssyncset.done $0x0  }
0x5d: {  	[sflag:s0] =	ssyncadd.s32 $0xFFFFE000  }
0x5e: {  	_ =	swait.ge [sflag:s0], $0x2000  }
0x5f: {  	[sflag:s0] =	ssyncset.done $0x0  }
0x60: {  	[sflag:s0] =	ssyncadd.s32 $0xFFFFE000  }
0x61: {  	_ =	swait.ge [sflag:s0], $0x2000  }
0x62: {  	[sflag:s0] =	ssyncset.done $0x0  }
0x63: {  	[sflag:s0] =	ssyncadd.s32 $0xFFFFE000  }
0x64: {  	_ =	swait.ge [sflag:s0], $0x2000  }
0x65: {  	[sflag:s0] =	ssyncset.done $0x0  }
0x66: {  	[sflag:s0] =	ssyncadd.s32 $0xFFFFE000  }
0x67: {  	_ =	swait.ge [sflag:s0], $0x2000  }
0x68: {  	[sflag:s0] =	ssyncset.done $0x0  }
0x69: {  	[sflag:s0] =	ssyncadd.s32 $0xFFFFE000  }
0x6a: {  	[bflag:$0x0] =	sbarrier.arrive $0xFFFF  }
0x6b: {  	_ =	swait.ge [sflag:s4], $0x80  }
0x6c: {  	[sflag:s4] =	ssyncset.done $0x0  }
0x6d: {  	[sflag:s4] =	ssyncadd.s32 $0xFFFFFF80  }
0x6e: {  	_ =	swait.ge [sflag:s4], $0x80  }
0x6f: {  	[sflag:s4] =	ssyncset.done $0x0  }
0x70: {  	[sflag:s4] =	ssyncadd.s32 $0xFFFFFF80  }
0x71: {  	[tilespmem:s8], [sflag:$0x4] =	stream.indirect.gather [hbm4b:s6+s29], $0x80, s25, s29, $0xb8;
	[tilespmem:$0x1B200] =	vst v63  }
0x72: {  	s16 =	simm.s32 $0x100;
	_ =	swait.ge [sflag:s9], $0x2800  }
0x73: {  	s15 =	sand.u32 $0x7C00, s16;
	[sflag:s9] =	ssyncset.done $0x0  }
0x74: {  	s14 =	sand.u32 $0x300, s16;
	s15 =	sadd.s32 s7, s15;
	[sflag:s9] =	ssyncadd.s32 $0xFFFFD800  }
0x75: {  	[spmem:s2] =	stream.indirect.scatter.add.f32 [tilespmem:s30], [sflag:$0x6], $0x80, s24, s29, $0xb8;
	[tilespmem:$0x1B200] =	vst v63  }
0x76: {  	s14 =	sor.u32 s14, s15;
	_ =	swait.ge [sflag:s10], $0x2800  }
0x77: {  	s14 =	sshrl.u32 s14, $0x3;
	[sflag:s10] =	ssyncset.done $0x0  }
0x78: {  	s17 =	sadd.s32 s1, s14;
	[sflag:s10] =	ssyncadd.s32 $0xFFFFD800  }
0x79: {  	[tilespmem:s3], [sflag:$0x1] =	stream.linear.gather [hbm4b:s17+s3], $0x80, $0x38;
	[tilespmem:$0x1B200] =	vst v63  }
0x7a: {  	s14 =	sadd.s32 s5, s14  }
0x7b: {  	[tilespmem:s24], [sflag:$0x1] =	stream.linear.gather [hbm4b:s14+s3], $0x80, $0x38;
	[tilespmem:$0x1B200] =	vst v63  }
0x7c: {  	_ =	swait.ge [sflag:s28], $0x80  }
0x7d: {  	[sflag:s28] =	ssyncset.done $0x0  }
0x7e: {  	[sflag:s28] =	ssyncadd.s32 $0xFFFFFF80  }
0x7f: {  	_ =	swait.ge [sflag:s28], $0x80  }
0x80: {  	[sflag:s28] =	ssyncset.done $0x0  }
0x81: {  	[sflag:s28] =	ssyncadd.s32 $0xFFFFFF80  }
0x82: {  	[tilespmem:s30], [sflag:$0x3] =	stream.indirect.gather [hbm4b:s6+s29], $0x80, s3, s29, $0xb8;
	[tilespmem:$0x1B200] =	vst v63  }
0x83: {  	s16 =	simm.s32 $0x180;
	_ =	swait.ge [sflag:s11], $0x2800  }
0x84: {  	s17 =	sand.u32 $0x7C00, s16;
	[sflag:s11] =	ssyncset.done $0x0  }
0x85: {  	s15 =	sadd.s32 s7, s17;
	s14 =	sand.u32 $0x380, s16;
	[sflag:s11] =	ssyncadd.s32 $0xFFFFD800  }
0x86: {  	[spmem:s2] =	stream.indirect.scatter.add.f32 [tilespmem:s8], [sflag:$0x6], $0x80, s26, s29, $0xb8;
	[tilespmem:$0x1B200] =	vst v63  }
0x87: {  	s14 =	sor.u32 s14, s15;
	_ =	swait.ge [sflag:s10], $0x2800  }
0x88: {  	s15 =	sshrl.u32 s14, $0x3;
	[sflag:s10] =	ssyncset.done $0x0  }
0x89: {  	s14 =	sadd.s32 s1, s15;
	[sflag:s10] =	ssyncadd.s32 $0xFFFFD800  }
0x8a: {  	[tilespmem:s25], [sflag:$0x2] =	stream.linear.gather [hbm4b:s14+s3], $0x80, $0x38;
	[tilespmem:$0x1B200] =	vst v63  }
0x8b: {  	s16 =	sadd.s32 s5, s15;
	s14 =	simm.s32 $0x280  }
.LBB2_4:
0x8c: {  	p0 =	sne.s32 s14, $0x3E80;
	s15 =	smov.u32 s14;
	s14 =	sadd.s32 $0x100, s14  }
0x8d: {  	[tilespmem:s26], [sflag:$0x2] =	stream.linear.gather [hbm4b:s16+s3], $0x80, $0x38;
	[tilespmem:$0x1B200] =	vst v63  }
0x8e: {  	_ =	swait.ge [sflag:s4], $0x80  }
0x8f: {  	[sflag:s4] =	ssyncset.done $0x0  }
0x90: {  	[sflag:s4] =	ssyncadd.s32 $0xFFFFFF80  }
0x91: {  	_ =	swait.ge [sflag:s4], $0x80  }
0x92: {  	[sflag:s4] =	ssyncset.done $0x0  }
0x93: {  	[sflag:s4] =	ssyncadd.s32 $0xFFFFFF80  }
0x94: {  	[tilespmem:s8], [sflag:$0x4] =	stream.indirect.gather [hbm4b:s6+s29], $0x80, s25, s29, $0xb8;
	[tilespmem:$0x1B200] =	vst v63  }
0x95: {  	_ =	swait.ge [sflag:s9], $0x2800  }
0x96: {  	s16 =	sadd.s32 $0xFFFFFF80, s15;
	[sflag:s9] =	ssyncset.done $0x0  }
0x97: {  	s17 =	sand.u32 $0x7C00, s16;
	s16 =	sand.u32 $0x300, s16;
	[sflag:s9] =	ssyncadd.s32 $0xFFFFD800  }
0x98: {  	[spmem:s2] =	stream.indirect.scatter.add.f32 [tilespmem:s30], [sflag:$0x6], $0x80, s24, s29, $0xb8;
	[tilespmem:$0x1B200] =	vst v63  }
0x99: {  	s17 =	sadd.s32 s7, s17;
	_ =	swait.ge [sflag:s10], $0x2800  }
0x9a: {  	s16 =	sor.u32 s16, s17;
	[sflag:s10] =	ssyncset.done $0x0  }
0x9b: {  	s16 =	sshrl.u32 s16, $0x3;
	[sflag:s10] =	ssyncadd.s32 $0xFFFFD800  }
0x9c: {  	s17 =	sadd.s32 s1, s16;
	s16 =	sadd.s32 s5, s16  }
0x9d: {  	[tilespmem:s3], [sflag:$0x1] =	stream.linear.gather [hbm4b:s17+s3], $0x80, $0x38;
	[tilespmem:$0x1B200] =	vst v63  }
0x9e: {  	_ = 	snop  }
0x9f: {  	[tilespmem:s24], [sflag:$0x1] =	stream.linear.gather [hbm4b:s16+s3], $0x80, $0x38;
	[tilespmem:$0x1B200] =	vst v63  }
0xa0: {  	_ =	swait.ge [sflag:s28], $0x80  }
0xa1: {  	[sflag:s28] =	ssyncset.done $0x0  }
0xa2: {  	[sflag:s28] =	ssyncadd.s32 $0xFFFFFF80  }
0xa3: {  	_ =	swait.ge [sflag:s28], $0x80  }
0xa4: {  	[sflag:s28] =	ssyncset.done $0x0  }
0xa5: {  	[sflag:s28] =	ssyncadd.s32 $0xFFFFFF80  }
0xa6: {  	[tilespmem:s30], [sflag:$0x3] =	stream.indirect.gather [hbm4b:s6+s29], $0x80, s3, s29, $0xb8;
	[tilespmem:$0x1B200] =	vst v63  }
0xa7: {  	_ =	swait.ge [sflag:s11], $0x2800  }
0xa8: {  	s16 =	sand.u32 $0x7C00, s15;
	[sflag:s11] =	ssyncset.done $0x0  }
0xa9: {  	s15 =	sand.u32 $0x380, s15;
	s16 =	sadd.s32 s7, s16;
	[sflag:s11] =	ssyncadd.s32 $0xFFFFD800  }
0xaa: {  	[spmem:s2] =	stream.indirect.scatter.add.f32 [tilespmem:s8], [sflag:$0x6], $0x80, s26, s29, $0xb8;
	[tilespmem:$0x1B200] =	vst v63  }
.Ltmp1:
0xab: {  	_ = 	snop;
	(pc) =	sbr.rel @p0 .LBB2_4-.Ltmp1, $4  }
0xac: {  	s15 =	sor.u32 s15, s16;
	_ =	swait.ge [sflag:s10], $0x2800  }
0xad: {  	s15 =	sshrl.u32 s15, $0x3;
	[sflag:s10] =	ssyncset.done $0x0  }
0xae: {  	s17 =	sadd.s32 s1, s15;
	s16 =	sadd.s32 s5, s15;
	[sflag:s10] =	ssyncadd.s32 $0xFFFFD800  }
0xaf: {  	[tilespmem:s25], [sflag:$0x2] =	stream.linear.gather [hbm4b:s17+s3], $0x80, $0x38;
	[tilespmem:$0x1B200] =	vst v63  }
0xb0: {  	[tilespmem:s26], [sflag:$0x2] =	stream.linear.gather [hbm4b:s16+s3], $0x80, $0x38;
	[tilespmem:$0x1B200] =	vst v63  }
0xb1: {  	_ =	swait.ge [sflag:s9], $0x2800  }
0xb2: {  	[sflag:s9] =	ssyncset.done $0x0  }
0xb3: {  	[sflag:s9] =	ssyncadd.s32 $0xFFFFD800  }
0xb4: {  	[spmem:s2] =	stream.indirect.scatter.add.f32 [tilespmem:s30], [sflag:$0x6], $0x80, s24, s29, $0xb8;
	[tilespmem:$0x1B200] =	vst v63  }
0xb5: {  	_ =	swait.ge [sflag:s10], $0x2800  }
0xb6: {  	[sflag:s10] =	ssyncset.done $0x0  }
0xb7: {  	[sflag:s10] =	ssyncadd.s32 $0xFFFFD800  }
0xb8: {  	_ =	swait.ge [sflag:s4], $0x80  }
0xb9: {  	[sflag:s4] =	ssyncset.done $0x0  }
0xba: {  	[sflag:s4] =	ssyncadd.s32 $0xFFFFFF80  }
0xbb: {  	s14 =	stileid.u32;
	_ =	swait.ge [sflag:s4], $0x80  }
0xbc: {  	s15 =	sshrl.u32 s12, $0x3;
	s13 =	sadd.s32 $0x1, s13;
	[sflag:s4] =	ssyncset.done $0x0  }
0xbd: {  	s14 =	sshll.u32 s14, $0x6;
	p0 =	sne.s32 s13, s23;
	[sflag:s4] =	ssyncadd.s32 $0xFFFFFF80  }
.Ltmp2:
0xbe: {  	s14 =	sor.u32 $0x1C06, s14;
	[bflag:$0x0] =	sbarrier.arrive $0xFFFF;
	(pc) =	sbr.rel @p0 .LBB2_1-.Ltmp2, $4  }
0xbf: {  	[hbm:s22], [sflag:s14] =	dma.local [spmem:s15], $0x2800  }
0xc0: {  	_ =	swait.ge [sflag:s10], $0x2800  }
0xc1: {  	[sflag:s10] =	ssyncset.done $0x0  }
0xc2: {  	[sflag:s10] =	ssyncadd.s32 $0xFFFFD800  }
0xc3: {  	_ =	sfence.sel $0x180000  }
0xc4: {  	[bflag:$0x0] =	sbarrier.arrive $0xFFFF  }
0xc5: {  	_ =	strace $0x90000047  }
0xc6: {  	s0 =	stileid.u32;
	[bflag:$0x2] =	sbarrier.arrive $0xFFFF  }
0xc7: {  	p0 =	sne.s32 s0, $0x0;
	s0 =	rddreg [dreg:$0x4]  }
0xc8: {  	s0 =	sadd.s32 @!p0 $0x100000, s0  }
0xc9: {  	[sflag:s0] =	ssyncadd.tile.s32 @!p0 $0x1;
	_ =	shalt  }
.Lfunc_end2:
_tile_overlayer_lowered:
.L_overlay_start_2:
0xca: {  	(tag) =	ssettag $0x2  }
0xcb: {  	s0 =	rddreg [dreg:$0x0];
	s2 =	stileid.u32  }
0xcc: {  	s1 =	rddreg [dreg:$0x1];
	p0 =	sne.s32 s2, $0x0  }
0xcd: {  	s3 =	rddreg [dreg:$0x2];
	[bflag:$0x3] =	sbarrier.arrive $0xFFFF;
	s2 =	simm.s32 @!p0 $0x1C06  }
0xce: {  	[timem:s3], [sflag:s2] =	dma.local @!p0 [hbm:s0], s1  }
0xcf: {  	s0 =	simm.s32 @!p0 $0x6  }
0xd0: {  	_ =	swait.ge @!p0 [sflag:s0], s1  }
0xd1: {  	s1 =	ssub.s32 @!p0 $0x0, s1;
	[sflag:s0] =	ssyncset.done @!p0 $0x0  }
0xd2: {  	[sflag:s0] =	ssyncadd.s32 @!p0 s1  }
0xd3: {  	[bflag:$0x3] =	sbarrier.arrive $0xFFFF  }
0xd4: {  	_ =	shalt  }

// kernel: kernel.13.cloned.1.call-start
scs
__scs_entry_jumppad:
0x0: {  	(pc) =	sbr.rel $0x88, $3  }
0x1: {  	(tag) =	ssettag $0x0;
	lr =	simm.s32 $0x1  }
0x2: {  	[smem:$0x3F99] =	sst lr;
	_ =	strace $0xD0000000  }
0x3: {  	_ = 	snop  }
0x4: {  	_ = 	snop  }
0x5: {  	_ = 	snop  }
0x6: {  	_ = 	snop  }
0x7: {  	_ = 	snop  }
__scs_overlays_trampoline_lowered:
0x8: {  	[smem:$0x3FA8] =	sst s0  }
0x9: {  	[smem:$0x3FA9] =	sst s1  }
0xa: {  	[smem:$0x3FAA] =	sst s2  }
0xb: {  	[smem:$0x3FAB] =	sst s3  }
0xc: {  	[smem:$0x3FAC] =	sst s4  }
0xd: {  	[smem:$0x3FAD] =	sst s5  }
0xe: {  	[smem:$0x3FAE] =	sst s6  }
0xf: {  	[smem:$0x3FAF] =	sst s7  }
0x10: {  	[smem:$0x3FB0] =	sst s8  }
0x11: {  	[smem:$0x3FB1] =	sst s9;
	s0 =	simm.s32 @!p0 $0x0  }
0x12: {  	s1 =	sld [smem:$0x3F97];
	s0 =	simm.s32 @p0 $0x1  }
0x13: {  	[smem:$0x3FB2] =	sst s0;
	s0 =	simm.s32 @!p1 $0x0  }
0x14: {  	s2 =	sld [smem:$0x3F96];
	s0 =	simm.s32 @p1 $0x1  }
0x15: {  	[smem:$0x3FB3] =	sst s0;
	s0 =	simm.s32 @!p2 $0x0  }
0x16: {  	s3 =	sld [smem:$0x3FDB];
	s0 =	simm.s32 @p2 $0x1  }
0x17: {  	s4 =	simm.s32 $0x1BF5;
	[smem:$0x3FB5] =	sst s0  }
0x18: {  	s0 =	sld [smem:$0x3F98];
	_ =	swait.ge [sflag:s4], $0x0  }
0x19: {  	s7 =	sld [smem:$0x3F99]  }
0x1a: {  	s8 =	sadd.s32 $0xFFFFE003, lr  }
0x1b: {  	s9 =	sadd.s32 $0xFFFFFEF7, lr;
	s5 =	simm.s32 $0xFFFFFFFF;
	p2 =	slt.u32 s8, $0xFFFFF086  }
0x1c: {  	p1 =	slt.u32 s9, $0xF7A;
	s5 =	simm.s32 @!p2 $0x0  }
0x1d: {  	s5 =	simm.s32 @p1 $0x1;
	p0 =	seq.s32 s7, s2  }
0x1e: {  	s7 =	smul.u32 @!p0 $0xF7A, s2;
	p2 =	seq.s32 @!p0 s5, $0x0  }
0x1f: {  	s9 =	smul.u32 $0xF7A, s1;
	s8 =	simm.s32 @!p0 $0x1BF5;
	p2 =	por !p2, p0  }
0x20: {  	[sflag:s8] =	ssyncset.s32 @!p0 $0xFFFFF086;
	s6 =	sadd.s32 @!p0 s3, s7;
	s7 =	simm.s32 @!p0 $0x108  }
0x21: {  	s3 =	sadd.s32 s3, s9;
	s6 =	sadd.s32 @!p0 $0x88, s6;
	s7 =	simm.s32 @p2 $0x1082  }
0x22: {  	[simem:s7], [sflag:s8] =	dma.local @!p0 [hbm:s6], $0xF7A  }
0x23: {  	s9 =	sor.u32 $0xD0000000, s2;
	s6 =	simm.s32 $0x108;
	_ =	swait.ge @!p0 [sflag:s8], $0x0  }
0x24: {  	s3 =	sadd.s32 $0x88, s3;
	s6 =	simm.s32 @!p1 $0x1082;
	[sflag:s4] =	ssyncset.s32 $0xFFFFF086  }
0x25: {  	[simem:s6], [sflag:s4] =	dma.local [hbm:s3], $0xF7A  }
0x26: {  	[smem:$0x3F99] =	sst s1;
	(tag) =	ssettag s2;
	_ =	strace s9  }
0x27: {  	s1 =	sld [smem:$0x3FA9]  }
0x28: {  	s2 =	sld [smem:$0x3FAA]  }
0x29: {  	s4 =	sld [smem:$0x3FAC]  }
0x2a: {  	p0 =	seq.s32 s5, $0x0;
	s5 =	sld [smem:$0x3FAD]  }
0x2b: {  	s6 =	sld [smem:$0x3FAE]  }
0x2c: {  	s7 =	sld [smem:$0x3FAF]  }
0x2d: {  	s3 =	simm.s32 $0x108;
	s8 =	sld [smem:$0x3FB0]  }
0x2e: {  	s3 =	simm.s32 @!p0 $0x1082;
	s9 =	sld [smem:$0x3FB1]  }
0x2f: {  	lr =	sadd.s32 s0, s3;
	s0 =	sld [smem:$0x3FA8]  }
0x30: {  	s3 =	sld [smem:$0x3FAB]  }
0x31: {  	[smem:$0x3FB4] =	sst s10  }
0x32: {  	s10 =	sld [smem:$0x3FB2];
	_ =	sdelay $0x3  }
0x33: {  	p0 =	seq.s32 s10, $0x1;
	s10 =	sld [smem:$0x3FB4];
	_ =	sdelay $0x3  }
0x34: {  	[smem:$0x3FB4] =	sst s10  }
0x35: {  	s10 =	sld [smem:$0x3FB3];
	_ =	sdelay $0x3  }
0x36: {  	p1 =	seq.s32 s10, $0x1;
	s10 =	sld [smem:$0x3FB4];
	_ =	sdelay $0x3  }
0x37: {  	[smem:$0x3FB4] =	sst s10  }
0x38: {  	s10 =	sld [smem:$0x3FB5]  }
0x39: {  	_ = 	snop;
	(pc) =	sbr.ind lr, $3  }
0x3a: {  	_ = 	snop  }
0x3b: {  	_ = 	snop  }
0x3c: {  	p2 =	seq.s32 s10, $0x1;
	s10 =	sld [smem:$0x3FB4]  }
0x3d: {  	_ =	shalt  }
0x3e: {  	_ =	shalt  }
0x3f: {  	_ =	shalt  }
0x40: {  	_ =	shalt  }
0x41: {  	_ =	shalt  }
0x42: {  	_ =	shalt  }
0x43: {  	_ =	shalt  }
0x44: {  	_ =	shalt  }
0x45: {  	_ =	shalt  }
0x46: {  	_ =	shalt  }
0x47: {  	_ =	shalt  }
0x48: {  	_ =	shalt  }
0x49: {  	_ =	shalt  }
0x4a: {  	_ =	shalt  }
0x4b: {  	_ =	shalt  }
0x4c: {  	_ =	shalt  }
0x4d: {  	_ =	shalt  }
0x4e: {  	_ =	shalt  }
0x4f: {  	_ =	shalt  }
0x50: {  	_ =	shalt  }
0x51: {  	_ =	shalt  }
0x52: {  	_ =	shalt  }
0x53: {  	_ =	shalt  }
0x54: {  	_ =	shalt  }
0x55: {  	_ =	shalt  }
0x56: {  	_ =	shalt  }
0x57: {  	_ =	shalt  }
0x58: {  	_ =	shalt  }
0x59: {  	_ =	shalt  }
0x5a: {  	_ =	shalt  }
0x5b: {  	_ =	shalt  }
0x5c: {  	_ =	shalt  }
0x5d: {  	_ =	shalt  }
0x5e: {  	_ =	shalt  }
0x5f: {  	_ =	shalt  }
0x60: {  	_ =	shalt  }
0x61: {  	_ =	shalt  }
0x62: {  	_ =	shalt  }
0x63: {  	_ =	shalt  }
0x64: {  	_ =	shalt  }
0x65: {  	_ =	shalt  }
0x66: {  	_ =	shalt  }
0x67: {  	_ =	shalt  }
0x68: {  	_ =	shalt  }
0x69: {  	_ =	shalt  }
0x6a: {  	_ =	shalt  }
0x6b: {  	_ =	shalt  }
0x6c: {  	_ =	shalt  }
0x6d: {  	_ =	shalt  }
0x6e: {  	_ =	shalt  }
0x6f: {  	_ =	shalt  }
0x70: {  	_ =	shalt  }
0x71: {  	_ =	shalt  }
0x72: {  	_ =	shalt  }
0x73: {  	_ =	shalt  }
0x74: {  	_ =	shalt  }
0x75: {  	_ =	shalt  }
0x76: {  	_ =	shalt  }
0x77: {  	_ =	shalt  }
0x78: {  	_ =	shalt  }
0x79: {  	_ =	shalt  }
0x7a: {  	_ =	shalt  }
0x7b: {  	_ =	shalt  }
0x7c: {  	_ =	shalt  }
0x7d: {  	_ =	shalt  }
0x7e: {  	_ =	shalt  }
0x7f: {  	_ =	shalt  }
0x80: {  	_ =	shalt  }
0x81: {  	_ =	shalt  }
0x82: {  	_ =	shalt  }
0x83: {  	_ =	shalt  }
0x84: {  	_ =	shalt  }
0x85: {  	_ =	shalt  }
0x86: {  	_ =	shalt  }
0x87: {  	_ =	shalt  }
.Lfunc_end0:
.L_simem_size_0:
called_computation.1_lowered:
.L_overlay_start_0:
0x88: {  	s2 =	sld [smem:$0x3FD9]  }
0x89: {  	s3 =	sld [smem:$0x3FFE];
	_ =	sdelay $0x1  }
0x8a: {  	s1 =	srdreg.scid  }
0x8b: {  	s0 =	sand.u32 $0x1, s1  }
0x8c: {  	s14 =	sshll.u32 s0, $0xA;
	s2 =	sadd.s32 s3, s2  }
0x8d: {  	s2 =	sadd.s32 s2, s14  }
0x8e: {  	[smem:$0x3FC0] =	sst s2  }
0x8f: {  	_ = 	snop  }
0x90: {  	s2 =	sld [smem:$0x3FD0];
	_ =	sdelay $0x2  }
0x91: {  	s15 =	simm.s32 $0xA;
	s4 =	simm.s32 $0x10  }
0x92: {  	[smem:s4], [sflag:s15] =	dma.local [hbm:s2], $0x1  }
0x93: {  	_ =	swait.eq [sflag:s15], $0x1  }
0x94: {  	[sflag:s15] =	ssyncset.done $0x0  }
0x95: {  	s16 =	sld [smem:$0x10];
	[sflag:s15] =	ssyncadd.s32 $0xFFFFFFFF  }
0x96: {  	s17 =	sld [smem:$0x11];
	(tm) =	ssettm $0x1  }
0x97: {  	s18 =	sld [smem:$0x3FFB];
	_ =	sdelay $0x3  }
0x98: {  	_ =	strace s18  }
0x99: {  	s4 =	sld [smem:$0x3FFC];
	_ =	sdelay $0x3  }
0x9a: {  	_ =	strace s4  }
0x9b: {  	s4 =	sld [smem:$0x3FFD];
	_ =	sdelay $0x3  }
0x9c: {  	_ =	strace s4  }
0x9d: {  	_ =	strace $0x8FFFFFFF  }
0x9e: {  	s19 =	sld [smem:$0x3FDB];
	_ =	sdelay $0x1  }
0x9f: {  	s5 =	simm.s32 $_scs_section_size  }
0xa0: {  	s6 =	simm.s32 $_size__tile_overlayer_lowered;
	s7 =	simm.s32 $_tile_overlayer_lowered  }
0xa1: {  	s22 =	simm.s32 $0x1BFF;
	s21 =	sshll.u32 s7, $0x1;
	s4 =	sadd.s32 s5, s19  }
0xa2: {  	s8 =	simm.s32 $0x0;
	s20 =	sshll.u32 s6, $0x1;
	s6 =	sadd.s32 s21, s4  }
0xa3: {  	[timem:s8], [sflag:s22] =	dma.local [hbm:s6], s20  }
0xa4: {  	_ =	swait.ge [sflag:s22], s20  }
0xa5: {  	s5 =	ssub.s32 $0x0, s20;
	[sflag:s22] =	ssyncset.done $0x0  }
0xa6: {  	[sflag:s22] =	ssyncadd.s32 s5;
	_ =	sdelay $0x1  }
0xa7: {  	s23 =	simm.s32 $0x1B8B  }
0xa8: {  	_ =	swait.ge [sflag:s23], $0x1  }
0xa9: {  	[sflag:s23] =	ssyncset.done $0x0  }
0xaa: {  	s25 =	simm.s32 $0x1B8E;
	s24 =	sld [smem:$0x3FFE];
	[sflag:s23] =	ssyncadd.s32 $0xFFFFFFFF  }
0xab: {  	s26 =	simm.s32 $execute0_lowered;
	[smem:$0x3FD2] =	sst s25  }
0xac: {  	s6 =	sshll.u32 s26, $0x1;
	_ =	strace $0x80000049;
	[dreg:$0x1] =	wrdreg $0xFFFFFFFF  }
0xad: {  	s28 =	simm.s32 $_size_execute0_lowered;
	s4 =	sadd.s32 s4, s6;
	[dreg:$0x0] =	wrdreg $0x0  }
0xae: {  	s6 =	sshll.u32 s28, $0x1;
	[dreg:$0x2] =	wrdreg s4  }
0xaf: {  	[dreg:$0x3] =	wrdreg s6  }
0xb0: {  	[dreg:$0x4] =	wrdreg $0xC0  }
0xb1: {  	_ =	task [dreg:s8], $0x5FFFF  }
0xb2: {  	[dreg:$0x1] =	wrdreg $0xFFFFFFFF  }
0xb3: {  	[dreg:$0x0] =	wrdreg $0x60  }
0xb4: {  	[dreg:$0x2] =	wrdreg s16  }
0xb5: {  	[dreg:$0x3] =	wrdreg s24  }
0xb6: {  	[dreg:$0x4] =	wrdreg s17  }
0xb7: {  	[dreg:$0x5] =	wrdreg $0x72000  }
0xb8: {  	[dreg:$0x6] =	wrdreg $0x9  }
0xb9: {  	_ =	task.clear_ibuf [dreg:s8], $0x7FFFF;
	_ =	strace $0x90000049  }
0xba: {  	s29 =	simm.s32 $0x9;
	_ =	strace $0x8000004B  }
0xbb: {  	_ =	swait.ge [sflag:s29], $0x1  }
0xbc: {  	[sflag:s29] =	ssyncadd.s32 $0xFFFFFFFF  }
0xbd: {  	_ =	strace $0x9000004B  }
0xbe: {  	_ =	sfence  }
0xbf: {  	s30 =	sld [smem:$0x0];
	_ =	sdelay $0x2  }
0xc0: {  	s31 =	sshll.u32 s1, $0xD;
	s1 =	sshrl.u32 s1, $0x2  }
0xc1: {  	s3 =	sand.u32 $0x4000, s31;
	s1 =	sadd.s32 s1, s30  }
0xc2: {  	s0 =	sor.u32 s3, s0;
	s1 =	sshll.u32 s1, $0x11  }
0xc3: {  	s0 =	sor.u32 s1, s0  }
0xc4: {  	s0 =	sadd.s32 $0x8F2B, s0  }
0xc5: {  	[sflag:s0] =	ssyncadd.remote.s32 $0x1  }
0xc6: {  	_ =	sfence.sel $0xFFFF  }
0xc7: {  	[dreg:$0x0] =	wrdreg $0xFFFFFFFF;
	(pc) =	sbr.abs _section_cstart, $3  }
0xc8: {  	[dreg:$0x1] =	wrdreg $0xFFFFFFFF  }
0xc9: {  	_ =	task.clear_ibuf [dreg:s8], $0x2FFFF;
	_ =	strace $0x9FFFFFFF  }
0xca: {  	(tm) =	ssettm $0x7FFFFFFF  }
0xcb: {  	_ =	shalt  }
tec
execute0_lowered:
.L_overlay_start_1:
0x0: {  	(tag) =	ssettag $0x1  }
0x1: {  	s1 =	rddreg [dreg:$0x0]  }
0x2: {  	s0 =	rddreg [dreg:$0x1]  }
0x3: {  	s4 =	rddreg [dreg:$0x2]  }
0x4: {  	s2 =	rddreg [dreg:$0x3];
	s3 =	simm.s32 $0x0  }
0x5: {  	s6 =	srdreg.scid;
	s11 =	stileid.u32;
	s28 =	simm.s32 $0x1  }
0x6: {  	s29 =	simm.s32 $0x50;
	s30 =	simm.s32 $0x200;
	s31 =	simm.s32 $0x5200  }
0x7: {  	s13 =	simm.s32 $0x0;
	[smem:$0x7FF] =	sst s3;
	s5 =	sadd.s32 $0x2A00, s0  }
0x8: {  	s8 =	sand.u32 $0x1, s6;
	s7 =	sshll.u32 s11, $0xF;
	s19 =	smul.u32 $0x50000, s11  }
0x9: {  	s6 =	sadd.s32 $0x12A00, s0;
	s22 =	smul.u32 $0x14000, s11;
	s11 =	simm.s32 $0x4  }
0xa: {  	_ =	strace $0x8000004A;
	s9 =	ssub.s32 $0x2, s8;
	s10 =	sshll.u32 s8, $0xE  }
0xb: {  	s8 =	smul.u32 $0x140000, s8;
	s17 =	sshrl.u32 s9, $0x1;
	s7 =	sor.u32 s10, s7  }
0xc: {  	s10 =	sshrl.u32 s19, $0x2;
	s0 =	ssub.s32 s9, s17;
	s18 =	sshrl.u32 s7, $0x3  }
0xd: {  	s8 =	sadd.s32 s22, s8;
	s12 =	sadd.s32 s1, s18;
	s20 =	sadd.s32 s5, s18  }
0xe: {  	s9 =	sor.u32 $0x10, s18;
	s8 =	sshrl.u32 s8, $0x3;
	[dreg:$0x5] =	wrdreg s12  }
0xf: {  	[dreg:$0x6] =	wrdreg s20;
	s21 =	sadd.s32 s1, s9;
	s9 =	sadd.s32 s5, s9  }
0x10: {  	s12 =	sadd.s32 s10, s2;
	s22 =	sadd.s32 s4, s8;
	[dreg:$0x7] =	wrdreg s21  }
0x11: {  	s4 =	simm.s32 $0x2;
	[dreg:$0x8] =	wrdreg s9;
	s10 =	sadd.s32 $0x2000, s12  }
0x12: {  	s8 =	simm.s32 $0x2A00;
	s23 =	sadd.s32 $0x4000, s12;
	[dreg:$0x9] =	wrdreg s10  }
0x13: {  	s24 =	sadd.s32 $0x6000, s12;
	s25 =	sadd.s32 $0x8000, s12;
	[dreg:$0xa] =	wrdreg s23  }
0x14: {  	s26 =	sadd.s32 $0xA000, s12;
	s18 =	sadd.s32 $0xC000, s12;
	[dreg:$0xb] =	wrdreg s24  }
0x15: {  	s19 =	sadd.s32 $0xE000, s12;
	s20 =	sadd.s32 $0x10000, s12;
	[dreg:$0xc] =	wrdreg s25  }
0x16: {  	s21 =	sadd.s32 $0x12000, s12;
	s9 =	simm.s32 $0x3;
	[dreg:$0xd] =	wrdreg s26  }
0x17: {  	s23 =	smax.u32 s0, $0x1;
	s24 =	simm.s32 $0x100;
	s25 =	simm.s32 $0x80  }
0x18: {  	v0 =	vimm.f32 $0.0e+00;
	s26 =	simm.s32 $0x180;
	s0 =	simm.s32 $0x5;
	s10 =	simm.s32 $0x6  }
.LBB2_1:
0x19: {  	s14 =	rddreg [dreg:$0x5]  }
0x1a: {  	[tilespmem:s3], [sflag:$0x1] =	stream.linear.gather [hbm4b:s14+s3], $0x80, $0x38;
	[tilespmem:$0x1B200] =	vst v63  }
0x1b: {  	s15 =	rddreg [dreg:$0x6]  }
0x1c: {  	[tilespmem:s24], [sflag:$0x1] =	stream.linear.gather [hbm4b:s15+s3], $0x80, $0x38;
	[tilespmem:$0x1B200] =	vst v63  }
0x1d: {  	s16 =	rddreg [dreg:$0x7]  }
0x1e: {  	[tilespmem:s25], [sflag:$0x2] =	stream.linear.gather [hbm4b:s16+s3], $0x80, $0x38;
	[tilespmem:$0x1B200] =	vst v63  }
0x1f: {  	s17 =	rddreg [dreg:$0x8];
	s14 =	simm.s32 $0x0;
	s15 =	simm.s32 $0x200  }
0x20: {  	[tilespmem:s26], [sflag:$0x2] =	stream.linear.gather [hbm4b:s17+s3], $0x80, $0x38;
	[tilespmem:$0x1B200] =	vst v63  }
.LBB2_2:
0x21: {  	p0 =	sne.s32 s15, $0x7E00;
	[tilespmem:s14+$0x5270] =	vst v0  }
0x22: {  	[tilespmem:s14+$0x5200] =	vst v0  }
0x23: {  	[tilespmem:s14+$0x5210] =	vst v0  }
.Ltmp0:
0x24: {  	[tilespmem:s14+$0x5220] =	vst v0;
	(pc) =	sbr.rel @p0 .LBB2_2-.Ltmp0, $4  }
0x25: {  	[tilespmem:s14+$0x5230] =	vst v0  }
0x26: {  	[tilespmem:s14+$0x5240] =	vst v0  }
0x27: {  	[tilespmem:s14+$0x5250] =	vst v0  }
0x28: {  	[tilespmem:s14+$0x5260] =	vst v0;
	s14 =	sshra.s32 s15, $0x2;
	s15 =	sadd.s32 $0x200, s15  }
0x29: {  	[tilespmem:s14+$0x5270] =	vst v0  }
0x2a: {  	[tilespmem:s14+$0x5200] =	vst v0  }
0x2b: {  	[tilespmem:s14+$0x5210] =	vst v0  }
0x2c: {  	[tilespmem:s14+$0x5220] =	vst v0  }
0x2d: {  	[tilespmem:s14+$0x5230] =	vst v0  }
0x2e: {  	[tilespmem:s14+$0x5240] =	vst v0  }
0x2f: {  	[tilespmem:s14+$0x5250] =	vst v0  }
0x30: {  	[tilespmem:s14+$0x5260] =	vst v0  }
0x31: {  	_ =	swait.ge [sflag:s28], $0x80  }
0x32: {  	[sflag:s28] =	ssyncset.done $0x0  }
0x33: {  	[sflag:s28] =	ssyncadd.s32 $0xFFFFFF80  }
0x34: {  	_ =	swait.ge [sflag:s28], $0x80  }
0x35: {  	[sflag:s28] =	ssyncset.done $0x0  }
0x36: {  	[sflag:s28] =	ssyncadd.s32 $0xFFFFFF80  }
0x37: {  	[tilespmem:s30], [sflag:$0x3] =	stream.indirect.gather [hbm4b:s6+s29], $0x80, s3, s29, $0xb8;
	[tilespmem:$0x1B200] =	vst v63  }
0x38: {  	_ = 	snop  }
0x39: {  	[spmem:s12] =	stream.linear.scatter [tilespmem:s31], [sflag:$0x5], $0x2000, $0x38;
	[tilespmem:$0x1B200] =	vst v63  }
0x3a: {  	s17 =	rddreg [dreg:$0x9]  }
0x3b: {  	[spmem:s17] =	stream.linear.scatter [tilespmem:s31], [sflag:$0x5], $0x2000, $0x38;
	[tilespmem:$0x1B200] =	vst v63  }
0x3c: {  	s15 =	rddreg [dreg:$0xa]  }
0x3d: {  	[spmem:s15] =	stream.linear.scatter [tilespmem:s31], [sflag:$0x5], $0x2000, $0x38;
	[tilespmem:$0x1B200] =	vst v63  }
0x3e: {  	s16 =	rddreg [dreg:$0xb]  }
0x3f: {  	[spmem:s16] =	stream.linear.scatter [tilespmem:s31], [sflag:$0x5], $0x2000, $0x38;
	[tilespmem:$0x1B200] =	vst v63  }
0x40: {  	s17 =	rddreg [dreg:$0xc]  }
0x41: {  	[spmem:s17] =	stream.linear.scatter [tilespmem:s31], [sflag:$0x5], $0x2000, $0x38;
	[tilespmem:$0x1B200] =	vst v63  }
0x42: {  	s15 =	rddreg [dreg:$0xd]  }
0x43: {  	[spmem:s15] =	stream.linear.scatter [tilespmem:s31], [sflag:$0x5], $0x2000, $0x38;
	[tilespmem:$0x1B200] =	vst v63  }
0x44: {  	_ = 	snop  }
0x45: {  	[spmem:s18] =	stream.linear.scatter [tilespmem:s31], [sflag:$0x5], $0x2000, $0x38;
	[tilespmem:$0x1B200] =	vst v63  }
0x46: {  	_ = 	snop  }
0x47: {  	[spmem:s19] =	stream.linear.scatter [tilespmem:s31], [sflag:$0x5], $0x2000, $0x38;
	[tilespmem:$0x1B200] =	vst v63  }
0x48: {  	_ = 	snop  }
0x49: {  	[spmem:s20] =	stream.linear.scatter [tilespmem:s31], [sflag:$0x5], $0x2000, $0x38;
	[tilespmem:$0x1B200] =	vst v63  }
0x4a: {  	_ = 	snop  }
0x4b: {  	[spmem:s21] =	stream.linear.scatter [tilespmem:s31], [sflag:$0x5], $0x2000, $0x38;
	[tilespmem:$0x1B200] =	vst v63  }
0x4c: {  	_ =	swait.ge [sflag:s0], $0x2000  }
0x4d: {  	[sflag:s0] =	ssyncset.done $0x0  }
0x4e: {  	[sflag:s0] =	ssyncadd.s32 $0xFFFFE000  }
0x4f: {  	_ =	swait.ge [sflag:s0], $0x2000  }
0x50: {  	[sflag:s0] =	ssyncset.done $0x0  }
0x51: {  	[sflag:s0] =	ssyncadd.s32 $0xFFFFE000  }
0x52: {  	_ =	swait.ge [sflag:s0], $0x2000  }
0x53: {  	[sflag:s0] =	ssyncset.done $0x0  }
0x54: {  	[sflag:s0] =	ssyncadd.s32 $0xFFFFE000  }
0x55: {  	_ =	swait.ge [sflag:s0], $0x2000  }
0x56: {  	[sflag:s0] =	ssyncset.done $0x0  }
0x57: {  	[sflag:s0] =	ssyncadd.s32 $0xFFFFE000  }
0x58: {  	_ =	swait.ge [sflag:s0], $0x2000  }
0x59: {  	[sflag:s0] =	ssyncset.done $0x0  }
0x5a: {  	[sflag:s0] =	ssyncadd.s32 $0xFFFFE000  }
0x5b: {  	_ =	swait.ge [sflag:s0], $0x2000  }
0x5c: {  	[sflag:s0] =	ssyncset.done $0x0  }
0x5d: {  	[sflag:s0] =	ssyncadd.s32 $0xFFFFE000  }
0x5e: {  	_ =	swait.ge [sflag:s0], $0x2000  }
0x5f: {  	[sflag:s0] =	ssyncset.done $0x0  }
0x60: {  	[sflag:s0] =	ssyncadd.s32 $0xFFFFE000  }
0x61: {  	_ =	swait.ge [sflag:s0], $0x2000  }
0x62: {  	[sflag:s0] =	ssyncset.done $0x0  }
0x63: {  	[sflag:s0] =	ssyncadd.s32 $0xFFFFE000  }
0x64: {  	_ =	swait.ge [sflag:s0], $0x2000  }
0x65: {  	[sflag:s0] =	ssyncset.done $0x0  }
0x66: {  	[sflag:s0] =	ssyncadd.s32 $0xFFFFE000  }
0x67: {  	_ =	swait.ge [sflag:s0], $0x2000  }
0x68: {  	[sflag:s0] =	ssyncset.done $0x0  }
0x69: {  	[sflag:s0] =	ssyncadd.s32 $0xFFFFE000  }
0x6a: {  	[bflag:$0x0] =	sbarrier.arrive $0xFFFF  }
0x6b: {  	_ =	swait.ge [sflag:s4], $0x80  }
0x6c: {  	[sflag:s4] =	ssyncset.done $0x0  }
0x6d: {  	[sflag:s4] =	ssyncadd.s32 $0xFFFFFF80  }
0x6e: {  	_ =	swait.ge [sflag:s4], $0x80  }
0x6f: {  	[sflag:s4] =	ssyncset.done $0x0  }
0x70: {  	[sflag:s4] =	ssyncadd.s32 $0xFFFFFF80  }
0x71: {  	[tilespmem:s8], [sflag:$0x4] =	stream.indirect.gather [hbm4b:s6+s29], $0x80, s25, s29, $0xb8;
	[tilespmem:$0x1B200] =	vst v63  }
0x72: {  	s16 =	simm.s32 $0x100;
	_ =	swait.ge [sflag:s9], $0x2800  }
0x73: {  	s15 =	sand.u32 $0x7C00, s16;
	[sflag:s9] =	ssyncset.done $0x0  }
0x74: {  	s14 =	sand.u32 $0x300, s16;
	s15 =	sadd.s32 s7, s15;
	[sflag:s9] =	ssyncadd.s32 $0xFFFFD800  }
0x75: {  	[spmem:s2] =	stream.indirect.scatter.add.f32 [tilespmem:s30], [sflag:$0x6], $0x80, s24, s29, $0xb8;
	[tilespmem:$0x1B200] =	vst v63  }
0x76: {  	s14 =	sor.u32 s14, s15;
	_ =	swait.ge [sflag:s10], $0x2800  }
0x77: {  	s14 =	sshrl.u32 s14, $0x3;
	[sflag:s10] =	ssyncset.done $0x0  }
0x78: {  	s17 =	sadd.s32 s1, s14;
	[sflag:s10] =	ssyncadd.s32 $0xFFFFD800  }
0x79: {  	[tilespmem:s3], [sflag:$0x1] =	stream.linear.gather [hbm4b:s17+s3], $0x80, $0x38;
	[tilespmem:$0x1B200] =	vst v63  }
0x7a: {  	s14 =	sadd.s32 s5, s14  }
0x7b: {  	[tilespmem:s24], [sflag:$0x1] =	stream.linear.gather [hbm4b:s14+s3], $0x80, $0x38;
	[tilespmem:$0x1B200] =	vst v63  }
0x7c: {  	_ =	swait.ge [sflag:s28], $0x80  }
0x7d: {  	[sflag:s28] =	ssyncset.done $0x0  }
0x7e: {  	[sflag:s28] =	ssyncadd.s32 $0xFFFFFF80  }
0x7f: {  	_ =	swait.ge [sflag:s28], $0x80  }
0x80: {  	[sflag:s28] =	ssyncset.done $0x0  }
0x81: {  	[sflag:s28] =	ssyncadd.s32 $0xFFFFFF80  }
0x82: {  	[tilespmem:s30], [sflag:$0x3] =	stream.indirect.gather [hbm4b:s6+s29], $0x80, s3, s29, $0xb8;
	[tilespmem:$0x1B200] =	vst v63  }
0x83: {  	s16 =	simm.s32 $0x180;
	_ =	swait.ge [sflag:s11], $0x2800  }
0x84: {  	s17 =	sand.u32 $0x7C00, s16;
	[sflag:s11] =	ssyncset.done $0x0  }
0x85: {  	s15 =	sadd.s32 s7, s17;
	s14 =	sand.u32 $0x380, s16;
	[sflag:s11] =	ssyncadd.s32 $0xFFFFD800  }
0x86: {  	[spmem:s2] =	stream.indirect.scatter.add.f32 [tilespmem:s8], [sflag:$0x6], $0x80, s26, s29, $0xb8;
	[tilespmem:$0x1B200] =	vst v63  }
0x87: {  	s14 =	sor.u32 s14, s15;
	_ =	swait.ge [sflag:s10], $0x2800  }
0x88: {  	s15 =	sshrl.u32 s14, $0x3;
	[sflag:s10] =	ssyncset.done $0x0  }
0x89: {  	s14 =	sadd.s32 s1, s15;
	[sflag:s10] =	ssyncadd.s32 $0xFFFFD800  }
0x8a: {  	[tilespmem:s25], [sflag:$0x2] =	stream.linear.gather [hbm4b:s14+s3], $0x80, $0x38;
	[tilespmem:$0x1B200] =	vst v63  }
0x8b: {  	s16 =	sadd.s32 s5, s15;
	s14 =	simm.s32 $0x280  }
.LBB2_4:
0x8c: {  	p0 =	sne.s32 s14, $0x3E80;
	s15 =	smov.u32 s14;
	s14 =	sadd.s32 $0x100, s14  }
0x8d: {  	[tilespmem:s26], [sflag:$0x2] =	stream.linear.gather [hbm4b:s16+s3], $0x80, $0x38;
	[tilespmem:$0x1B200] =	vst v63  }
0x8e: {  	_ =	swait.ge [sflag:s4], $0x80  }
0x8f: {  	[sflag:s4] =	ssyncset.done $0x0  }
0x90: {  	[sflag:s4] =	ssyncadd.s32 $0xFFFFFF80  }
0x91: {  	_ =	swait.ge [sflag:s4], $0x80  }
0x92: {  	[sflag:s4] =	ssyncset.done $0x0  }
0x93: {  	[sflag:s4] =	ssyncadd.s32 $0xFFFFFF80  }
0x94: {  	[tilespmem:s8], [sflag:$0x4] =	stream.indirect.gather [hbm4b:s6+s29], $0x80, s25, s29, $0xb8;
	[tilespmem:$0x1B200] =	vst v63  }
0x95: {  	_ =	swait.ge [sflag:s9], $0x2800  }
0x96: {  	s16 =	sadd.s32 $0xFFFFFF80, s15;
	[sflag:s9] =	ssyncset.done $0x0  }
0x97: {  	s17 =	sand.u32 $0x7C00, s16;
	s16 =	sand.u32 $0x300, s16;
	[sflag:s9] =	ssyncadd.s32 $0xFFFFD800  }
0x98: {  	[spmem:s2] =	stream.indirect.scatter.add.f32 [tilespmem:s30], [sflag:$0x6], $0x80, s24, s29, $0xb8;
	[tilespmem:$0x1B200] =	vst v63  }
0x99: {  	s17 =	sadd.s32 s7, s17;
	_ =	swait.ge [sflag:s10], $0x2800  }
0x9a: {  	s16 =	sor.u32 s16, s17;
	[sflag:s10] =	ssyncset.done $0x0  }
0x9b: {  	s16 =	sshrl.u32 s16, $0x3;
	[sflag:s10] =	ssyncadd.s32 $0xFFFFD800  }
0x9c: {  	s17 =	sadd.s32 s1, s16;
	s16 =	sadd.s32 s5, s16  }
0x9d: {  	[tilespmem:s3], [sflag:$0x1] =	stream.linear.gather [hbm4b:s17+s3], $0x80, $0x38;
	[tilespmem:$0x1B200] =	vst v63  }
0x9e: {  	_ = 	snop  }
0x9f: {  	[tilespmem:s24], [sflag:$0x1] =	stream.linear.gather [hbm4b:s16+s3], $0x80, $0x38;
	[tilespmem:$0x1B200] =	vst v63  }
0xa0: {  	_ =	swait.ge [sflag:s28], $0x80  }
0xa1: {  	[sflag:s28] =	ssyncset.done $0x0  }
0xa2: {  	[sflag:s28] =	ssyncadd.s32 $0xFFFFFF80  }
0xa3: {  	_ =	swait.ge [sflag:s28], $0x80  }
0xa4: {  	[sflag:s28] =	ssyncset.done $0x0  }
0xa5: {  	[sflag:s28] =	ssyncadd.s32 $0xFFFFFF80  }
0xa6: {  	[tilespmem:s30], [sflag:$0x3] =	stream.indirect.gather [hbm4b:s6+s29], $0x80, s3, s29, $0xb8;
	[tilespmem:$0x1B200] =	vst v63  }
0xa7: {  	_ =	swait.ge [sflag:s11], $0x2800  }
0xa8: {  	s16 =	sand.u32 $0x7C00, s15;
	[sflag:s11] =	ssyncset.done $0x0  }
0xa9: {  	s15 =	sand.u32 $0x380, s15;
	s16 =	sadd.s32 s7, s16;
	[sflag:s11] =	ssyncadd.s32 $0xFFFFD800  }
0xaa: {  	[spmem:s2] =	stream.indirect.scatter.add.f32 [tilespmem:s8], [sflag:$0x6], $0x80, s26, s29, $0xb8;
	[tilespmem:$0x1B200] =	vst v63  }
.Ltmp1:
0xab: {  	_ = 	snop;
	(pc) =	sbr.rel @p0 .LBB2_4-.Ltmp1, $4  }
0xac: {  	s15 =	sor.u32 s15, s16;
	_ =	swait.ge [sflag:s10], $0x2800  }
0xad: {  	s15 =	sshrl.u32 s15, $0x3;
	[sflag:s10] =	ssyncset.done $0x0  }
0xae: {  	s17 =	sadd.s32 s1, s15;
	s16 =	sadd.s32 s5, s15;
	[sflag:s10] =	ssyncadd.s32 $0xFFFFD800  }
0xaf: {  	[tilespmem:s25], [sflag:$0x2] =	stream.linear.gather [hbm4b:s17+s3], $0x80, $0x38;
	[tilespmem:$0x1B200] =	vst v63  }
0xb0: {  	[tilespmem:s26], [sflag:$0x2] =	stream.linear.gather [hbm4b:s16+s3], $0x80, $0x38;
	[tilespmem:$0x1B200] =	vst v63  }
0xb1: {  	_ =	swait.ge [sflag:s9], $0x2800  }
0xb2: {  	[sflag:s9] =	ssyncset.done $0x0  }
0xb3: {  	[sflag:s9] =	ssyncadd.s32 $0xFFFFD800  }
0xb4: {  	[spmem:s2] =	stream.indirect.scatter.add.f32 [tilespmem:s30], [sflag:$0x6], $0x80, s24, s29, $0xb8;
	[tilespmem:$0x1B200] =	vst v63  }
0xb5: {  	_ =	swait.ge [sflag:s10], $0x2800  }
0xb6: {  	[sflag:s10] =	ssyncset.done $0x0  }
0xb7: {  	[sflag:s10] =	ssyncadd.s32 $0xFFFFD800  }
0xb8: {  	_ =	swait.ge [sflag:s4], $0x80  }
0xb9: {  	[sflag:s4] =	ssyncset.done $0x0  }
0xba: {  	[sflag:s4] =	ssyncadd.s32 $0xFFFFFF80  }
0xbb: {  	s14 =	stileid.u32;
	_ =	swait.ge [sflag:s4], $0x80  }
0xbc: {  	s15 =	sshrl.u32 s12, $0x3;
	s13 =	sadd.s32 $0x1, s13;
	[sflag:s4] =	ssyncset.done $0x0  }
0xbd: {  	s14 =	sshll.u32 s14, $0x6;
	p0 =	sne.s32 s13, s23;
	[sflag:s4] =	ssyncadd.s32 $0xFFFFFF80  }
.Ltmp2:
0xbe: {  	s14 =	sor.u32 $0x1C06, s14;
	[bflag:$0x0] =	sbarrier.arrive $0xFFFF;
	(pc) =	sbr.rel @p0 .LBB2_1-.Ltmp2, $4  }
0xbf: {  	[hbm:s22], [sflag:s14] =	dma.local [spmem:s15], $0x2800  }
0xc0: {  	_ =	swait.ge [sflag:s10], $0x2800  }
0xc1: {  	[sflag:s10] =	ssyncset.done $0x0  }
0xc2: {  	[sflag:s10] =	ssyncadd.s32 $0xFFFFD800  }
0xc3: {  	_ =	sfence.sel $0x180000  }
0xc4: {  	[bflag:$0x0] =	sbarrier.arrive $0xFFFF  }
0xc5: {  	_ =	strace $0x9000004A  }
0xc6: {  	s0 =	stileid.u32;
	[bflag:$0x2] =	sbarrier.arrive $0xFFFF  }
0xc7: {  	p0 =	sne.s32 s0, $0x0;
	s0 =	rddreg [dreg:$0x4]  }
0xc8: {  	s0 =	sadd.s32 @!p0 $0x100000, s0  }
0xc9: {  	[sflag:s0] =	ssyncadd.tile.s32 @!p0 $0x1;
	_ =	shalt  }
.Lfunc_end2:
_tile_overlayer_lowered:
.L_overlay_start_2:
0xca: {  	(tag) =	ssettag $0x2  }
0xcb: {  	s0 =	rddreg [dreg:$0x0];
	s2 =	stileid.u32  }
0xcc: {  	s1 =	rddreg [dreg:$0x1];
	p0 =	sne.s32 s2, $0x0  }
0xcd: {  	s3 =	rddreg [dreg:$0x2];
	[bflag:$0x3] =	sbarrier.arrive $0xFFFF;
	s2 =	simm.s32 @!p0 $0x1C06  }
0xce: {  	[timem:s3], [sflag:s2] =	dma.local @!p0 [hbm:s0], s1  }
0xcf: {  	s0 =	simm.s32 @!p0 $0x6  }
0xd0: {  	_ =	swait.ge @!p0 [sflag:s0], s1  }
0xd1: {  	s1 =	ssub.s32 @!p0 $0x0, s1;
	[sflag:s0] =	ssyncset.done @!p0 $0x0  }
0xd2: {  	[sflag:s0] =	ssyncadd.s32 @!p0 s1  }
0xd3: {  	[bflag:$0x3] =	sbarrier.arrive $0xFFFF  }
0xd4: {  	_ =	shalt  }

// kernel: kernel.16.cloned.1.call-start
scs
__scs_entry_jumppad:
0x0: {  	(pc) =	sbr.rel $0x88, $3  }
0x1: {  	(tag) =	ssettag $0x0;
	lr =	simm.s32 $0x1  }
0x2: {  	[smem:$0x3F99] =	sst lr;
	_ =	strace $0xD0000000  }
0x3: {  	_ = 	snop  }
0x4: {  	_ = 	snop  }
0x5: {  	_ = 	snop  }
0x6: {  	_ = 	snop  }
0x7: {  	_ = 	snop  }
__scs_overlays_trampoline_lowered:
0x8: {  	[smem:$0x3FA8] =	sst s0  }
0x9: {  	[smem:$0x3FA9] =	sst s1  }
0xa: {  	[smem:$0x3FAA] =	sst s2  }
0xb: {  	[smem:$0x3FAB] =	sst s3  }
0xc: {  	[smem:$0x3FAC] =	sst s4  }
0xd: {  	[smem:$0x3FAD] =	sst s5  }
0xe: {  	[smem:$0x3FAE] =	sst s6  }
0xf: {  	[smem:$0x3FAF] =	sst s7  }
0x10: {  	[smem:$0x3FB0] =	sst s8  }
0x11: {  	[smem:$0x3FB1] =	sst s9;
	s0 =	simm.s32 @!p0 $0x0  }
0x12: {  	s1 =	sld [smem:$0x3F97];
	s0 =	simm.s32 @p0 $0x1  }
0x13: {  	[smem:$0x3FB2] =	sst s0;
	s0 =	simm.s32 @!p1 $0x0  }
0x14: {  	s2 =	sld [smem:$0x3F96];
	s0 =	simm.s32 @p1 $0x1  }
0x15: {  	[smem:$0x3FB3] =	sst s0;
	s0 =	simm.s32 @!p2 $0x0  }
0x16: {  	s3 =	sld [smem:$0x3FDB];
	s0 =	simm.s32 @p2 $0x1  }
0x17: {  	s4 =	simm.s32 $0x1BF5;
	[smem:$0x3FB5] =	sst s0  }
0x18: {  	s0 =	sld [smem:$0x3F98];
	_ =	swait.ge [sflag:s4], $0x0  }
0x19: {  	s7 =	sld [smem:$0x3F99]  }
0x1a: {  	s8 =	sadd.s32 $0xFFFFE003, lr  }
0x1b: {  	s9 =	sadd.s32 $0xFFFFFEF7, lr;
	s5 =	simm.s32 $0xFFFFFFFF;
	p2 =	slt.u32 s8, $0xFFFFF086  }
0x1c: {  	p1 =	slt.u32 s9, $0xF7A;
	s5 =	simm.s32 @!p2 $0x0  }
0x1d: {  	s5 =	simm.s32 @p1 $0x1;
	p0 =	seq.s32 s7, s2  }
0x1e: {  	s7 =	smul.u32 @!p0 $0xF7A, s2;
	p2 =	seq.s32 @!p0 s5, $0x0  }
0x1f: {  	s9 =	smul.u32 $0xF7A, s1;
	s8 =	simm.s32 @!p0 $0x1BF5;
	p2 =	por !p2, p0  }
0x20: {  	[sflag:s8] =	ssyncset.s32 @!p0 $0xFFFFF086;
	s6 =	sadd.s32 @!p0 s3, s7;
	s7 =	simm.s32 @!p0 $0x108  }
0x21: {  	s3 =	sadd.s32 s3, s9;
	s6 =	sadd.s32 @!p0 $0x88, s6;
	s7 =	simm.s32 @p2 $0x1082  }
0x22: {  	[simem:s7], [sflag:s8] =	dma.local @!p0 [hbm:s6], $0xF7A  }
0x23: {  	s9 =	sor.u32 $0xD0000000, s2;
	s6 =	simm.s32 $0x108;
	_ =	swait.ge @!p0 [sflag:s8], $0x0  }
0x24: {  	s3 =	sadd.s32 $0x88, s3;
	s6 =	simm.s32 @!p1 $0x1082;
	[sflag:s4] =	ssyncset.s32 $0xFFFFF086  }
0x25: {  	[simem:s6], [sflag:s4] =	dma.local [hbm:s3], $0xF7A  }
0x26: {  	[smem:$0x3F99] =	sst s1;
	(tag) =	ssettag s2;
	_ =	strace s9  }
0x27: {  	s1 =	sld [smem:$0x3FA9]  }
0x28: {  	s2 =	sld [smem:$0x3FAA]  }
0x29: {  	s4 =	sld [smem:$0x3FAC]  }
0x2a: {  	p0 =	seq.s32 s5, $0x0;
	s5 =	sld [smem:$0x3FAD]  }
0x2b: {  	s6 =	sld [smem:$0x3FAE]  }
0x2c: {  	s7 =	sld [smem:$0x3FAF]  }
0x2d: {  	s3 =	simm.s32 $0x108;
	s8 =	sld [smem:$0x3FB0]  }
0x2e: {  	s3 =	simm.s32 @!p0 $0x1082;
	s9 =	sld [smem:$0x3FB1]  }
0x2f: {  	lr =	sadd.s32 s0, s3;
	s0 =	sld [smem:$0x3FA8]  }
0x30: {  	s3 =	sld [smem:$0x3FAB]  }
0x31: {  	[smem:$0x3FB4] =	sst s10  }
0x32: {  	s10 =	sld [smem:$0x3FB2];
	_ =	sdelay $0x3  }
0x33: {  	p0 =	seq.s32 s10, $0x1;
	s10 =	sld [smem:$0x3FB4];
	_ =	sdelay $0x3  }
0x34: {  	[smem:$0x3FB4] =	sst s10  }
0x35: {  	s10 =	sld [smem:$0x3FB3];
	_ =	sdelay $0x3  }
0x36: {  	p1 =	seq.s32 s10, $0x1;
	s10 =	sld [smem:$0x3FB4];
	_ =	sdelay $0x3  }
0x37: {  	[smem:$0x3FB4] =	sst s10  }
0x38: {  	s10 =	sld [smem:$0x3FB5]  }
0x39: {  	_ = 	snop;
	(pc) =	sbr.ind lr, $3  }
0x3a: {  	_ = 	snop  }
0x3b: {  	_ = 	snop  }
0x3c: {  	p2 =	seq.s32 s10, $0x1;
	s10 =	sld [smem:$0x3FB4]  }
0x3d: {  	_ =	shalt  }
0x3e: {  	_ =	shalt  }
0x3f: {  	_ =	shalt  }
0x40: {  	_ =	shalt  }
0x41: {  	_ =	shalt  }
0x42: {  	_ =	shalt  }
0x43: {  	_ =	shalt  }
0x44: {  	_ =	shalt  }
0x45: {  	_ =	shalt  }
0x46: {  	_ =	shalt  }
0x47: {  	_ =	shalt  }
0x48: {  	_ =	shalt  }
0x49: {  	_ =	shalt  }
0x4a: {  	_ =	shalt  }
0x4b: {  	_ =	shalt  }
0x4c: {  	_ =	shalt  }
0x4d: {  	_ =	shalt  }
0x4e: {  	_ =	shalt  }
0x4f: {  	_ =	shalt  }
0x50: {  	_ =	shalt  }
0x51: {  	_ =	shalt  }
0x52: {  	_ =	shalt  }
0x53: {  	_ =	shalt  }
0x54: {  	_ =	shalt  }
0x55: {  	_ =	shalt  }
0x56: {  	_ =	shalt  }
0x57: {  	_ =	shalt  }
0x58: {  	_ =	shalt  }
0x59: {  	_ =	shalt  }
0x5a: {  	_ =	shalt  }
0x5b: {  	_ =	shalt  }
0x5c: {  	_ =	shalt  }
0x5d: {  	_ =	shalt  }
0x5e: {  	_ =	shalt  }
0x5f: {  	_ =	shalt  }
0x60: {  	_ =	shalt  }
0x61: {  	_ =	shalt  }
0x62: {  	_ =	shalt  }
0x63: {  	_ =	shalt  }
0x64: {  	_ =	shalt  }
0x65: {  	_ =	shalt  }
0x66: {  	_ =	shalt  }
0x67: {  	_ =	shalt  }
0x68: {  	_ =	shalt  }
0x69: {  	_ =	shalt  }
0x6a: {  	_ =	shalt  }
0x6b: {  	_ =	shalt  }
0x6c: {  	_ =	shalt  }
0x6d: {  	_ =	shalt  }
0x6e: {  	_ =	shalt  }
0x6f: {  	_ =	shalt  }
0x70: {  	_ =	shalt  }
0x71: {  	_ =	shalt  }
0x72: {  	_ =	shalt  }
0x73: {  	_ =	shalt  }
0x74: {  	_ =	shalt  }
0x75: {  	_ =	shalt  }
0x76: {  	_ =	shalt  }
0x77: {  	_ =	shalt  }
0x78: {  	_ =	shalt  }
0x79: {  	_ =	shalt  }
0x7a: {  	_ =	shalt  }
0x7b: {  	_ =	shalt  }
0x7c: {  	_ =	shalt  }
0x7d: {  	_ =	shalt  }
0x7e: {  	_ =	shalt  }
0x7f: {  	_ =	shalt  }
0x80: {  	_ =	shalt  }
0x81: {  	_ =	shalt  }
0x82: {  	_ =	shalt  }
0x83: {  	_ =	shalt  }
0x84: {  	_ =	shalt  }
0x85: {  	_ =	shalt  }
0x86: {  	_ =	shalt  }
0x87: {  	_ =	shalt  }
.Lfunc_end0:
.L_simem_size_0:
called_computation.2_lowered:
.L_overlay_start_0:
0x88: {  	s2 =	sld [smem:$0x3FD9]  }
0x89: {  	s3 =	sld [smem:$0x3FFE];
	_ =	sdelay $0x1  }
0x8a: {  	s1 =	srdreg.scid  }
0x8b: {  	s0 =	sand.u32 $0x1, s1  }
0x8c: {  	s14 =	sshll.u32 s0, $0xA;
	s2 =	sadd.s32 s3, s2  }
0x8d: {  	s2 =	sadd.s32 s2, s14  }
0x8e: {  	[smem:$0x3FC0] =	sst s2  }
0x8f: {  	_ = 	snop  }
0x90: {  	s2 =	sld [smem:$0x3FD0];
	_ =	sdelay $0x2  }
0x91: {  	s15 =	simm.s32 $0xA;
	s4 =	simm.s32 $0x10  }
0x92: {  	[smem:s4], [sflag:s15] =	dma.local [hbm:s2], $0x1  }
0x93: {  	_ =	swait.eq [sflag:s15], $0x1  }
0x94: {  	[sflag:s15] =	ssyncset.done $0x0  }
0x95: {  	s16 =	sld [smem:$0x10];
	[sflag:s15] =	ssyncadd.s32 $0xFFFFFFFF  }
0x96: {  	s17 =	sld [smem:$0x11];
	(tm) =	ssettm $0x1  }
0x97: {  	s18 =	sld [smem:$0x3FFB];
	_ =	sdelay $0x3  }
0x98: {  	_ =	strace s18  }
0x99: {  	s4 =	sld [smem:$0x3FFC];
	_ =	sdelay $0x3  }
0x9a: {  	_ =	strace s4  }
0x9b: {  	s4 =	sld [smem:$0x3FFD];
	_ =	sdelay $0x3  }
0x9c: {  	_ =	strace s4  }
0x9d: {  	_ =	strace $0x8FFFFFFF  }
0x9e: {  	s19 =	sld [smem:$0x3FDB];
	_ =	sdelay $0x1  }
0x9f: {  	s5 =	simm.s32 $_scs_section_size  }
0xa0: {  	s6 =	simm.s32 $_size__tile_overlayer_lowered;
	s7 =	simm.s32 $_tile_overlayer_lowered  }
0xa1: {  	s22 =	simm.s32 $0x1BFF;
	s21 =	sshll.u32 s7, $0x1;
	s4 =	sadd.s32 s5, s19  }
0xa2: {  	s8 =	simm.s32 $0x0;
	s20 =	sshll.u32 s6, $0x1;
	s6 =	sadd.s32 s21, s4  }
0xa3: {  	[timem:s8], [sflag:s22] =	dma.local [hbm:s6], s20  }
0xa4: {  	_ =	swait.ge [sflag:s22], s20  }
0xa5: {  	s5 =	ssub.s32 $0x0, s20;
	[sflag:s22] =	ssyncset.done $0x0  }
0xa6: {  	[sflag:s22] =	ssyncadd.s32 s5;
	_ =	sdelay $0x1  }
0xa7: {  	s23 =	simm.s32 $0x1B8B  }
0xa8: {  	_ =	swait.ge [sflag:s23], $0x1  }
0xa9: {  	[sflag:s23] =	ssyncset.done $0x0  }
0xaa: {  	s25 =	simm.s32 $0x1B8E;
	s24 =	sld [smem:$0x3FFE];
	[sflag:s23] =	ssyncadd.s32 $0xFFFFFFFF  }
0xab: {  	s26 =	simm.s32 $execute0_lowered;
	[smem:$0x3FD2] =	sst s25  }
0xac: {  	s6 =	sshll.u32 s26, $0x1;
	_ =	strace $0x8000004C;
	[dreg:$0x1] =	wrdreg $0xFFFFFFFF  }
0xad: {  	s28 =	simm.s32 $_size_execute0_lowered;
	s4 =	sadd.s32 s4, s6;
	[dreg:$0x0] =	wrdreg $0x0  }
0xae: {  	s6 =	sshll.u32 s28, $0x1;
	[dreg:$0x2] =	wrdreg s4  }
0xaf: {  	[dreg:$0x3] =	wrdreg s6  }
0xb0: {  	[dreg:$0x4] =	wrdreg $0xC0  }
0xb1: {  	_ =	task [dreg:s8], $0x5FFFF  }
0xb2: {  	[dreg:$0x1] =	wrdreg $0xFFFFFFFF  }
0xb3: {  	[dreg:$0x0] =	wrdreg $0x60  }
0xb4: {  	[dreg:$0x2] =	wrdreg s16  }
0xb5: {  	[dreg:$0x3] =	wrdreg s24  }
0xb6: {  	[dreg:$0x4] =	wrdreg s17  }
0xb7: {  	[dreg:$0x5] =	wrdreg $0x72000  }
0xb8: {  	[dreg:$0x6] =	wrdreg $0x9  }
0xb9: {  	_ =	task.clear_ibuf [dreg:s8], $0x7FFFF;
	_ =	strace $0x9000004C  }
0xba: {  	s29 =	simm.s32 $0x9;
	_ =	strace $0x8000004E  }
0xbb: {  	_ =	swait.ge [sflag:s29], $0x1  }
0xbc: {  	[sflag:s29] =	ssyncadd.s32 $0xFFFFFFFF  }
0xbd: {  	_ =	strace $0x9000004E  }
0xbe: {  	_ =	sfence  }
0xbf: {  	s30 =	sld [smem:$0x0];
	_ =	sdelay $0x2  }
0xc0: {  	s31 =	sshll.u32 s1, $0xD;
	s1 =	sshrl.u32 s1, $0x2  }
0xc1: {  	s3 =	sand.u32 $0x4000, s31;
	s1 =	sadd.s32 s1, s30  }
0xc2: {  	s0 =	sor.u32 s3, s0;
	s1 =	sshll.u32 s1, $0x11  }
0xc3: {  	s0 =	sor.u32 s1, s0  }
0xc4: {  	s0 =	sadd.s32 $0x8F2B, s0  }
0xc5: {  	[sflag:s0] =	ssyncadd.remote.s32 $0x1  }
0xc6: {  	_ =	sfence.sel $0xFFFF  }
0xc7: {  	[dreg:$0x0] =	wrdreg $0xFFFFFFFF;
	(pc) =	sbr.abs _section_cstart, $3  }
0xc8: {  	[dreg:$0x1] =	wrdreg $0xFFFFFFFF  }
0xc9: {  	_ =	task.clear_ibuf [dreg:s8], $0x2FFFF;
	_ =	strace $0x9FFFFFFF  }
0xca: {  	(tm) =	ssettm $0x7FFFFFFF  }
0xcb: {  	_ =	shalt  }
tec
execute0_lowered:
.L_overlay_start_1:
0x0: {  	(tag) =	ssettag $0x1  }
0x1: {  	s1 =	rddreg [dreg:$0x0]  }
0x2: {  	s0 =	rddreg [dreg:$0x1]  }
0x3: {  	s4 =	rddreg [dreg:$0x2]  }
0x4: {  	s2 =	rddreg [dreg:$0x3];
	s3 =	simm.s32 $0x0  }
0x5: {  	s6 =	srdreg.scid;
	s11 =	stileid.u32;
	s28 =	simm.s32 $0x1  }
0x6: {  	s29 =	simm.s32 $0x50;
	s30 =	simm.s32 $0x200;
	s31 =	simm.s32 $0x5200  }
0x7: {  	s13 =	simm.s32 $0x0;
	[smem:$0x7FF] =	sst s3;
	s5 =	sadd.s32 $0x2A00, s0  }
0x8: {  	s8 =	sand.u32 $0x1, s6;
	s7 =	sshll.u32 s11, $0xF;
	s19 =	smul.u32 $0x50000, s11  }
0x9: {  	s6 =	sadd.s32 $0x12A00, s0;
	s22 =	smul.u32 $0x14000, s11;
	s11 =	simm.s32 $0x4  }
0xa: {  	_ =	strace $0x8000004D;
	s9 =	ssub.s32 $0x2, s8;
	s10 =	sshll.u32 s8, $0xE  }
0xb: {  	s8 =	smul.u32 $0x140000, s8;
	s17 =	sshrl.u32 s9, $0x1;
	s7 =	sor.u32 s10, s7  }
0xc: {  	s10 =	sshrl.u32 s19, $0x2;
	s0 =	ssub.s32 s9, s17;
	s18 =	sshrl.u32 s7, $0x3  }
0xd: {  	s8 =	sadd.s32 s22, s8;
	s12 =	sadd.s32 s1, s18;
	s20 =	sadd.s32 s5, s18  }
0xe: {  	s9 =	sor.u32 $0x10, s18;
	s8 =	sshrl.u32 s8, $0x3;
	[dreg:$0x5] =	wrdreg s12  }
0xf: {  	[dreg:$0x6] =	wrdreg s20;
	s21 =	sadd.s32 s1, s9;
	s9 =	sadd.s32 s5, s9  }
0x10: {  	s12 =	sadd.s32 s10, s2;
	s22 =	sadd.s32 s4, s8;
	[dreg:$0x7] =	wrdreg s21  }
0x11: {  	s4 =	simm.s32 $0x2;
	[dreg:$0x8] =	wrdreg s9;
	s10 =	sadd.s32 $0x2000, s12  }
0x12: {  	s8 =	simm.s32 $0x2A00;
	s23 =	sadd.s32 $0x4000, s12;
	[dreg:$0x9] =	wrdreg s10  }
0x13: {  	s24 =	sadd.s32 $0x6000, s12;
	s25 =	sadd.s32 $0x8000, s12;
	[dreg:$0xa] =	wrdreg s23  }
0x14: {  	s26 =	sadd.s32 $0xA000, s12;
	s18 =	sadd.s32 $0xC000, s12;
	[dreg:$0xb] =	wrdreg s24  }
0x15: {  	s19 =	sadd.s32 $0xE000, s12;
	s20 =	sadd.s32 $0x10000, s12;
	[dreg:$0xc] =	wrdreg s25  }
0x16: {  	s21 =	sadd.s32 $0x12000, s12;
	s9 =	simm.s32 $0x3;
	[dreg:$0xd] =	wrdreg s26  }
0x17: {  	s23 =	smax.u32 s0, $0x1;
	s24 =	simm.s32 $0x100;
	s25 =	simm.s32 $0x80  }
0x18: {  	v0 =	vimm.f32 $0.0e+00;
	s26 =	simm.s32 $0x180;
	s0 =	simm.s32 $0x5;
	s10 =	simm.s32 $0x6  }
.LBB2_1:
0x19: {  	s14 =	rddreg [dreg:$0x5]  }
0x1a: {  	[tilespmem:s3], [sflag:$0x1] =	stream.linear.gather [hbm4b:s14+s3], $0x80, $0x38;
	[tilespmem:$0x1B200] =	vst v63  }
0x1b: {  	s15 =	rddreg [dreg:$0x6]  }
0x1c: {  	[tilespmem:s24], [sflag:$0x1] =	stream.linear.gather [hbm4b:s15+s3], $0x80, $0x38;
	[tilespmem:$0x1B200] =	vst v63  }
0x1d: {  	s16 =	rddreg [dreg:$0x7]  }
0x1e: {  	[tilespmem:s25], [sflag:$0x2] =	stream.linear.gather [hbm4b:s16+s3], $0x80, $0x38;
	[tilespmem:$0x1B200] =	vst v63  }
0x1f: {  	s17 =	rddreg [dreg:$0x8];
	s14 =	simm.s32 $0x0;
	s15 =	simm.s32 $0x200  }
0x20: {  	[tilespmem:s26], [sflag:$0x2] =	stream.linear.gather [hbm4b:s17+s3], $0x80, $0x38;
	[tilespmem:$0x1B200] =	vst v63  }
.LBB2_2:
0x21: {  	p0 =	sne.s32 s15, $0x7E00;
	[tilespmem:s14+$0x5270] =	vst v0  }
0x22: {  	[tilespmem:s14+$0x5200] =	vst v0  }
0x23: {  	[tilespmem:s14+$0x5210] =	vst v0  }
.Ltmp0:
0x24: {  	[tilespmem:s14+$0x5220] =	vst v0;
	(pc) =	sbr.rel @p0 .LBB2_2-.Ltmp0, $4  }
0x25: {  	[tilespmem:s14+$0x5230] =	vst v0  }
0x26: {  	[tilespmem:s14+$0x5240] =	vst v0  }
0x27: {  	[tilespmem:s14+$0x5250] =	vst v0  }
0x28: {  	[tilespmem:s14+$0x5260] =	vst v0;
	s14 =	sshra.s32 s15, $0x2;
	s15 =	sadd.s32 $0x200, s15  }
0x29: {  	[tilespmem:s14+$0x5270] =	vst v0  }
0x2a: {  	[tilespmem:s14+$0x5200] =	vst v0  }
0x2b: {  	[tilespmem:s14+$0x5210] =	vst v0  }
0x2c: {  	[tilespmem:s14+$0x5220] =	vst v0  }
0x2d: {  	[tilespmem:s14+$0x5230] =	vst v0  }
0x2e: {  	[tilespmem:s14+$0x5240] =	vst v0  }
0x2f: {  	[tilespmem:s14+$0x5250] =	vst v0  }
0x30: {  	[tilespmem:s14+$0x5260] =	vst v0  }
0x31: {  	_ =	swait.ge [sflag:s28], $0x80  }
0x32: {  	[sflag:s28] =	ssyncset.done $0x0  }
0x33: {  	[sflag:s28] =	ssyncadd.s32 $0xFFFFFF80  }
0x34: {  	_ =	swait.ge [sflag:s28], $0x80  }
0x35: {  	[sflag:s28] =	ssyncset.done $0x0  }
0x36: {  	[sflag:s28] =	ssyncadd.s32 $0xFFFFFF80  }
0x37: {  	[tilespmem:s30], [sflag:$0x3] =	stream.indirect.gather [hbm4b:s6+s29], $0x80, s3, s29, $0xb8;
	[tilespmem:$0x1B200] =	vst v63  }
0x38: {  	_ = 	snop  }
0x39: {  	[spmem:s12] =	stream.linear.scatter [tilespmem:s31], [sflag:$0x5], $0x2000, $0x38;
	[tilespmem:$0x1B200] =	vst v63  }
0x3a: {  	s17 =	rddreg [dreg:$0x9]  }
0x3b: {  	[spmem:s17] =	stream.linear.scatter [tilespmem:s31], [sflag:$0x5], $0x2000, $0x38;
	[tilespmem:$0x1B200] =	vst v63  }
0x3c: {  	s15 =	rddreg [dreg:$0xa]  }
0x3d: {  	[spmem:s15] =	stream.linear.scatter [tilespmem:s31], [sflag:$0x5], $0x2000, $0x38;
	[tilespmem:$0x1B200] =	vst v63  }
0x3e: {  	s16 =	rddreg [dreg:$0xb]  }
0x3f: {  	[spmem:s16] =	stream.linear.scatter [tilespmem:s31], [sflag:$0x5], $0x2000, $0x38;
	[tilespmem:$0x1B200] =	vst v63  }
0x40: {  	s17 =	rddreg [dreg:$0xc]  }
0x41: {  	[spmem:s17] =	stream.linear.scatter [tilespmem:s31], [sflag:$0x5], $0x2000, $0x38;
	[tilespmem:$0x1B200] =	vst v63  }
0x42: {  	s15 =	rddreg [dreg:$0xd]  }
0x43: {  	[spmem:s15] =	stream.linear.scatter [tilespmem:s31], [sflag:$0x5], $0x2000, $0x38;
	[tilespmem:$0x1B200] =	vst v63  }
0x44: {  	_ = 	snop  }
0x45: {  	[spmem:s18] =	stream.linear.scatter [tilespmem:s31], [sflag:$0x5], $0x2000, $0x38;
	[tilespmem:$0x1B200] =	vst v63  }
0x46: {  	_ = 	snop  }
0x47: {  	[spmem:s19] =	stream.linear.scatter [tilespmem:s31], [sflag:$0x5], $0x2000, $0x38;
	[tilespmem:$0x1B200] =	vst v63  }
0x48: {  	_ = 	snop  }
0x49: {  	[spmem:s20] =	stream.linear.scatter [tilespmem:s31], [sflag:$0x5], $0x2000, $0x38;
	[tilespmem:$0x1B200] =	vst v63  }
0x4a: {  	_ = 	snop  }
0x4b: {  	[spmem:s21] =	stream.linear.scatter [tilespmem:s31], [sflag:$0x5], $0x2000, $0x38;
	[tilespmem:$0x1B200] =	vst v63  }
0x4c: {  	_ =	swait.ge [sflag:s0], $0x2000  }
0x4d: {  	[sflag:s0] =	ssyncset.done $0x0  }
0x4e: {  	[sflag:s0] =	ssyncadd.s32 $0xFFFFE000  }
0x4f: {  	_ =	swait.ge [sflag:s0], $0x2000  }
0x50: {  	[sflag:s0] =	ssyncset.done $0x0  }
0x51: {  	[sflag:s0] =	ssyncadd.s32 $0xFFFFE000  }
0x52: {  	_ =	swait.ge [sflag:s0], $0x2000  }
0x53: {  	[sflag:s0] =	ssyncset.done $0x0  }
0x54: {  	[sflag:s0] =	ssyncadd.s32 $0xFFFFE000  }
0x55: {  	_ =	swait.ge [sflag:s0], $0x2000  }
0x56: {  	[sflag:s0] =	ssyncset.done $0x0  }
0x57: {  	[sflag:s0] =	ssyncadd.s32 $0xFFFFE000  }
0x58: {  	_ =	swait.ge [sflag:s0], $0x2000  }
0x59: {  	[sflag:s0] =	ssyncset.done $0x0  }
0x5a: {  	[sflag:s0] =	ssyncadd.s32 $0xFFFFE000  }
0x5b: {  	_ =	swait.ge [sflag:s0], $0x2000  }
0x5c: {  	[sflag:s0] =	ssyncset.done $0x0  }
0x5d: {  	[sflag:s0] =	ssyncadd.s32 $0xFFFFE000  }
0x5e: {  	_ =	swait.ge [sflag:s0], $0x2000  }
0x5f: {  	[sflag:s0] =	ssyncset.done $0x0  }
0x60: {  	[sflag:s0] =	ssyncadd.s32 $0xFFFFE000  }
0x61: {  	_ =	swait.ge [sflag:s0], $0x2000  }
0x62: {  	[sflag:s0] =	ssyncset.done $0x0  }
0x63: {  	[sflag:s0] =	ssyncadd.s32 $0xFFFFE000  }
0x64: {  	_ =	swait.ge [sflag:s0], $0x2000  }
0x65: {  	[sflag:s0] =	ssyncset.done $0x0  }
0x66: {  	[sflag:s0] =	ssyncadd.s32 $0xFFFFE000  }
0x67: {  	_ =	swait.ge [sflag:s0], $0x2000  }
0x68: {  	[sflag:s0] =	ssyncset.done $0x0  }
0x69: {  	[sflag:s0] =	ssyncadd.s32 $0xFFFFE000  }
0x6a: {  	[bflag:$0x0] =	sbarrier.arrive $0xFFFF  }
0x6b: {  	_ =	swait.ge [sflag:s4], $0x80  }
0x6c: {  	[sflag:s4] =	ssyncset.done $0x0  }
0x6d: {  	[sflag:s4] =	ssyncadd.s32 $0xFFFFFF80  }
0x6e: {  	_ =	swait.ge [sflag:s4], $0x80  }
0x6f: {  	[sflag:s4] =	ssyncset.done $0x0  }
0x70: {  	[sflag:s4] =	ssyncadd.s32 $0xFFFFFF80  }
0x71: {  	[tilespmem:s8], [sflag:$0x4] =	stream.indirect.gather [hbm4b:s6+s29], $0x80, s25, s29, $0xb8;
	[tilespmem:$0x1B200] =	vst v63  }
0x72: {  	s16 =	simm.s32 $0x100;
	_ =	swait.ge [sflag:s9], $0x2800  }
0x73: {  	s15 =	sand.u32 $0x7C00, s16;
	[sflag:s9] =	ssyncset.done $0x0  }
0x74: {  	s14 =	sand.u32 $0x300, s16;
	s15 =	sadd.s32 s7, s15;
	[sflag:s9] =	ssyncadd.s32 $0xFFFFD800  }
0x75: {  	[spmem:s2] =	stream.indirect.scatter.add.f32 [tilespmem:s30], [sflag:$0x6], $0x80, s24, s29, $0xb8;
	[tilespmem:$0x1B200] =	vst v63  }
0x76: {  	s14 =	sor.u32 s14, s15;
	_ =	swait.ge [sflag:s10], $0x2800  }
0x77: {  	s14 =	sshrl.u32 s14, $0x3;
	[sflag:s10] =	ssyncset.done $0x0  }
0x78: {  	s17 =	sadd.s32 s1, s14;
	[sflag:s10] =	ssyncadd.s32 $0xFFFFD800  }
0x79: {  	[tilespmem:s3], [sflag:$0x1] =	stream.linear.gather [hbm4b:s17+s3], $0x80, $0x38;
	[tilespmem:$0x1B200] =	vst v63  }
0x7a: {  	s14 =	sadd.s32 s5, s14  }
0x7b: {  	[tilespmem:s24], [sflag:$0x1] =	stream.linear.gather [hbm4b:s14+s3], $0x80, $0x38;
	[tilespmem:$0x1B200] =	vst v63  }
0x7c: {  	_ =	swait.ge [sflag:s28], $0x80  }
0x7d: {  	[sflag:s28] =	ssyncset.done $0x0  }
0x7e: {  	[sflag:s28] =	ssyncadd.s32 $0xFFFFFF80  }
0x7f: {  	_ =	swait.ge [sflag:s28], $0x80  }
0x80: {  	[sflag:s28] =	ssyncset.done $0x0  }
0x81: {  	[sflag:s28] =	ssyncadd.s32 $0xFFFFFF80  }
0x82: {  	[tilespmem:s30], [sflag:$0x3] =	stream.indirect.gather [hbm4b:s6+s29], $0x80, s3, s29, $0xb8;
	[tilespmem:$0x1B200] =	vst v63  }
0x83: {  	s16 =	simm.s32 $0x180;
	_ =	swait.ge [sflag:s11], $0x2800  }
0x84: {  	s17 =	sand.u32 $0x7C00, s16;
	[sflag:s11] =	ssyncset.done $0x0  }
0x85: {  	s15 =	sadd.s32 s7, s17;
	s14 =	sand.u32 $0x380, s16;
	[sflag:s11] =	ssyncadd.s32 $0xFFFFD800  }
0x86: {  	[spmem:s2] =	stream.indirect.scatter.add.f32 [tilespmem:s8], [sflag:$0x6], $0x80, s26, s29, $0xb8;
	[tilespmem:$0x1B200] =	vst v63  }
0x87: {  	s14 =	sor.u32 s14, s15;
	_ =	swait.ge [sflag:s10], $0x2800  }
0x88: {  	s15 =	sshrl.u32 s14, $0x3;
	[sflag:s10] =	ssyncset.done $0x0  }
0x89: {  	s14 =	sadd.s32 s1, s15;
	[sflag:s10] =	ssyncadd.s32 $0xFFFFD800  }
0x8a: {  	[tilespmem:s25], [sflag:$0x2] =	stream.linear.gather [hbm4b:s14+s3], $0x80, $0x38;
	[tilespmem:$0x1B200] =	vst v63  }
0x8b: {  	s16 =	sadd.s32 s5, s15;
	s14 =	simm.s32 $0x280  }
.LBB2_4:
0x8c: {  	p0 =	sne.s32 s14, $0x3E80;
	s15 =	smov.u32 s14;
	s14 =	sadd.s32 $0x100, s14  }
0x8d: {  	[tilespmem:s26], [sflag:$0x2] =	stream.linear.gather [hbm4b:s16+s3], $0x80, $0x38;
	[tilespmem:$0x1B200] =	vst v63  }
0x8e: {  	_ =	swait.ge [sflag:s4], $0x80  }
0x8f: {  	[sflag:s4] =	ssyncset.done $0x0  }
0x90: {  	[sflag:s4] =	ssyncadd.s32 $0xFFFFFF80  }
0x91: {  	_ =	swait.ge [sflag:s4], $0x80  }
0x92: {  	[sflag:s4] =	ssyncset.done $0x0  }
0x93: {  	[sflag:s4] =	ssyncadd.s32 $0xFFFFFF80  }
0x94: {  	[tilespmem:s8], [sflag:$0x4] =	stream.indirect.gather [hbm4b:s6+s29], $0x80, s25, s29, $0xb8;
	[tilespmem:$0x1B200] =	vst v63  }
0x95: {  	_ =	swait.ge [sflag:s9], $0x2800  }
0x96: {  	s16 =	sadd.s32 $0xFFFFFF80, s15;
	[sflag:s9] =	ssyncset.done $0x0  }
0x97: {  	s17 =	sand.u32 $0x7C00, s16;
	s16 =	sand.u32 $0x300, s16;
	[sflag:s9] =	ssyncadd.s32 $0xFFFFD800  }
0x98: {  	[spmem:s2] =	stream.indirect.scatter.add.f32 [tilespmem:s30], [sflag:$0x6], $0x80, s24, s29, $0xb8;
	[tilespmem:$0x1B200] =	vst v63  }
0x99: {  	s17 =	sadd.s32 s7, s17;
	_ =	swait.ge [sflag:s10], $0x2800  }
0x9a: {  	s16 =	sor.u32 s16, s17;
	[sflag:s10] =	ssyncset.done $0x0  }
0x9b: {  	s16 =	sshrl.u32 s16, $0x3;
	[sflag:s10] =	ssyncadd.s32 $0xFFFFD800  }
0x9c: {  	s17 =	sadd.s32 s1, s16;
	s16 =	sadd.s32 s5, s16  }
0x9d: {  	[tilespmem:s3], [sflag:$0x1] =	stream.linear.gather [hbm4b:s17+s3], $0x80, $0x38;
	[tilespmem:$0x1B200] =	vst v63  }
0x9e: {  	_ = 	snop  }
0x9f: {  	[tilespmem:s24], [sflag:$0x1] =	stream.linear.gather [hbm4b:s16+s3], $0x80, $0x38;
	[tilespmem:$0x1B200] =	vst v63  }
0xa0: {  	_ =	swait.ge [sflag:s28], $0x80  }
0xa1: {  	[sflag:s28] =	ssyncset.done $0x0  }
0xa2: {  	[sflag:s28] =	ssyncadd.s32 $0xFFFFFF80  }
0xa3: {  	_ =	swait.ge [sflag:s28], $0x80  }
0xa4: {  	[sflag:s28] =	ssyncset.done $0x0  }
0xa5: {  	[sflag:s28] =	ssyncadd.s32 $0xFFFFFF80  }
0xa6: {  	[tilespmem:s30], [sflag:$0x3] =	stream.indirect.gather [hbm4b:s6+s29], $0x80, s3, s29, $0xb8;
	[tilespmem:$0x1B200] =	vst v63  }
0xa7: {  	_ =	swait.ge [sflag:s11], $0x2800  }
0xa8: {  	s16 =	sand.u32 $0x7C00, s15;
	[sflag:s11] =	ssyncset.done $0x0  }
0xa9: {  	s15 =	sand.u32 $0x380, s15;
	s16 =	sadd.s32 s7, s16;
	[sflag:s11] =	ssyncadd.s32 $0xFFFFD800  }
0xaa: {  	[spmem:s2] =	stream.indirect.scatter.add.f32 [tilespmem:s8], [sflag:$0x6], $0x80, s26, s29, $0xb8;
	[tilespmem:$0x1B200] =	vst v63  }
.Ltmp1:
0xab: {  	_ = 	snop;
	(pc) =	sbr.rel @p0 .LBB2_4-.Ltmp1, $4  }
0xac: {  	s15 =	sor.u32 s15, s16;
	_ =	swait.ge [sflag:s10], $0x2800  }
0xad: {  	s15 =	sshrl.u32 s15, $0x3;
	[sflag:s10] =	ssyncset.done $0x0  }
0xae: {  	s17 =	sadd.s32 s1, s15;
	s16 =	sadd.s32 s5, s15;
	[sflag:s10] =	ssyncadd.s32 $0xFFFFD800  }
0xaf: {  	[tilespmem:s25], [sflag:$0x2] =	stream.linear.gather [hbm4b:s17+s3], $0x80, $0x38;
	[tilespmem:$0x1B200] =	vst v63  }
0xb0: {  	[tilespmem:s26], [sflag:$0x2] =	stream.linear.gather [hbm4b:s16+s3], $0x80, $0x38;
	[tilespmem:$0x1B200] =	vst v63  }
0xb1: {  	_ =	swait.ge [sflag:s9], $0x2800  }
0xb2: {  	[sflag:s9] =	ssyncset.done $0x0  }
0xb3: {  	[sflag:s9] =	ssyncadd.s32 $0xFFFFD800  }
0xb4: {  	[spmem:s2] =	stream.indirect.scatter.add.f32 [tilespmem:s30], [sflag:$0x6], $0x80, s24, s29, $0xb8;
	[tilespmem:$0x1B200] =	vst v63  }
0xb5: {  	_ =	swait.ge [sflag:s10], $0x2800  }
0xb6: {  	[sflag:s10] =	ssyncset.done $0x0  }
0xb7: {  	[sflag:s10] =	ssyncadd.s32 $0xFFFFD800  }
0xb8: {  	_ =	swait.ge [sflag:s4], $0x80  }
0xb9: {  	[sflag:s4] =	ssyncset.done $0x0  }
0xba: {  	[sflag:s4] =	ssyncadd.s32 $0xFFFFFF80  }
0xbb: {  	s14 =	stileid.u32;
	_ =	swait.ge [sflag:s4], $0x80  }
0xbc: {  	s15 =	sshrl.u32 s12, $0x3;
	s13 =	sadd.s32 $0x1, s13;
	[sflag:s4] =	ssyncset.done $0x0  }
0xbd: {  	s14 =	sshll.u32 s14, $0x6;
	p0 =	sne.s32 s13, s23;
	[sflag:s4] =	ssyncadd.s32 $0xFFFFFF80  }
.Ltmp2:
0xbe: {  	s14 =	sor.u32 $0x1C06, s14;
	[bflag:$0x0] =	sbarrier.arrive $0xFFFF;
	(pc) =	sbr.rel @p0 .LBB2_1-.Ltmp2, $4  }
0xbf: {  	[hbm:s22], [sflag:s14] =	dma.local [spmem:s15], $0x2800  }
0xc0: {  	_ =	swait.ge [sflag:s10], $0x2800  }
0xc1: {  	[sflag:s10] =	ssyncset.done $0x0  }
0xc2: {  	[sflag:s10] =	ssyncadd.s32 $0xFFFFD800  }
0xc3: {  	_ =	sfence.sel $0x180000  }
0xc4: {  	[bflag:$0x0] =	sbarrier.arrive $0xFFFF  }
0xc5: {  	_ =	strace $0x9000004D  }
0xc6: {  	s0 =	stileid.u32;
	[bflag:$0x2] =	sbarrier.arrive $0xFFFF  }
0xc7: {  	p0 =	sne.s32 s0, $0x0;
	s0 =	rddreg [dreg:$0x4]  }
0xc8: {  	s0 =	sadd.s32 @!p0 $0x100000, s0  }
0xc9: {  	[sflag:s0] =	ssyncadd.tile.s32 @!p0 $0x1;
	_ =	shalt  }
.Lfunc_end2:
_tile_overlayer_lowered:
.L_overlay_start_2:
0xca: {  	(tag) =	ssettag $0x2  }
0xcb: {  	s0 =	rddreg [dreg:$0x0];
	s2 =	stileid.u32  }
0xcc: {  	s1 =	rddreg [dreg:$0x1];
	p0 =	sne.s32 s2, $0x0  }
0xcd: {  	s3 =	rddreg [dreg:$0x2];
	[bflag:$0x3] =	sbarrier.arrive $0xFFFF;
	s2 =	simm.s32 @!p0 $0x1C06  }
0xce: {  	[timem:s3], [sflag:s2] =	dma.local @!p0 [hbm:s0], s1  }
0xcf: {  	s0 =	simm.s32 @!p0 $0x6  }
0xd0: {  	_ =	swait.ge @!p0 [sflag:s0], s1  }
0xd1: {  	s1 =	ssub.s32 @!p0 $0x0, s1;
	[sflag:s0] =	ssyncset.done @!p0 $0x0  }
0xd2: {  	[sflag:s0] =	ssyncadd.s32 @!p0 s1  }
0xd3: {  	[bflag:$0x3] =	sbarrier.arrive $0xFFFF  }
0xd4: {  	_ =	shalt  }

</sc_bundles>
